<compile_context>
chip_gen: v7x
topology: tpu7x:2x2x1
jax: 0.10.2.dev20260603
libtpu: 0.0.44.dev20260713+nightly
codegen_flags: <defaults>
</compile_context>

<pallas_src>
import functools

import jax
import jax.numpy as jnp
from jax import lax
from jax.experimental import pallas as pl
from jax.experimental.pallas import tpu as pltpu
from jax.experimental.pallas import tpu_sc as plsc

N_NODES = 10000
N_EDGES = 320000
H = 128

NC = 2
NS = 16
NW = NC * NS

CH = 2
E_CHUNK = N_EDGES // CH
EPW = E_CHUNK // NW

SUB = 40
NB = 1
GRP = SUB * NB
NGRP = EPW // GRP

SUB_S = 40
NBS = 5
BLK_S = SUB_S * NBS
NBLK_S = EPW // BLK_S
NGRP_S = EPW // SUB_S
NROWCH = N_NODES // BLK_S



def _premix_body(v_ref, ws_ref, wr_ref, ps_ref, pr_ref):
    v = v_ref[...]
    ps_ref[...] = jnp.dot(v, ws_ref[...], preferred_element_type=jnp.float32)
    pr_ref[...] = jnp.dot(v, wr_ref[...], preferred_element_type=jnp.float32)


def _premix(v, ws, wr):
    return pl.pallas_call(
        _premix_body,
        out_shape=(
            jax.ShapeDtypeStruct((N_NODES, H), jnp.float32),
            jax.ShapeDtypeStruct((N_NODES, H), jnp.float32),
        ),
    )(v, ws, wr)


def _combine_body(g_ref, e_ref, we_ref, b1_ref, w2_ref, b2_ref, o_ref):
    pre = (g_ref[...]
           + jnp.dot(e_ref[...], we_ref[...], preferred_element_type=jnp.float32)
           + b1_ref[...])
    h = jnp.maximum(pre, 0.0)
    o_ref[...] = jnp.dot(h, w2_ref[...], preferred_element_type=jnp.float32) + b2_ref[...]


def _combine(g, e, c, we, b1, w2, b2):
    bm = 3200
    off = c * (E_CHUNK // bm)
    return pl.pallas_call(
        _combine_body,
        grid=(E_CHUNK // bm,),
        in_specs=[
            pl.BlockSpec((bm, H), lambda i: (i, 0)),
            pl.BlockSpec((bm, H), lambda i, off=off: (i + off, 0)),
            pl.BlockSpec((H, H), lambda i: (0, 0)),
            pl.BlockSpec((1, H), lambda i: (0, 0)),
            pl.BlockSpec((H, H), lambda i: (0, 0)),
            pl.BlockSpec((1, H), lambda i: (0, 0)),
        ],
        out_specs=pl.BlockSpec((bm, H), lambda i: (i, 0)),
        out_shape=jax.ShapeDtypeStruct((E_CHUNK, H), jnp.float32),
    )(g, e, we, b1.reshape(1, H), w2, b2.reshape(1, H))


def _vertex_body(v_ref, p_ref, wv_ref, wa_ref, b1_ref, w2_ref, b2_ref, o_ref):
    aggr = p_ref[0]
    for i in range(1, CH * NC):
        aggr = aggr + p_ref[i]
    pre = (jnp.dot(v_ref[...], wv_ref[...], preferred_element_type=jnp.float32)
           + jnp.dot(aggr, wa_ref[...], preferred_element_type=jnp.float32)
           + b1_ref[...])
    h = jnp.maximum(pre, 0.0)
    o_ref[...] = jnp.dot(h, w2_ref[...], preferred_element_type=jnp.float32) + b2_ref[...]


def _vertex_mlp(v, partials, wv, wa, b1, w2, b2):
    return pl.pallas_call(
        _vertex_body,
        out_shape=jax.ShapeDtypeStruct((N_NODES, H), jnp.float32),
    )(v, partials, wv, wa, b1.reshape(1, H), w2, b2.reshape(1, H))



def _gather_add(ps, pr, sidx, ridx):
    mesh = plsc.VectorSubcoreMesh(core_axis_name="c", subcore_axis_name="s")

    @functools.partial(
        pl.kernel,
        out_type=jax.ShapeDtypeStruct((E_CHUNK, H), jnp.float32),
        mesh=mesh,
        scratch_types=[
            pltpu.VMEM((NGRP * NB, SUB), jnp.int32),
            pltpu.VMEM((NGRP * NB, SUB), jnp.int32),
            pltpu.VMEM((GRP, H), jnp.float32),
            pltpu.VMEM((GRP, H), jnp.float32),
            pltpu.VMEM((GRP, H), jnp.float32),
            pltpu.VMEM((GRP, H), jnp.float32),
            pltpu.SemaphoreType.DMA,
            pltpu.SemaphoreType.DMA,
            pltpu.SemaphoreType.DMA,
            pltpu.SemaphoreType.DMA,
        ],
    )
    def k(ps_hbm, pr_hbm, s_hbm, r_hbm, out_hbm,
          si_v, ri_v, bs0, br0, bs1, br1, semg0, semg1, semo0, semo1):
        wid = lax.axis_index("s") * NC + lax.axis_index("c")
        pltpu.sync_copy(s_hbm.at[wid], si_v)
        pltpu.sync_copy(r_hbm.at[wid], ri_v)
        row0 = wid * NGRP

        def fire(g, bs, br, semg):
            for j in range(NB):
                pltpu.async_copy(ps_hbm.at[si_v.at[g * NB + j]],
                                 bs.at[pl.ds(j * SUB, SUB)], semg)
                pltpu.async_copy(pr_hbm.at[ri_v.at[g * NB + j]],
                                 br.at[pl.ds(j * SUB, SUB)], semg)

        def out_slice(g):
            return out_hbm.at[pl.ds((row0 + g) * GRP, GRP)]

        def finish(g, bs, br, semg, semo):
            for j in range(2 * NB):
                pltpu.make_async_copy(ps_hbm.at[si_v.at[0]],
                                      bs.at[pl.ds(0, SUB)], semg).wait()

            def addb(e, _):
                for cc in range(H // 16):
                    sl = pl.ds(cc * 16, 16)
                    plsc.addupdate(bs.at[e, sl], br[e, sl])
                return 0

            lax.fori_loop(0, GRP, addb, 0)
            pltpu.async_copy(bs, out_slice(g), semo)

        def wait_out(g, bs, semo):
            pltpu.make_async_copy(bs, out_slice(g), semo).wait()

        fire(0, bs0, br0, semg0)

        def body(k2, _):
            g0 = 2 * k2

            @pl.when(k2 > 0)
            def _():
                wait_out(g0 - 1, bs1, semo1)

            @pl.when(g0 + 1 < NGRP)
            def _():
                fire(g0 + 1, bs1, br1, semg1)

            finish(g0, bs0, br0, semg0, semo0)

            @pl.when(g0 + 2 < NGRP)
            def _():
                wait_out(g0, bs0, semo0)
                fire(g0 + 2, bs0, br0, semg0)

            @pl.when(g0 + 1 < NGRP)
            def _():
                finish(g0 + 1, bs1, br1, semg1, semo1)

            return 0

        lax.fori_loop(0, (NGRP + 1) // 2, body, 0)
        if NGRP % 2 == 0:
            wait_out(NGRP - 2, bs0, semo0)
            wait_out(NGRP - 1, bs1, semo1)
        else:
            wait_out(NGRP - 1, bs0, semo0)

    return k(ps, pr, sidx, ridx)


def _scatter_add(newe, ridx):
    mesh = plsc.VectorSubcoreMesh(core_axis_name="c", subcore_axis_name="s")

    @functools.partial(
        pl.kernel,
        out_type=jax.ShapeDtypeStruct((NC * N_NODES, H), jnp.float32),
        mesh=mesh,
        scratch_types=[
            pltpu.VMEM((NGRP_S, SUB_S), jnp.int32),
            pltpu.VMEM((BLK_S, H), jnp.float32),
            pltpu.VMEM_SHARED((N_NODES, H), jnp.float32),
        ],
    )
    def k(e_hbm, r_hbm, out_hbm, ri_v, d0, acc_sh):
        cid = lax.axis_index("c")
        sid = lax.axis_index("s")
        wid = sid * NC + cid
        pltpu.sync_copy(r_hbm.at[wid], ri_v)

        def zb(e, _):
            for cc in range(H // 16):
                d0[e, pl.ds(cc * 16, 16)] = jnp.zeros((16,), jnp.float32)
            return 0

        lax.fori_loop(0, BLK_S, zb, 0)
        for j in range(4):
            ch = sid + NS * j

            @pl.when(ch < NROWCH)
            def _():
                pltpu.sync_copy(d0, acc_sh.at[pl.ds(ch * BLK_S, BLK_S)])

        plsc.subcore_barrier()

        ebase = wid * EPW

        def body(b, _):
            pltpu.sync_copy(e_hbm.at[pl.ds(ebase + b * BLK_S, BLK_S)], d0)
            for j in range(NBS):
                pltpu.sync_copy(d0.at[pl.ds(j * SUB_S, SUB_S)],
                                acc_sh.at[ri_v.at[b * NBS + j]], add=True)
            return 0

        lax.fori_loop(0, NBLK_S, body, 0)
        plsc.subcore_barrier()

        for j in range(4):
            ch = sid + NS * j

            @pl.when(ch < NROWCH)
            def _():
                pltpu.sync_copy(acc_sh.at[pl.ds(ch * BLK_S, BLK_S)],
                                out_hbm.at[pl.ds(cid * N_NODES + ch * BLK_S, BLK_S)])

    return k(newe, ridx)



def kernel(vertex_features, edge_features, edge_index, eW1, eb1, eW2, eb2,
           vW1, vb1, vW2, vb2):
    senders = edge_index[0].astype(jnp.int32)
    receivers = edge_index[1].astype(jnp.int32)
    sidx = senders.reshape(CH, NW, NGRP * NB, SUB)
    ridx = receivers.reshape(CH, NW, NGRP * NB, SUB)
    ridx_s = receivers.reshape(CH, NW, NGRP_S, SUB_S)
    ws, wr, we = eW1[:H], eW1[H:2 * H], eW1[2 * H:]
    ps, pr = _premix(vertex_features, ws, wr)
    new_e, parts = [], []
    for c in range(CH):
        g = _gather_add(ps, pr, sidx[c], ridx[c])
        new_e.append(_combine(g, edge_features, c, we, eb1, eW2, eb2))
        parts.append(_scatter_add(new_e[c], ridx_s[c]))
    new_edge = jnp.concatenate(new_e, axis=0)
    partials = jnp.stack(parts).reshape(CH * NC, N_NODES, H)
    new_vertex = _vertex_mlp(vertex_features, partials, vW1[:H], vW1[H:],
                             vb1, vW2, vb2)
    return (new_vertex, new_edge)

# --- scband reference (transcript-rebuilt; emitter-appended) ---
"""Pipeline reference for scband-gnlayer-13391708029602 (READ-ONLY COPY).

The authoritative reference and input builder live on the scoring server;
editing this copy changes nothing except your own understanding.
"""

import jax, jax.numpy as jnp
import numpy as np

N_NODES = 10000
N_EDGES = 320000
HIDDEN = 128

def _mlp(x, W1, b1, W2, b2):
    h = jnp.maximum(x @ W1 + b1, 0.0)
    return h @ W2 + b2

def setup_inputs(seed: int = 0) -> dict:
    key = jax.random.key(seed)
    ks = jax.random.split(key, 12)
    vertex_features = jax.random.normal(ks[0], (N_NODES, HIDDEN), dtype=jnp.float32)
    edge_features = jax.random.normal(ks[1], (N_EDGES, HIDDEN), dtype=jnp.float32)
    edge_index = jax.random.randint(ks[2], (2, N_EDGES), 0, N_NODES, dtype=jnp.int64 if jax.config.jax_enable_x64 else jnp.int32)
    # edge MLP: in = hidden*3 -> hidden -> hidden
    def glorot(k, shape):
        fan_in, fan_out = shape[0], shape[1]
        s = jnp.sqrt(2.0 / (fan_in + fan_out))
        return jax.random.normal(k, shape, dtype=jnp.float32) * s
    eW1 = glorot(ks[3], (HIDDEN * 3, HIDDEN)); eb1 = jnp.zeros((HIDDEN,), jnp.float32)
    eW2 = glorot(ks[4], (HIDDEN, HIDDEN)); eb2 = jnp.zeros((HIDDEN,), jnp.float32)
    # vertex MLP: in = hidden*2 -> hidden -> hidden
    vW1 = glorot(ks[5], (HIDDEN * 2, HIDDEN)); vb1 = jnp.zeros((HIDDEN,), jnp.float32)
    vW2 = glorot(ks[6], (HIDDEN, HIDDEN)); vb2 = jnp.zeros((HIDDEN,), jnp.float32)
    return {
        "vertex_features": vertex_features,
        "edge_features": edge_features,
        "edge_index": edge_index,
        "eW1": eW1, "eb1": eb1, "eW2": eW2, "eb2": eb2,
        "vW1": vW1, "vb1": vb1, "vW2": vW2, "vb2": vb2,
    }

def reference(vertex_features, edge_features, edge_index, eW1, eb1, eW2, eb2, vW1, vb1, vW2, vb2):
    senders_idx = edge_index[0]
    receivers_idx = edge_index[1]
    # EdgeModule
    senders_features = jnp.take(vertex_features, senders_idx, axis=0)
    receivers_features = jnp.take(vertex_features, receivers_idx, axis=0)
    collected = jnp.concatenate([senders_features, receivers_features, edge_features], axis=-1)
    new_edge_features = _mlp(collected, eW1, eb1, eW2, eb2)
    # VertexModule
    num_vertex = vertex_features.shape[0]
    aggr = jax.ops.segment_sum(new_edge_features, receivers_idx, num_segments=num_vertex)
    collected_v = jnp.concatenate([vertex_features, aggr], axis=-1)
    new_vertex_features = _mlp(collected_v, vW1, vb1, vW2, vb2)
    return (new_vertex_features, new_edge_features)

if __name__ == "__main__":
    import jax
    _d = setup_inputs()
    print(jax.jit(kernel)(*tuple(_d.values())))

</pallas_src>

<mosaic_0001>
#map = affine_map<(d0, d1) -> (0, 0)>
#map1 = affine_map<(d0, d1) -> (0, 0, 0)>
module attributes {stable_mosaic.version = 14 : i64} {
  func.func @k(%arg0: i32, %arg1: i32, %arg2: memref<160000x128xf32, #tpu.memory_space<hbm>>, %arg3: memref<32x125x40xi32, #tpu.memory_space<hbm>>, %arg4: memref<20000x128xf32, #tpu.memory_space<hbm>>, %arg5: memref<125x40xi32, #tpu.memory_space<vmem>>, %arg6: memref<200x128xf32, #tpu.memory_space<vmem>>, %arg7: memref<10000x128xf32, #tpu.memory_space<vmem_shared>>) attributes {dimension_semantics = [#tpu.dimension_semantics<core_parallel>, #tpu.dimension_semantics<subcore_parallel>], iteration_bounds = array<i64: 2, 16>, scalar_prefetch = 0 : i64, scratch_operands = 3 : i64, tpu.core_type = #tpu.core_type<sc_vector_subcore>, window_params = [{transform_indices = #map}, {transform_indices = #map1}, {transform_indices = #map}]} {
    %mul3A = arith.constant 2 : i32
    %mul3A_0 = arith.muli %arg1, %mul3A : i32
    %add3A = arith.addi %mul3A_0, %arg0 : i32
    "tpu.region"() ({
      %run_scoped3A = tpu.sem_alloc : memref<!tpu.dma_semaphore, #tpu.memory_space<semaphore_mem>>
      %dma_start3A = arith.constant 0 : i32
      %dma_start3A_70 = arith.constant 0 : i32
      %dma_start3A_71 = tpu.memref_slice %arg3[%add3A, %dma_start3A, %dma_start3A_70] : memref<32x125x40xi32, #tpu.memory_space<hbm>> -> memref<1x125x40xi32, #tpu.memory_space<hbm>>
      %dma_start3A_72 = tpu.memref_squeeze %dma_start3A_71 : memref<1x125x40xi32, #tpu.memory_space<hbm>> -> memref<125x40xi32, #tpu.memory_space<hbm>>
      %dma_start3A_73 = arith.constant 0 : i32
      %dma_start3A_74 = arith.constant 0 : i32
      %dma_start3A_75 = tpu.memref_slice %arg3[%add3A, %dma_start3A_73, %dma_start3A_74] : memref<32x125x40xi32, #tpu.memory_space<hbm>> -> memref<1x125x40xi32, #tpu.memory_space<hbm>>
      %dma_start3A_76 = tpu.memref_squeeze %dma_start3A_75 : memref<1x125x40xi32, #tpu.memory_space<hbm>> -> memref<125x40xi32, #tpu.memory_space<hbm>>
      tpu.enqueue_dma source(%dma_start3A_76 : memref<125x40xi32, #tpu.memory_space<hbm>>) target(%arg5 : memref<125x40xi32, #tpu.memory_space<vmem>>) target_semaphore(%run_scoped3A : memref<!tpu.dma_semaphore, #tpu.memory_space<semaphore_mem>>)
      %dma_wait3A = arith.constant 0 : i32
      %dma_wait3A_77 = arith.constant 0 : i32
      %dma_wait3A_78 = tpu.memref_slice %arg3[%add3A, %dma_wait3A, %dma_wait3A_77] : memref<32x125x40xi32, #tpu.memory_space<hbm>> -> memref<1x125x40xi32, #tpu.memory_space<hbm>>
      %dma_wait3A_79 = tpu.memref_squeeze %dma_wait3A_78 : memref<1x125x40xi32, #tpu.memory_space<hbm>> -> memref<125x40xi32, #tpu.memory_space<hbm>>
      %dma_wait3A_80 = arith.constant 0 : i32
      %dma_wait3A_81 = arith.constant 0 : i32
      %dma_wait3A_82 = tpu.memref_slice %arg3[%add3A, %dma_wait3A_80, %dma_wait3A_81] : memref<32x125x40xi32, #tpu.memory_space<hbm>> -> memref<1x125x40xi32, #tpu.memory_space<hbm>>
      %dma_wait3A_83 = tpu.memref_squeeze %dma_wait3A_82 : memref<1x125x40xi32, #tpu.memory_space<hbm>> -> memref<125x40xi32, #tpu.memory_space<hbm>>
      tpu.wait_dma2 semaphore(%run_scoped3A : memref<!tpu.dma_semaphore, #tpu.memory_space<semaphore_mem>>) src(%dma_wait3A_83 : memref<125x40xi32, #tpu.memory_space<hbm>>) dst(%arg5 : memref<125x40xi32, #tpu.memory_space<vmem>>)
      tpu.yield
    }) : () -> ()
    %scan3A = arith.constant 0 : i32
    %scan3A_1 = arith.constant 0 : i32
    %scan3A_2 = arith.constant 200 : i32
    %scan3A_3 = arith.addi %scan3A_1, %scan3A_2 : i32
    %scan3A_4 = arith.constant 1 : i32
    %scan3A_5 = scf.for %scan3A_70 = %scan3A_1 to %scan3A_3 step %scan3A_4 iter_args(%scan3A_71 = %scan3A) -> (i32)  : i32 {
      %broadcast_in_dim3A = arith.constant 0.000000e+00 : f32
      %broadcast_in_dim3A_72 = vector.broadcast %broadcast_in_dim3A : f32 to vector<16xf32>
      %swap3A = arith.index_cast %scan3A_70 : i32 to index
      %swap3A_73 = arith.constant 0 : index
      %swap3A_74 = tpu.vector_load %arg6[%swap3A, %swap3A_73] {strides = array<i32>} : memref<200x128xf32, #tpu.memory_space<vmem>>, vector<1x16xf32>,
      %swap3A_75 = vector.shape_cast %swap3A_74 : vector<1x16xf32> to vector<16xf32>
      %swap3A_76 = vector.shape_cast %broadcast_in_dim3A_72 : vector<16xf32> to vector<1x16xf32>
      tpu.vector_store %arg6[%swap3A, %swap3A_73], %swap3A_76 {strides = array<i32>} : memref<200x128xf32, #tpu.memory_space<vmem>>, vector<1x16xf32>,
      %broadcast_in_dim3A_77 = arith.constant 0.000000e+00 : f32
      %broadcast_in_dim3A_78 = vector.broadcast %broadcast_in_dim3A_77 : f32 to vector<16xf32>
      %swap3A_79 = arith.index_cast %scan3A_70 : i32 to index
      %swap3A_80 = arith.constant 16 : index
      %swap3A_81 = tpu.vector_load %arg6[%swap3A_79, %swap3A_80] {strides = array<i32>} : memref<200x128xf32, #tpu.memory_space<vmem>>, vector<1x16xf32>,
      %swap3A_82 = vector.shape_cast %swap3A_81 : vector<1x16xf32> to vector<16xf32>
      %swap3A_83 = vector.shape_cast %broadcast_in_dim3A_78 : vector<16xf32> to vector<1x16xf32>
      tpu.vector_store %arg6[%swap3A_79, %swap3A_80], %swap3A_83 {strides = array<i32>} : memref<200x128xf32, #tpu.memory_space<vmem>>, vector<1x16xf32>,
      %broadcast_in_dim3A_84 = arith.constant 0.000000e+00 : f32
      %broadcast_in_dim3A_85 = vector.broadcast %broadcast_in_dim3A_84 : f32 to vector<16xf32>
      %swap3A_86 = arith.index_cast %scan3A_70 : i32 to index
      %swap3A_87 = arith.constant 32 : index
      %swap3A_88 = tpu.vector_load %arg6[%swap3A_86, %swap3A_87] {strides = array<i32>} : memref<200x128xf32, #tpu.memory_space<vmem>>, vector<1x16xf32>,
      %swap3A_89 = vector.shape_cast %swap3A_88 : vector<1x16xf32> to vector<16xf32>
      %swap3A_90 = vector.shape_cast %broadcast_in_dim3A_85 : vector<16xf32> to vector<1x16xf32>
      tpu.vector_store %arg6[%swap3A_86, %swap3A_87], %swap3A_90 {strides = array<i32>} : memref<200x128xf32, #tpu.memory_space<vmem>>, vector<1x16xf32>,
      %broadcast_in_dim3A_91 = arith.constant 0.000000e+00 : f32
      %broadcast_in_dim3A_92 = vector.broadcast %broadcast_in_dim3A_91 : f32 to vector<16xf32>
      %swap3A_93 = arith.index_cast %scan3A_70 : i32 to index
      %swap3A_94 = arith.constant 48 : index
      %swap3A_95 = tpu.vector_load %arg6[%swap3A_93, %swap3A_94] {strides = array<i32>} : memref<200x128xf32, #tpu.memory_space<vmem>>, vector<1x16xf32>,
      %swap3A_96 = vector.shape_cast %swap3A_95 : vector<1x16xf32> to vector<16xf32>
      %swap3A_97 = vector.shape_cast %broadcast_in_dim3A_92 : vector<16xf32> to vector<1x16xf32>
      tpu.vector_store %arg6[%swap3A_93, %swap3A_94], %swap3A_97 {strides = array<i32>} : memref<200x128xf32, #tpu.memory_space<vmem>>, vector<1x16xf32>,
      %broadcast_in_dim3A_98 = arith.constant 0.000000e+00 : f32
      %broadcast_in_dim3A_99 = vector.broadcast %broadcast_in_dim3A_98 : f32 to vector<16xf32>
      %swap3A_100 = arith.index_cast %scan3A_70 : i32 to index
      %swap3A_101 = arith.constant 64 : index
      %swap3A_102 = tpu.vector_load %arg6[%swap3A_100, %swap3A_101] {strides = array<i32>} : memref<200x128xf32, #tpu.memory_space<vmem>>, vector<1x16xf32>,
      %swap3A_103 = vector.shape_cast %swap3A_102 : vector<1x16xf32> to vector<16xf32>
      %swap3A_104 = vector.shape_cast %broadcast_in_dim3A_99 : vector<16xf32> to vector<1x16xf32>
      tpu.vector_store %arg6[%swap3A_100, %swap3A_101], %swap3A_104 {strides = array<i32>} : memref<200x128xf32, #tpu.memory_space<vmem>>, vector<1x16xf32>,
      %broadcast_in_dim3A_105 = arith.constant 0.000000e+00 : f32
      %broadcast_in_dim3A_106 = vector.broadcast %broadcast_in_dim3A_105 : f32 to vector<16xf32>
      %swap3A_107 = arith.index_cast %scan3A_70 : i32 to index
      %swap3A_108 = arith.constant 80 : index
      %swap3A_109 = tpu.vector_load %arg6[%swap3A_107, %swap3A_108] {strides = array<i32>} : memref<200x128xf32, #tpu.memory_space<vmem>>, vector<1x16xf32>,
      %swap3A_110 = vector.shape_cast %swap3A_109 : vector<1x16xf32> to vector<16xf32>
      %swap3A_111 = vector.shape_cast %broadcast_in_dim3A_106 : vector<16xf32> to vector<1x16xf32>
      tpu.vector_store %arg6[%swap3A_107, %swap3A_108], %swap3A_111 {strides = array<i32>} : memref<200x128xf32, #tpu.memory_space<vmem>>, vector<1x16xf32>,
      %broadcast_in_dim3A_112 = arith.constant 0.000000e+00 : f32
      %broadcast_in_dim3A_113 = vector.broadcast %broadcast_in_dim3A_112 : f32 to vector<16xf32>
      %swap3A_114 = arith.index_cast %scan3A_70 : i32 to index
      %swap3A_115 = arith.constant 96 : index
      %swap3A_116 = tpu.vector_load %arg6[%swap3A_114, %swap3A_115] {strides = array<i32>} : memref<200x128xf32, #tpu.memory_space<vmem>>, vector<1x16xf32>,
      %swap3A_117 = vector.shape_cast %swap3A_116 : vector<1x16xf32> to vector<16xf32>
      %swap3A_118 = vector.shape_cast %broadcast_in_dim3A_113 : vector<16xf32> to vector<1x16xf32>
      tpu.vector_store %arg6[%swap3A_114, %swap3A_115], %swap3A_118 {strides = array<i32>} : memref<200x128xf32, #tpu.memory_space<vmem>>, vector<1x16xf32>,
      %broadcast_in_dim3A_119 = arith.constant 0.000000e+00 : f32
      %broadcast_in_dim3A_120 = vector.broadcast %broadcast_in_dim3A_119 : f32 to vector<16xf32>
      %swap3A_121 = arith.index_cast %scan3A_70 : i32 to index
      %swap3A_122 = arith.constant 112 : index
      %swap3A_123 = tpu.vector_load %arg6[%swap3A_121, %swap3A_122] {strides = array<i32>} : memref<200x128xf32, #tpu.memory_space<vmem>>, vector<1x16xf32>,
      %swap3A_124 = vector.shape_cast %swap3A_123 : vector<1x16xf32> to vector<16xf32>
      %swap3A_125 = vector.shape_cast %broadcast_in_dim3A_120 : vector<16xf32> to vector<1x16xf32>
      tpu.vector_store %arg6[%swap3A_121, %swap3A_122], %swap3A_125 {strides = array<i32>} : memref<200x128xf32, #tpu.memory_space<vmem>>, vector<1x16xf32>,
      %scan3A_126 = arith.constant 0 : i32
      scf.yield %scan3A_126 : i32
    }
    %scan3A_6 = arith.constant 200 : i32
    %add3A_7 = arith.constant 0 : i32
    %add3A_8 = arith.addi %arg1, %add3A_7 : i32
    %lt3A = arith.constant 50 : i32
    %lt3A_9 = arith.cmpi slt, %add3A_8, %lt3A : i32
    %convert_element_type3A = arith.extui %lt3A_9 : i1 to i32
    %cond3A = arith.constant 0 : i32
    %cond3A_10 = arith.cmpi ne, %convert_element_type3A, %cond3A : i32
    scf.if %cond3A_10 {
      %mul3A_70 = arith.constant 200 : i32
      %mul3A_71 = arith.muli %add3A_8, %mul3A_70 : i32
      "tpu.region"() ({
        %run_scoped3A = tpu.sem_alloc : memref<!tpu.dma_semaphore, #tpu.memory_space<semaphore_mem>>
        %dma_start3A = arith.constant 0 : i32
        %dma_start3A_72 = tpu.memref_slice %arg7[%mul3A_71, %dma_start3A] : memref<10000x128xf32, #tpu.memory_space<vmem_shared>> -> memref<200x128xf32, #tpu.memory_space<vmem_shared>>
        %dma_start3A_73 = arith.constant 0 : i32
        %dma_start3A_74 = tpu.memref_slice %arg7[%mul3A_71, %dma_start3A_73] : memref<10000x128xf32, #tpu.memory_space<vmem_shared>> -> memref<200x128xf32, #tpu.memory_space<vmem_shared>>
        tpu.enqueue_dma source(%arg6 : memref<200x128xf32, #tpu.memory_space<vmem>>) target(%dma_start3A_74 : memref<200x128xf32, #tpu.memory_space<vmem_shared>>) target_semaphore(%run_scoped3A : memref<!tpu.dma_semaphore, #tpu.memory_space<semaphore_mem>>)
        %dma_wait3A = arith.constant 0 : i32
        %dma_wait3A_75 = tpu.memref_slice %arg7[%mul3A_71, %dma_wait3A] : memref<10000x128xf32, #tpu.memory_space<vmem_shared>> -> memref<200x128xf32, #tpu.memory_space<vmem_shared>>
        %dma_wait3A_76 = arith.constant 0 : i32
        %dma_wait3A_77 = tpu.memref_slice %arg7[%mul3A_71, %dma_wait3A_76] : memref<10000x128xf32, #tpu.memory_space<vmem_shared>> -> memref<200x128xf32, #tpu.memory_space<vmem_shared>>
        tpu.wait_dma2 semaphore(%run_scoped3A : memref<!tpu.dma_semaphore, #tpu.memory_space<semaphore_mem>>) src(%arg6 : memref<200x128xf32, #tpu.memory_space<vmem>>) dst(%dma_wait3A_77 : memref<200x128xf32, #tpu.memory_space<vmem_shared>>)
        tpu.yield
      }) : () -> ()
    } else {
    }
    %add3A_11 = arith.constant 16 : i32
    %add3A_12 = arith.addi %arg1, %add3A_11 : i32
    %lt3A_13 = arith.constant 50 : i32
    %lt3A_14 = arith.cmpi slt, %add3A_12, %lt3A_13 : i32
    %convert_element_type3A_15 = arith.extui %lt3A_14 : i1 to i32
    %cond3A_16 = arith.constant 0 : i32
    %cond3A_17 = arith.cmpi ne, %convert_element_type3A_15, %cond3A_16 : i32
    scf.if %cond3A_17 {
      %mul3A_70 = arith.constant 200 : i32
      %mul3A_71 = arith.muli %add3A_12, %mul3A_70 : i32
      "tpu.region"() ({
        %run_scoped3A = tpu.sem_alloc : memref<!tpu.dma_semaphore, #tpu.memory_space<semaphore_mem>>
        %dma_start3A = arith.constant 0 : i32
        %dma_start3A_72 = tpu.memref_slice %arg7[%mul3A_71, %dma_start3A] : memref<10000x128xf32, #tpu.memory_space<vmem_shared>> -> memref<200x128xf32, #tpu.memory_space<vmem_shared>>
        %dma_start3A_73 = arith.constant 0 : i32
        %dma_start3A_74 = tpu.memref_slice %arg7[%mul3A_71, %dma_start3A_73] : memref<10000x128xf32, #tpu.memory_space<vmem_shared>> -> memref<200x128xf32, #tpu.memory_space<vmem_shared>>
        tpu.enqueue_dma source(%arg6 : memref<200x128xf32, #tpu.memory_space<vmem>>) target(%dma_start3A_74 : memref<200x128xf32, #tpu.memory_space<vmem_shared>>) target_semaphore(%run_scoped3A : memref<!tpu.dma_semaphore, #tpu.memory_space<semaphore_mem>>)
        %dma_wait3A = arith.constant 0 : i32
        %dma_wait3A_75 = tpu.memref_slice %arg7[%mul3A_71, %dma_wait3A] : memref<10000x128xf32, #tpu.memory_space<vmem_shared>> -> memref<200x128xf32, #tpu.memory_space<vmem_shared>>
        %dma_wait3A_76 = arith.constant 0 : i32
        %dma_wait3A_77 = tpu.memref_slice %arg7[%mul3A_71, %dma_wait3A_76] : memref<10000x128xf32, #tpu.memory_space<vmem_shared>> -> memref<200x128xf32, #tpu.memory_space<vmem_shared>>
        tpu.wait_dma2 semaphore(%run_scoped3A : memref<!tpu.dma_semaphore, #tpu.memory_space<semaphore_mem>>) src(%arg6 : memref<200x128xf32, #tpu.memory_space<vmem>>) dst(%dma_wait3A_77 : memref<200x128xf32, #tpu.memory_space<vmem_shared>>)
        tpu.yield
      }) : () -> ()
    } else {
    }
    %add3A_18 = arith.constant 32 : i32
    %add3A_19 = arith.addi %arg1, %add3A_18 : i32
    %lt3A_20 = arith.constant 50 : i32
    %lt3A_21 = arith.cmpi slt, %add3A_19, %lt3A_20 : i32
    %convert_element_type3A_22 = arith.extui %lt3A_21 : i1 to i32
    %cond3A_23 = arith.constant 0 : i32
    %cond3A_24 = arith.cmpi ne, %convert_element_type3A_22, %cond3A_23 : i32
    scf.if %cond3A_24 {
      %mul3A_70 = arith.constant 200 : i32
      %mul3A_71 = arith.muli %add3A_19, %mul3A_70 : i32
      "tpu.region"() ({
        %run_scoped3A = tpu.sem_alloc : memref<!tpu.dma_semaphore, #tpu.memory_space<semaphore_mem>>
        %dma_start3A = arith.constant 0 : i32
        %dma_start3A_72 = tpu.memref_slice %arg7[%mul3A_71, %dma_start3A] : memref<10000x128xf32, #tpu.memory_space<vmem_shared>> -> memref<200x128xf32, #tpu.memory_space<vmem_shared>>
        %dma_start3A_73 = arith.constant 0 : i32
        %dma_start3A_74 = tpu.memref_slice %arg7[%mul3A_71, %dma_start3A_73] : memref<10000x128xf32, #tpu.memory_space<vmem_shared>> -> memref<200x128xf32, #tpu.memory_space<vmem_shared>>
        tpu.enqueue_dma source(%arg6 : memref<200x128xf32, #tpu.memory_space<vmem>>) target(%dma_start3A_74 : memref<200x128xf32, #tpu.memory_space<vmem_shared>>) target_semaphore(%run_scoped3A : memref<!tpu.dma_semaphore, #tpu.memory_space<semaphore_mem>>)
        %dma_wait3A = arith.constant 0 : i32
        %dma_wait3A_75 = tpu.memref_slice %arg7[%mul3A_71, %dma_wait3A] : memref<10000x128xf32, #tpu.memory_space<vmem_shared>> -> memref<200x128xf32, #tpu.memory_space<vmem_shared>>
        %dma_wait3A_76 = arith.constant 0 : i32
        %dma_wait3A_77 = tpu.memref_slice %arg7[%mul3A_71, %dma_wait3A_76] : memref<10000x128xf32, #tpu.memory_space<vmem_shared>> -> memref<200x128xf32, #tpu.memory_space<vmem_shared>>
        tpu.wait_dma2 semaphore(%run_scoped3A : memref<!tpu.dma_semaphore, #tpu.memory_space<semaphore_mem>>) src(%arg6 : memref<200x128xf32, #tpu.memory_space<vmem>>) dst(%dma_wait3A_77 : memref<200x128xf32, #tpu.memory_space<vmem_shared>>)
        tpu.yield
      }) : () -> ()
    } else {
    }
    %add3A_25 = arith.constant 48 : i32
    %add3A_26 = arith.addi %arg1, %add3A_25 : i32
    %lt3A_27 = arith.constant 50 : i32
    %lt3A_28 = arith.cmpi slt, %add3A_26, %lt3A_27 : i32
    %convert_element_type3A_29 = arith.extui %lt3A_28 : i1 to i32
    %cond3A_30 = arith.constant 0 : i32
    %cond3A_31 = arith.cmpi ne, %convert_element_type3A_29, %cond3A_30 : i32
    scf.if %cond3A_31 {
      %mul3A_70 = arith.constant 200 : i32
      %mul3A_71 = arith.muli %add3A_26, %mul3A_70 : i32
      "tpu.region"() ({
        %run_scoped3A = tpu.sem_alloc : memref<!tpu.dma_semaphore, #tpu.memory_space<semaphore_mem>>
        %dma_start3A = arith.constant 0 : i32
        %dma_start3A_72 = tpu.memref_slice %arg7[%mul3A_71, %dma_start3A] : memref<10000x128xf32, #tpu.memory_space<vmem_shared>> -> memref<200x128xf32, #tpu.memory_space<vmem_shared>>
        %dma_start3A_73 = arith.constant 0 : i32
        %dma_start3A_74 = tpu.memref_slice %arg7[%mul3A_71, %dma_start3A_73] : memref<10000x128xf32, #tpu.memory_space<vmem_shared>> -> memref<200x128xf32, #tpu.memory_space<vmem_shared>>
        tpu.enqueue_dma source(%arg6 : memref<200x128xf32, #tpu.memory_space<vmem>>) target(%dma_start3A_74 : memref<200x128xf32, #tpu.memory_space<vmem_shared>>) target_semaphore(%run_scoped3A : memref<!tpu.dma_semaphore, #tpu.memory_space<semaphore_mem>>)
        %dma_wait3A = arith.constant 0 : i32
        %dma_wait3A_75 = tpu.memref_slice %arg7[%mul3A_71, %dma_wait3A] : memref<10000x128xf32, #tpu.memory_space<vmem_shared>> -> memref<200x128xf32, #tpu.memory_space<vmem_shared>>
        %dma_wait3A_76 = arith.constant 0 : i32
        %dma_wait3A_77 = tpu.memref_slice %arg7[%mul3A_71, %dma_wait3A_76] : memref<10000x128xf32, #tpu.memory_space<vmem_shared>> -> memref<200x128xf32, #tpu.memory_space<vmem_shared>>
        tpu.wait_dma2 semaphore(%run_scoped3A : memref<!tpu.dma_semaphore, #tpu.memory_space<semaphore_mem>>) src(%arg6 : memref<200x128xf32, #tpu.memory_space<vmem>>) dst(%dma_wait3A_77 : memref<200x128xf32, #tpu.memory_space<vmem_shared>>)
        tpu.yield
      }) : () -> ()
    } else {
    }
    %barrier3A = arith.constant 0 : index
    tpu.barrier barrier_id(%barrier3A)
    %mul3A_32 = arith.constant 5000 : i32
    %mul3A_33 = arith.muli %add3A, %mul3A_32 : i32
    %scan3A_34 = arith.constant 0 : i32
    %scan3A_35 = arith.constant 0 : i32
    %scan3A_36 = arith.constant 25 : i32
    %scan3A_37 = arith.addi %scan3A_35, %scan3A_36 : i32
    %scan3A_38 = arith.constant 1 : i32
    %scan3A_39 = scf.for %scan3A_70 = %scan3A_35 to %scan3A_37 step %scan3A_38 iter_args(%scan3A_71 = %scan3A_34) -> (i32)  : i32 {
      %mul3A_72 = arith.constant 200 : i32
      %mul3A_73 = arith.muli %scan3A_70, %mul3A_72 : i32
      %add3A_74 = arith.addi %mul3A_33, %mul3A_73 : i32
      "tpu.region"() ({
        %run_scoped3A = tpu.sem_alloc : memref<!tpu.dma_semaphore, #tpu.memory_space<semaphore_mem>>
        %dma_start3A = arith.constant 0 : i32
        %dma_start3A_96 = tpu.memref_slice %arg2[%add3A_74, %dma_start3A] : memref<160000x128xf32, #tpu.memory_space<hbm>> -> memref<200x128xf32, #tpu.memory_space<hbm>>
        %dma_start3A_97 = arith.constant 0 : i32
        %dma_start3A_98 = tpu.memref_slice %arg2[%add3A_74, %dma_start3A_97] : memref<160000x128xf32, #tpu.memory_space<hbm>> -> memref<200x128xf32, #tpu.memory_space<hbm>>
        tpu.enqueue_dma source(%dma_start3A_98 : memref<200x128xf32, #tpu.memory_space<hbm>>) target(%arg6 : memref<200x128xf32, #tpu.memory_space<vmem>>) target_semaphore(%run_scoped3A : memref<!tpu.dma_semaphore, #tpu.memory_space<semaphore_mem>>)
        %dma_wait3A = arith.constant 0 : i32
        %dma_wait3A_99 = tpu.memref_slice %arg2[%add3A_74, %dma_wait3A] : memref<160000x128xf32, #tpu.memory_space<hbm>> -> memref<200x128xf32, #tpu.memory_space<hbm>>
        %dma_wait3A_100 = arith.constant 0 : i32
        %dma_wait3A_101 = tpu.memref_slice %arg2[%add3A_74, %dma_wait3A_100] : memref<160000x128xf32, #tpu.memory_space<hbm>> -> memref<200x128xf32, #tpu.memory_space<hbm>>
        tpu.wait_dma2 semaphore(%run_scoped3A : memref<!tpu.dma_semaphore, #tpu.memory_space<semaphore_mem>>) src(%dma_wait3A_101 : memref<200x128xf32, #tpu.memory_space<hbm>>) dst(%arg6 : memref<200x128xf32, #tpu.memory_space<vmem>>)
        tpu.yield
      }) : () -> ()
      %mul3A_75 = arith.constant 5 : i32
      %mul3A_76 = arith.muli %scan3A_70, %mul3A_75 : i32
      %add3A_77 = arith.constant 0 : i32
      %add3A_78 = arith.addi %mul3A_76, %add3A_77 : i32
      "tpu.region"() ({
        %run_scoped3A = tpu.sem_alloc : memref<!tpu.dma_semaphore, #tpu.memory_space<semaphore_mem>>
        %dma_start3A = arith.constant 0 : i32
        %dma_start3A_96 = arith.constant 0 : i32
        %dma_start3A_97 = tpu.memref_slice %arg6[%dma_start3A, %dma_start3A_96] : memref<200x128xf32, #tpu.memory_space<vmem>> -> memref<40x128xf32, #tpu.memory_space<vmem>>
        %dma_start3A_98 = arith.constant 0 : i32
        %dma_start3A_99 = tpu.memref_slice %arg5[%add3A_78, %dma_start3A_98] : memref<125x40xi32, #tpu.memory_space<vmem>> -> memref<1x40xi32, #tpu.memory_space<vmem>>
        %dma_start3A_100 = tpu.memref_squeeze %dma_start3A_99 : memref<1x40xi32, #tpu.memory_space<vmem>> -> memref<40xi32, #tpu.memory_space<vmem>>
        %dma_start3A_101 = arith.constant 0 : i32
        %dma_start3A_102 = arith.constant 0 : i32
        %dma_start3A_103 = tpu.memref_slice %arg7[%dma_start3A_101, %dma_start3A_102] : memref<10000x128xf32, #tpu.memory_space<vmem_shared>> -> memref<10000x128xf32, #tpu.memory_space<vmem_shared>>
        tpu.enqueue_indirect_dma source(%dma_start3A_97 : memref<40x128xf32, #tpu.memory_space<vmem>>) target(%dma_start3A_103 : memref<10000x128xf32, #tpu.memory_space<vmem_shared>>) offsets(%dma_start3A_100 : memref<40xi32, #tpu.memory_space<vmem>>) semaphore(%run_scoped3A : memref<!tpu.dma_semaphore, #tpu.memory_space<semaphore_mem>>) {add = true}
        %dma_wait3A = arith.constant 0 : i32
        %dma_wait3A_104 = arith.constant 0 : i32
        %dma_wait3A_105 = tpu.memref_slice %arg6[%dma_wait3A, %dma_wait3A_104] : memref<200x128xf32, #tpu.memory_space<vmem>> -> memref<40x128xf32, #tpu.memory_space<vmem>>
        %dma_wait3A_106 = arith.constant 0 : i32
        %dma_wait3A_107 = tpu.memref_slice %arg5[%add3A_78, %dma_wait3A_106] : memref<125x40xi32, #tpu.memory_space<vmem>> -> memref<1x40xi32, #tpu.memory_space<vmem>>
        %dma_wait3A_108 = tpu.memref_squeeze %dma_wait3A_107 : memref<1x40xi32, #tpu.memory_space<vmem>> -> memref<40xi32, #tpu.memory_space<vmem>>
        %dma_wait3A_109 = arith.constant 0 : i32
        %dma_wait3A_110 = arith.constant 0 : i32
        %dma_wait3A_111 = tpu.memref_slice %arg7[%dma_wait3A_109, %dma_wait3A_110] : memref<10000x128xf32, #tpu.memory_space<vmem_shared>> -> memref<10000x128xf32, #tpu.memory_space<vmem_shared>>
        tpu.wait_indirect_dma semaphore(%run_scoped3A : memref<!tpu.dma_semaphore, #tpu.memory_space<semaphore_mem>>) src(%dma_wait3A_105 : memref<40x128xf32, #tpu.memory_space<vmem>>) dst(%dma_wait3A_111 : memref<10000x128xf32, #tpu.memory_space<vmem_shared>>)
        tpu.yield
      }) : () -> ()
      %mul3A_79 = arith.constant 5 : i32
      %mul3A_80 = arith.muli %scan3A_70, %mul3A_79 : i32
      %add3A_81 = arith.constant 1 : i32
      %add3A_82 = arith.addi %mul3A_80, %add3A_81 : i32
      "tpu.region"() ({
        %run_scoped3A = tpu.sem_alloc : memref<!tpu.dma_semaphore, #tpu.memory_space<semaphore_mem>>
        %dma_start3A = arith.constant 40 : i32
        %dma_start3A_96 = arith.constant 0 : i32
        %dma_start3A_97 = tpu.memref_slice %arg6[%dma_start3A, %dma_start3A_96] : memref<200x128xf32, #tpu.memory_space<vmem>> -> memref<40x128xf32, #tpu.memory_space<vmem>>
        %dma_start3A_98 = arith.constant 0 : i32
        %dma_start3A_99 = tpu.memref_slice %arg5[%add3A_82, %dma_start3A_98] : memref<125x40xi32, #tpu.memory_space<vmem>> -> memref<1x40xi32, #tpu.memory_space<vmem>>
        %dma_start3A_100 = tpu.memref_squeeze %dma_start3A_99 : memref<1x40xi32, #tpu.memory_space<vmem>> -> memref<40xi32, #tpu.memory_space<vmem>>
        %dma_start3A_101 = arith.constant 0 : i32
        %dma_start3A_102 = arith.constant 0 : i32
        %dma_start3A_103 = tpu.memref_slice %arg7[%dma_start3A_101, %dma_start3A_102] : memref<10000x128xf32, #tpu.memory_space<vmem_shared>> -> memref<10000x128xf32, #tpu.memory_space<vmem_shared>>
        tpu.enqueue_indirect_dma source(%dma_start3A_97 : memref<40x128xf32, #tpu.memory_space<vmem>>) target(%dma_start3A_103 : memref<10000x128xf32, #tpu.memory_space<vmem_shared>>) offsets(%dma_start3A_100 : memref<40xi32, #tpu.memory_space<vmem>>) semaphore(%run_scoped3A : memref<!tpu.dma_semaphore, #tpu.memory_space<semaphore_mem>>) {add = true}
        %dma_wait3A = arith.constant 40 : i32
        %dma_wait3A_104 = arith.constant 0 : i32
        %dma_wait3A_105 = tpu.memref_slice %arg6[%dma_wait3A, %dma_wait3A_104] : memref<200x128xf32, #tpu.memory_space<vmem>> -> memref<40x128xf32, #tpu.memory_space<vmem>>
        %dma_wait3A_106 = arith.constant 0 : i32
        %dma_wait3A_107 = tpu.memref_slice %arg5[%add3A_82, %dma_wait3A_106] : memref<125x40xi32, #tpu.memory_space<vmem>> -> memref<1x40xi32, #tpu.memory_space<vmem>>
        %dma_wait3A_108 = tpu.memref_squeeze %dma_wait3A_107 : memref<1x40xi32, #tpu.memory_space<vmem>> -> memref<40xi32, #tpu.memory_space<vmem>>
        %dma_wait3A_109 = arith.constant 0 : i32
        %dma_wait3A_110 = arith.constant 0 : i32
        %dma_wait3A_111 = tpu.memref_slice %arg7[%dma_wait3A_109, %dma_wait3A_110] : memref<10000x128xf32, #tpu.memory_space<vmem_shared>> -> memref<10000x128xf32, #tpu.memory_space<vmem_shared>>
        tpu.wait_indirect_dma semaphore(%run_scoped3A : memref<!tpu.dma_semaphore, #tpu.memory_space<semaphore_mem>>) src(%dma_wait3A_105 : memref<40x128xf32, #tpu.memory_space<vmem>>) dst(%dma_wait3A_111 : memref<10000x128xf32, #tpu.memory_space<vmem_shared>>)
        tpu.yield
      }) : () -> ()
      %mul3A_83 = arith.constant 5 : i32
      %mul3A_84 = arith.muli %scan3A_70, %mul3A_83 : i32
      %add3A_85 = arith.constant 2 : i32
      %add3A_86 = arith.addi %mul3A_84, %add3A_85 : i32
      "tpu.region"() ({
        %run_scoped3A = tpu.sem_alloc : memref<!tpu.dma_semaphore, #tpu.memory_space<semaphore_mem>>
        %dma_start3A = arith.constant 80 : i32
        %dma_start3A_96 = arith.constant 0 : i32
        %dma_start3A_97 = tpu.memref_slice %arg6[%dma_start3A, %dma_start3A_96] : memref<200x128xf32, #tpu.memory_space<vmem>> -> memref<40x128xf32, #tpu.memory_space<vmem>>
        %dma_start3A_98 = arith.constant 0 : i32
        %dma_start3A_99 = tpu.memref_slice %arg5[%add3A_86, %dma_start3A_98] : memref<125x40xi32, #tpu.memory_space<vmem>> -> memref<1x40xi32, #tpu.memory_space<vmem>>
        %dma_start3A_100 = tpu.memref_squeeze %dma_start3A_99 : memref<1x40xi32, #tpu.memory_space<vmem>> -> memref<40xi32, #tpu.memory_space<vmem>>
        %dma_start3A_101 = arith.constant 0 : i32
        %dma_start3A_102 = arith.constant 0 : i32
        %dma_start3A_103 = tpu.memref_slice %arg7[%dma_start3A_101, %dma_start3A_102] : memref<10000x128xf32, #tpu.memory_space<vmem_shared>> -> memref<10000x128xf32, #tpu.memory_space<vmem_shared>>
        tpu.enqueue_indirect_dma source(%dma_start3A_97 : memref<40x128xf32, #tpu.memory_space<vmem>>) target(%dma_start3A_103 : memref<10000x128xf32, #tpu.memory_space<vmem_shared>>) offsets(%dma_start3A_100 : memref<40xi32, #tpu.memory_space<vmem>>) semaphore(%run_scoped3A : memref<!tpu.dma_semaphore, #tpu.memory_space<semaphore_mem>>) {add = true}
        %dma_wait3A = arith.constant 80 : i32
        %dma_wait3A_104 = arith.constant 0 : i32
        %dma_wait3A_105 = tpu.memref_slice %arg6[%dma_wait3A, %dma_wait3A_104] : memref<200x128xf32, #tpu.memory_space<vmem>> -> memref<40x128xf32, #tpu.memory_space<vmem>>
        %dma_wait3A_106 = arith.constant 0 : i32
        %dma_wait3A_107 = tpu.memref_slice %arg5[%add3A_86, %dma_wait3A_106] : memref<125x40xi32, #tpu.memory_space<vmem>> -> memref<1x40xi32, #tpu.memory_space<vmem>>
        %dma_wait3A_108 = tpu.memref_squeeze %dma_wait3A_107 : memref<1x40xi32, #tpu.memory_space<vmem>> -> memref<40xi32, #tpu.memory_space<vmem>>
        %dma_wait3A_109 = arith.constant 0 : i32
        %dma_wait3A_110 = arith.constant 0 : i32
        %dma_wait3A_111 = tpu.memref_slice %arg7[%dma_wait3A_109, %dma_wait3A_110] : memref<10000x128xf32, #tpu.memory_space<vmem_shared>> -> memref<10000x128xf32, #tpu.memory_space<vmem_shared>>
        tpu.wait_indirect_dma semaphore(%run_scoped3A : memref<!tpu.dma_semaphore, #tpu.memory_space<semaphore_mem>>) src(%dma_wait3A_105 : memref<40x128xf32, #tpu.memory_space<vmem>>) dst(%dma_wait3A_111 : memref<10000x128xf32, #tpu.memory_space<vmem_shared>>)
        tpu.yield
      }) : () -> ()
      %mul3A_87 = arith.constant 5 : i32
      %mul3A_88 = arith.muli %scan3A_70, %mul3A_87 : i32
      %add3A_89 = arith.constant 3 : i32
      %add3A_90 = arith.addi %mul3A_88, %add3A_89 : i32
      "tpu.region"() ({
        %run_scoped3A = tpu.sem_alloc : memref<!tpu.dma_semaphore, #tpu.memory_space<semaphore_mem>>
        %dma_start3A = arith.constant 120 : i32
        %dma_start3A_96 = arith.constant 0 : i32
        %dma_start3A_97 = tpu.memref_slice %arg6[%dma_start3A, %dma_start3A_96] : memref<200x128xf32, #tpu.memory_space<vmem>> -> memref<40x128xf32, #tpu.memory_space<vmem>>
        %dma_start3A_98 = arith.constant 0 : i32
        %dma_start3A_99 = tpu.memref_slice %arg5[%add3A_90, %dma_start3A_98] : memref<125x40xi32, #tpu.memory_space<vmem>> -> memref<1x40xi32, #tpu.memory_space<vmem>>
        %dma_start3A_100 = tpu.memref_squeeze %dma_start3A_99 : memref<1x40xi32, #tpu.memory_space<vmem>> -> memref<40xi32, #tpu.memory_space<vmem>>
        %dma_start3A_101 = arith.constant 0 : i32
        %dma_start3A_102 = arith.constant 0 : i32
        %dma_start3A_103 = tpu.memref_slice %arg7[%dma_start3A_101, %dma_start3A_102] : memref<10000x128xf32, #tpu.memory_space<vmem_shared>> -> memref<10000x128xf32, #tpu.memory_space<vmem_shared>>
        tpu.enqueue_indirect_dma source(%dma_start3A_97 : memref<40x128xf32, #tpu.memory_space<vmem>>) target(%dma_start3A_103 : memref<10000x128xf32, #tpu.memory_space<vmem_shared>>) offsets(%dma_start3A_100 : memref<40xi32, #tpu.memory_space<vmem>>) semaphore(%run_scoped3A : memref<!tpu.dma_semaphore, #tpu.memory_space<semaphore_mem>>) {add = true}
        %dma_wait3A = arith.constant 120 : i32
        %dma_wait3A_104 = arith.constant 0 : i32
        %dma_wait3A_105 = tpu.memref_slice %arg6[%dma_wait3A, %dma_wait3A_104] : memref<200x128xf32, #tpu.memory_space<vmem>> -> memref<40x128xf32, #tpu.memory_space<vmem>>
        %dma_wait3A_106 = arith.constant 0 : i32
        %dma_wait3A_107 = tpu.memref_slice %arg5[%add3A_90, %dma_wait3A_106] : memref<125x40xi32, #tpu.memory_space<vmem>> -> memref<1x40xi32, #tpu.memory_space<vmem>>
        %dma_wait3A_108 = tpu.memref_squeeze %dma_wait3A_107 : memref<1x40xi32, #tpu.memory_space<vmem>> -> memref<40xi32, #tpu.memory_space<vmem>>
        %dma_wait3A_109 = arith.constant 0 : i32
        %dma_wait3A_110 = arith.constant 0 : i32
        %dma_wait3A_111 = tpu.memref_slice %arg7[%dma_wait3A_109, %dma_wait3A_110] : memref<10000x128xf32, #tpu.memory_space<vmem_shared>> -> memref<10000x128xf32, #tpu.memory_space<vmem_shared>>
        tpu.wait_indirect_dma semaphore(%run_scoped3A : memref<!tpu.dma_semaphore, #tpu.memory_space<semaphore_mem>>) src(%dma_wait3A_105 : memref<40x128xf32, #tpu.memory_space<vmem>>) dst(%dma_wait3A_111 : memref<10000x128xf32, #tpu.memory_space<vmem_shared>>)
        tpu.yield
      }) : () -> ()
      %mul3A_91 = arith.constant 5 : i32
      %mul3A_92 = arith.muli %scan3A_70, %mul3A_91 : i32
      %add3A_93 = arith.constant 4 : i32
      %add3A_94 = arith.addi %mul3A_92, %add3A_93 : i32
      "tpu.region"() ({
        %run_scoped3A = tpu.sem_alloc : memref<!tpu.dma_semaphore, #tpu.memory_space<semaphore_mem>>
        %dma_start3A = arith.constant 160 : i32
        %dma_start3A_96 = arith.constant 0 : i32
        %dma_start3A_97 = tpu.memref_slice %arg6[%dma_start3A, %dma_start3A_96] : memref<200x128xf32, #tpu.memory_space<vmem>> -> memref<40x128xf32, #tpu.memory_space<vmem>>
        %dma_start3A_98 = arith.constant 0 : i32
        %dma_start3A_99 = tpu.memref_slice %arg5[%add3A_94, %dma_start3A_98] : memref<125x40xi32, #tpu.memory_space<vmem>> -> memref<1x40xi32, #tpu.memory_space<vmem>>
        %dma_start3A_100 = tpu.memref_squeeze %dma_start3A_99 : memref<1x40xi32, #tpu.memory_space<vmem>> -> memref<40xi32, #tpu.memory_space<vmem>>
        %dma_start3A_101 = arith.constant 0 : i32
        %dma_start3A_102 = arith.constant 0 : i32
        %dma_start3A_103 = tpu.memref_slice %arg7[%dma_start3A_101, %dma_start3A_102] : memref<10000x128xf32, #tpu.memory_space<vmem_shared>> -> memref<10000x128xf32, #tpu.memory_space<vmem_shared>>
        tpu.enqueue_indirect_dma source(%dma_start3A_97 : memref<40x128xf32, #tpu.memory_space<vmem>>) target(%dma_start3A_103 : memref<10000x128xf32, #tpu.memory_space<vmem_shared>>) offsets(%dma_start3A_100 : memref<40xi32, #tpu.memory_space<vmem>>) semaphore(%run_scoped3A : memref<!tpu.dma_semaphore, #tpu.memory_space<semaphore_mem>>) {add = true}
        %dma_wait3A = arith.constant 160 : i32
        %dma_wait3A_104 = arith.constant 0 : i32
        %dma_wait3A_105 = tpu.memref_slice %arg6[%dma_wait3A, %dma_wait3A_104] : memref<200x128xf32, #tpu.memory_space<vmem>> -> memref<40x128xf32, #tpu.memory_space<vmem>>
        %dma_wait3A_106 = arith.constant 0 : i32
        %dma_wait3A_107 = tpu.memref_slice %arg5[%add3A_94, %dma_wait3A_106] : memref<125x40xi32, #tpu.memory_space<vmem>> -> memref<1x40xi32, #tpu.memory_space<vmem>>
        %dma_wait3A_108 = tpu.memref_squeeze %dma_wait3A_107 : memref<1x40xi32, #tpu.memory_space<vmem>> -> memref<40xi32, #tpu.memory_space<vmem>>
        %dma_wait3A_109 = arith.constant 0 : i32
        %dma_wait3A_110 = arith.constant 0 : i32
        %dma_wait3A_111 = tpu.memref_slice %arg7[%dma_wait3A_109, %dma_wait3A_110] : memref<10000x128xf32, #tpu.memory_space<vmem_shared>> -> memref<10000x128xf32, #tpu.memory_space<vmem_shared>>
        tpu.wait_indirect_dma semaphore(%run_scoped3A : memref<!tpu.dma_semaphore, #tpu.memory_space<semaphore_mem>>) src(%dma_wait3A_105 : memref<40x128xf32, #tpu.memory_space<vmem>>) dst(%dma_wait3A_111 : memref<10000x128xf32, #tpu.memory_space<vmem_shared>>)
        tpu.yield
      }) : () -> ()
      %scan3A_95 = arith.constant 0 : i32
      scf.yield %scan3A_95 : i32
    }
    %scan3A_40 = arith.constant 25 : i32
    %barrier3A_41 = arith.constant 0 : index
    tpu.barrier barrier_id(%barrier3A_41)
    %add3A_42 = arith.constant 0 : i32
    %add3A_43 = arith.addi %arg1, %add3A_42 : i32
    %lt3A_44 = arith.constant 50 : i32
    %lt3A_45 = arith.cmpi slt, %add3A_43, %lt3A_44 : i32
    %convert_element_type3A_46 = arith.extui %lt3A_45 : i1 to i32
    %cond3A_47 = arith.constant 0 : i32
    %cond3A_48 = arith.cmpi ne, %convert_element_type3A_46, %cond3A_47 : i32
    scf.if %cond3A_48 {
      %mul3A_70 = arith.constant 200 : i32
      %mul3A_71 = arith.muli %add3A_43, %mul3A_70 : i32
      %mul3A_72 = arith.constant 10000 : i32
      %mul3A_73 = arith.muli %arg0, %mul3A_72 : i32
      %mul3A_74 = arith.constant 200 : i32
      %mul3A_75 = arith.muli %add3A_43, %mul3A_74 : i32
      %add3A_76 = arith.addi %mul3A_73, %mul3A_75 : i32
      "tpu.region"() ({
        %run_scoped3A = tpu.sem_alloc : memref<!tpu.dma_semaphore, #tpu.memory_space<semaphore_mem>>
        %dma_start3A = arith.constant 0 : i32
        %dma_start3A_77 = tpu.memref_slice %arg4[%add3A_76, %dma_start3A] : memref<20000x128xf32, #tpu.memory_space<hbm>> -> memref<200x128xf32, #tpu.memory_space<hbm>>
        %dma_start3A_78 = arith.constant 0 : i32
        %dma_start3A_79 = tpu.memref_slice %arg7[%mul3A_71, %dma_start3A_78] : memref<10000x128xf32, #tpu.memory_space<vmem_shared>> -> memref<200x128xf32, #tpu.memory_space<vmem_shared>>
        tpu.enqueue_dma source(%dma_start3A_79 : memref<200x128xf32, #tpu.memory_space<vmem_shared>>) target(%dma_start3A_77 : memref<200x128xf32, #tpu.memory_space<hbm>>) target_semaphore(%run_scoped3A : memref<!tpu.dma_semaphore, #tpu.memory_space<semaphore_mem>>)
        %dma_wait3A = arith.constant 0 : i32
        %dma_wait3A_80 = tpu.memref_slice %arg4[%add3A_76, %dma_wait3A] : memref<20000x128xf32, #tpu.memory_space<hbm>> -> memref<200x128xf32, #tpu.memory_space<hbm>>
        %dma_wait3A_81 = arith.constant 0 : i32
        %dma_wait3A_82 = tpu.memref_slice %arg7[%mul3A_71, %dma_wait3A_81] : memref<10000x128xf32, #tpu.memory_space<vmem_shared>> -> memref<200x128xf32, #tpu.memory_space<vmem_shared>>
        tpu.wait_dma2 semaphore(%run_scoped3A : memref<!tpu.dma_semaphore, #tpu.memory_space<semaphore_mem>>) src(%dma_wait3A_82 : memref<200x128xf32, #tpu.memory_space<vmem_shared>>) dst(%dma_wait3A_80 : memref<200x128xf32, #tpu.memory_space<hbm>>)
        tpu.yield
      }) : () -> ()
    } else {
    }
    %add3A_49 = arith.constant 16 : i32
    %add3A_50 = arith.addi %arg1, %add3A_49 : i32
    %lt3A_51 = arith.constant 50 : i32
    %lt3A_52 = arith.cmpi slt, %add3A_50, %lt3A_51 : i32
    %convert_element_type3A_53 = arith.extui %lt3A_52 : i1 to i32
    %cond3A_54 = arith.constant 0 : i32
    %cond3A_55 = arith.cmpi ne, %convert_element_type3A_53, %cond3A_54 : i32
    scf.if %cond3A_55 {
      %mul3A_70 = arith.constant 200 : i32
      %mul3A_71 = arith.muli %add3A_50, %mul3A_70 : i32
      %mul3A_72 = arith.constant 10000 : i32
      %mul3A_73 = arith.muli %arg0, %mul3A_72 : i32
      %mul3A_74 = arith.constant 200 : i32
      %mul3A_75 = arith.muli %add3A_50, %mul3A_74 : i32
      %add3A_76 = arith.addi %mul3A_73, %mul3A_75 : i32
      "tpu.region"() ({
        %run_scoped3A = tpu.sem_alloc : memref<!tpu.dma_semaphore, #tpu.memory_space<semaphore_mem>>
        %dma_start3A = arith.constant 0 : i32
        %dma_start3A_77 = tpu.memref_slice %arg4[%add3A_76, %dma_start3A] : memref<20000x128xf32, #tpu.memory_space<hbm>> -> memref<200x128xf32, #tpu.memory_space<hbm>>
        %dma_start3A_78 = arith.constant 0 : i32
        %dma_start3A_79 = tpu.memref_slice %arg7[%mul3A_71, %dma_start3A_78] : memref<10000x128xf32, #tpu.memory_space<vmem_shared>> -> memref<200x128xf32, #tpu.memory_space<vmem_shared>>
        tpu.enqueue_dma source(%dma_start3A_79 : memref<200x128xf32, #tpu.memory_space<vmem_shared>>) target(%dma_start3A_77 : memref<200x128xf32, #tpu.memory_space<hbm>>) target_semaphore(%run_scoped3A : memref<!tpu.dma_semaphore, #tpu.memory_space<semaphore_mem>>)
        %dma_wait3A = arith.constant 0 : i32
        %dma_wait3A_80 = tpu.memref_slice %arg4[%add3A_76, %dma_wait3A] : memref<20000x128xf32, #tpu.memory_space<hbm>> -> memref<200x128xf32, #tpu.memory_space<hbm>>
        %dma_wait3A_81 = arith.constant 0 : i32
        %dma_wait3A_82 = tpu.memref_slice %arg7[%mul3A_71, %dma_wait3A_81] : memref<10000x128xf32, #tpu.memory_space<vmem_shared>> -> memref<200x128xf32, #tpu.memory_space<vmem_shared>>
        tpu.wait_dma2 semaphore(%run_scoped3A : memref<!tpu.dma_semaphore, #tpu.memory_space<semaphore_mem>>) src(%dma_wait3A_82 : memref<200x128xf32, #tpu.memory_space<vmem_shared>>) dst(%dma_wait3A_80 : memref<200x128xf32, #tpu.memory_space<hbm>>)
        tpu.yield
      }) : () -> ()
    } else {
    }
    %add3A_56 = arith.constant 32 : i32
    %add3A_57 = arith.addi %arg1, %add3A_56 : i32
    %lt3A_58 = arith.constant 50 : i32
    %lt3A_59 = arith.cmpi slt, %add3A_57, %lt3A_58 : i32
    %convert_element_type3A_60 = arith.extui %lt3A_59 : i1 to i32
    %cond3A_61 = arith.constant 0 : i32
    %cond3A_62 = arith.cmpi ne, %convert_element_type3A_60, %cond3A_61 : i32
    scf.if %cond3A_62 {
      %mul3A_70 = arith.constant 200 : i32
      %mul3A_71 = arith.muli %add3A_57, %mul3A_70 : i32
      %mul3A_72 = arith.constant 10000 : i32
      %mul3A_73 = arith.muli %arg0, %mul3A_72 : i32
      %mul3A_74 = arith.constant 200 : i32
      %mul3A_75 = arith.muli %add3A_57, %mul3A_74 : i32
      %add3A_76 = arith.addi %mul3A_73, %mul3A_75 : i32
      "tpu.region"() ({
        %run_scoped3A = tpu.sem_alloc : memref<!tpu.dma_semaphore, #tpu.memory_space<semaphore_mem>>
        %dma_start3A = arith.constant 0 : i32
        %dma_start3A_77 = tpu.memref_slice %arg4[%add3A_76, %dma_start3A] : memref<20000x128xf32, #tpu.memory_space<hbm>> -> memref<200x128xf32, #tpu.memory_space<hbm>>
        %dma_start3A_78 = arith.constant 0 : i32
        %dma_start3A_79 = tpu.memref_slice %arg7[%mul3A_71, %dma_start3A_78] : memref<10000x128xf32, #tpu.memory_space<vmem_shared>> -> memref<200x128xf32, #tpu.memory_space<vmem_shared>>
        tpu.enqueue_dma source(%dma_start3A_79 : memref<200x128xf32, #tpu.memory_space<vmem_shared>>) target(%dma_start3A_77 : memref<200x128xf32, #tpu.memory_space<hbm>>) target_semaphore(%run_scoped3A : memref<!tpu.dma_semaphore, #tpu.memory_space<semaphore_mem>>)
        %dma_wait3A = arith.constant 0 : i32
        %dma_wait3A_80 = tpu.memref_slice %arg4[%add3A_76, %dma_wait3A] : memref<20000x128xf32, #tpu.memory_space<hbm>> -> memref<200x128xf32, #tpu.memory_space<hbm>>
        %dma_wait3A_81 = arith.constant 0 : i32
        %dma_wait3A_82 = tpu.memref_slice %arg7[%mul3A_71, %dma_wait3A_81] : memref<10000x128xf32, #tpu.memory_space<vmem_shared>> -> memref<200x128xf32, #tpu.memory_space<vmem_shared>>
        tpu.wait_dma2 semaphore(%run_scoped3A : memref<!tpu.dma_semaphore, #tpu.memory_space<semaphore_mem>>) src(%dma_wait3A_82 : memref<200x128xf32, #tpu.memory_space<vmem_shared>>) dst(%dma_wait3A_80 : memref<200x128xf32, #tpu.memory_space<hbm>>)
        tpu.yield
      }) : () -> ()
    } else {
    }
    %add3A_63 = arith.constant 48 : i32
    %add3A_64 = arith.addi %arg1, %add3A_63 : i32
    %lt3A_65 = arith.constant 50 : i32
    %lt3A_66 = arith.cmpi slt, %add3A_64, %lt3A_65 : i32
    %convert_element_type3A_67 = arith.extui %lt3A_66 : i1 to i32
    %cond3A_68 = arith.constant 0 : i32
    %cond3A_69 = arith.cmpi ne, %convert_element_type3A_67, %cond3A_68 : i32
    scf.if %cond3A_69 {
      %mul3A_70 = arith.constant 200 : i32
      %mul3A_71 = arith.muli %add3A_64, %mul3A_70 : i32
      %mul3A_72 = arith.constant 10000 : i32
      %mul3A_73 = arith.muli %arg0, %mul3A_72 : i32
      %mul3A_74 = arith.constant 200 : i32
      %mul3A_75 = arith.muli %add3A_64, %mul3A_74 : i32
      %add3A_76 = arith.addi %mul3A_73, %mul3A_75 : i32
      "tpu.region"() ({
        %run_scoped3A = tpu.sem_alloc : memref<!tpu.dma_semaphore, #tpu.memory_space<semaphore_mem>>
        %dma_start3A = arith.constant 0 : i32
        %dma_start3A_77 = tpu.memref_slice %arg4[%add3A_76, %dma_start3A] : memref<20000x128xf32, #tpu.memory_space<hbm>> -> memref<200x128xf32, #tpu.memory_space<hbm>>
        %dma_start3A_78 = arith.constant 0 : i32
        %dma_start3A_79 = tpu.memref_slice %arg7[%mul3A_71, %dma_start3A_78] : memref<10000x128xf32, #tpu.memory_space<vmem_shared>> -> memref<200x128xf32, #tpu.memory_space<vmem_shared>>
        tpu.enqueue_dma source(%dma_start3A_79 : memref<200x128xf32, #tpu.memory_space<vmem_shared>>) target(%dma_start3A_77 : memref<200x128xf32, #tpu.memory_space<hbm>>) target_semaphore(%run_scoped3A : memref<!tpu.dma_semaphore, #tpu.memory_space<semaphore_mem>>)
        %dma_wait3A = arith.constant 0 : i32
        %dma_wait3A_80 = tpu.memref_slice %arg4[%add3A_76, %dma_wait3A] : memref<20000x128xf32, #tpu.memory_space<hbm>> -> memref<200x128xf32, #tpu.memory_space<hbm>>
        %dma_wait3A_81 = arith.constant 0 : i32
        %dma_wait3A_82 = tpu.memref_slice %arg7[%mul3A_71, %dma_wait3A_81] : memref<10000x128xf32, #tpu.memory_space<vmem_shared>> -> memref<200x128xf32, #tpu.memory_space<vmem_shared>>
        tpu.wait_dma2 semaphore(%run_scoped3A : memref<!tpu.dma_semaphore, #tpu.memory_space<semaphore_mem>>) src(%dma_wait3A_82 : memref<200x128xf32, #tpu.memory_space<vmem_shared>>) dst(%dma_wait3A_80 : memref<200x128xf32, #tpu.memory_space<hbm>>)
        tpu.yield
      }) : () -> ()
    } else {
    }
    return
  }
}

#map = affine_map<(d0, d1) -> (0, 0)>
#map1 = affine_map<(d0, d1) -> (0, 0, 0)>
module attributes {stable_mosaic.version = 14 : i64} {
  func.func @k(%arg0: i32, %arg1: i32, %arg2: memref<160000x128xf32, #tpu.memory_space<hbm>>, %arg3: memref<32x125x40xi32, #tpu.memory_space<hbm>>, %arg4: memref<20000x128xf32, #tpu.memory_space<hbm>>, %arg5: memref<125x40xi32, #tpu.memory_space<vmem>>, %arg6: memref<200x128xf32, #tpu.memory_space<vmem>>, %arg7: memref<10000x128xf32, #tpu.memory_space<vmem_shared>>) attributes {dimension_semantics = [#tpu.dimension_semantics<core_parallel>, #tpu.dimension_semantics<subcore_parallel>], iteration_bounds = array<i64: 2, 16>, scalar_prefetch = 0 : i64, scratch_operands = 3 : i64, tpu.core_type = #tpu.core_type<sc_vector_subcore>, window_params = [{transform_indices = #map}, {transform_indices = #map1}, {transform_indices = #map}]} {
    %mul3A = arith.constant 2 : i32
    %mul3A_0 = arith.muli %arg1, %mul3A : i32
    %add3A = arith.addi %mul3A_0, %arg0 : i32
    "tpu.region"() ({
      %run_scoped3A = tpu.sem_alloc : memref<!tpu.dma_semaphore, #tpu.memory_space<semaphore_mem>>
      %dma_start3A = arith.constant 0 : i32
      %dma_start3A_70 = arith.constant 0 : i32
      %dma_start3A_71 = tpu.memref_slice %arg3[%add3A, %dma_start3A, %dma_start3A_70] : memref<32x125x40xi32, #tpu.memory_space<hbm>> -> memref<1x125x40xi32, #tpu.memory_space<hbm>>
      %dma_start3A_72 = tpu.memref_squeeze %dma_start3A_71 : memref<1x125x40xi32, #tpu.memory_space<hbm>> -> memref<125x40xi32, #tpu.memory_space<hbm>>
      %dma_start3A_73 = arith.constant 0 : i32
      %dma_start3A_74 = arith.constant 0 : i32
      %dma_start3A_75 = tpu.memref_slice %arg3[%add3A, %dma_start3A_73, %dma_start3A_74] : memref<32x125x40xi32, #tpu.memory_space<hbm>> -> memref<1x125x40xi32, #tpu.memory_space<hbm>>
      %dma_start3A_76 = tpu.memref_squeeze %dma_start3A_75 : memref<1x125x40xi32, #tpu.memory_space<hbm>> -> memref<125x40xi32, #tpu.memory_space<hbm>>
      tpu.enqueue_dma source(%dma_start3A_76 : memref<125x40xi32, #tpu.memory_space<hbm>>) target(%arg5 : memref<125x40xi32, #tpu.memory_space<vmem>>) target_semaphore(%run_scoped3A : memref<!tpu.dma_semaphore, #tpu.memory_space<semaphore_mem>>)
      %dma_wait3A = arith.constant 0 : i32
      %dma_wait3A_77 = arith.constant 0 : i32
      %dma_wait3A_78 = tpu.memref_slice %arg3[%add3A, %dma_wait3A, %dma_wait3A_77] : memref<32x125x40xi32, #tpu.memory_space<hbm>> -> memref<1x125x40xi32, #tpu.memory_space<hbm>>
      %dma_wait3A_79 = tpu.memref_squeeze %dma_wait3A_78 : memref<1x125x40xi32, #tpu.memory_space<hbm>> -> memref<125x40xi32, #tpu.memory_space<hbm>>
      %dma_wait3A_80 = arith.constant 0 : i32
      %dma_wait3A_81 = arith.constant 0 : i32
      %dma_wait3A_82 = tpu.memref_slice %arg3[%add3A, %dma_wait3A_80, %dma_wait3A_81] : memref<32x125x40xi32, #tpu.memory_space<hbm>> -> memref<1x125x40xi32, #tpu.memory_space<hbm>>
      %dma_wait3A_83 = tpu.memref_squeeze %dma_wait3A_82 : memref<1x125x40xi32, #tpu.memory_space<hbm>> -> memref<125x40xi32, #tpu.memory_space<hbm>>
      tpu.wait_dma2 semaphore(%run_scoped3A : memref<!tpu.dma_semaphore, #tpu.memory_space<semaphore_mem>>) src(%dma_wait3A_83 : memref<125x40xi32, #tpu.memory_space<hbm>>) dst(%arg5 : memref<125x40xi32, #tpu.memory_space<vmem>>)
      tpu.yield
    }) : () -> ()
    %scan3A = arith.constant 0 : i32
    %scan3A_1 = arith.constant 0 : i32
    %scan3A_2 = arith.constant 200 : i32
    %scan3A_3 = arith.addi %scan3A_1, %scan3A_2 : i32
    %scan3A_4 = arith.constant 1 : i32
    %scan3A_5 = scf.for %scan3A_70 = %scan3A_1 to %scan3A_3 step %scan3A_4 iter_args(%scan3A_71 = %scan3A) -> (i32)  : i32 {
      %broadcast_in_dim3A = arith.constant 0.000000e+00 : f32
      %broadcast_in_dim3A_72 = vector.broadcast %broadcast_in_dim3A : f32 to vector<16xf32>
      %swap3A = arith.index_cast %scan3A_70 : i32 to index
      %swap3A_73 = arith.constant 0 : index
      %swap3A_74 = tpu.vector_load %arg6[%swap3A, %swap3A_73] {strides = array<i32>} : memref<200x128xf32, #tpu.memory_space<vmem>>, vector<1x16xf32>,
      %swap3A_75 = vector.shape_cast %swap3A_74 : vector<1x16xf32> to vector<16xf32>
      %swap3A_76 = vector.shape_cast %broadcast_in_dim3A_72 : vector<16xf32> to vector<1x16xf32>
      tpu.vector_store %arg6[%swap3A, %swap3A_73], %swap3A_76 {strides = array<i32>} : memref<200x128xf32, #tpu.memory_space<vmem>>, vector<1x16xf32>,
      %broadcast_in_dim3A_77 = arith.constant 0.000000e+00 : f32
      %broadcast_in_dim3A_78 = vector.broadcast %broadcast_in_dim3A_77 : f32 to vector<16xf32>
      %swap3A_79 = arith.index_cast %scan3A_70 : i32 to index
      %swap3A_80 = arith.constant 16 : index
      %swap3A_81 = tpu.vector_load %arg6[%swap3A_79, %swap3A_80] {strides = array<i32>} : memref<200x128xf32, #tpu.memory_space<vmem>>, vector<1x16xf32>,
      %swap3A_82 = vector.shape_cast %swap3A_81 : vector<1x16xf32> to vector<16xf32>
      %swap3A_83 = vector.shape_cast %broadcast_in_dim3A_78 : vector<16xf32> to vector<1x16xf32>
      tpu.vector_store %arg6[%swap3A_79, %swap3A_80], %swap3A_83 {strides = array<i32>} : memref<200x128xf32, #tpu.memory_space<vmem>>, vector<1x16xf32>,
      %broadcast_in_dim3A_84 = arith.constant 0.000000e+00 : f32
      %broadcast_in_dim3A_85 = vector.broadcast %broadcast_in_dim3A_84 : f32 to vector<16xf32>
      %swap3A_86 = arith.index_cast %scan3A_70 : i32 to index
      %swap3A_87 = arith.constant 32 : index
      %swap3A_88 = tpu.vector_load %arg6[%swap3A_86, %swap3A_87] {strides = array<i32>} : memref<200x128xf32, #tpu.memory_space<vmem>>, vector<1x16xf32>,
      %swap3A_89 = vector.shape_cast %swap3A_88 : vector<1x16xf32> to vector<16xf32>
      %swap3A_90 = vector.shape_cast %broadcast_in_dim3A_85 : vector<16xf32> to vector<1x16xf32>
      tpu.vector_store %arg6[%swap3A_86, %swap3A_87], %swap3A_90 {strides = array<i32>} : memref<200x128xf32, #tpu.memory_space<vmem>>, vector<1x16xf32>,
      %broadcast_in_dim3A_91 = arith.constant 0.000000e+00 : f32
      %broadcast_in_dim3A_92 = vector.broadcast %broadcast_in_dim3A_91 : f32 to vector<16xf32>
      %swap3A_93 = arith.index_cast %scan3A_70 : i32 to index
      %swap3A_94 = arith.constant 48 : index
      %swap3A_95 = tpu.vector_load %arg6[%swap3A_93, %swap3A_94] {strides = array<i32>} : memref<200x128xf32, #tpu.memory_space<vmem>>, vector<1x16xf32>,
      %swap3A_96 = vector.shape_cast %swap3A_95 : vector<1x16xf32> to vector<16xf32>
      %swap3A_97 = vector.shape_cast %broadcast_in_dim3A_92 : vector<16xf32> to vector<1x16xf32>
      tpu.vector_store %arg6[%swap3A_93, %swap3A_94], %swap3A_97 {strides = array<i32>} : memref<200x128xf32, #tpu.memory_space<vmem>>, vector<1x16xf32>,
      %broadcast_in_dim3A_98 = arith.constant 0.000000e+00 : f32
      %broadcast_in_dim3A_99 = vector.broadcast %broadcast_in_dim3A_98 : f32 to vector<16xf32>
      %swap3A_100 = arith.index_cast %scan3A_70 : i32 to index
      %swap3A_101 = arith.constant 64 : index
      %swap3A_102 = tpu.vector_load %arg6[%swap3A_100, %swap3A_101] {strides = array<i32>} : memref<200x128xf32, #tpu.memory_space<vmem>>, vector<1x16xf32>,
      %swap3A_103 = vector.shape_cast %swap3A_102 : vector<1x16xf32> to vector<16xf32>
      %swap3A_104 = vector.shape_cast %broadcast_in_dim3A_99 : vector<16xf32> to vector<1x16xf32>
      tpu.vector_store %arg6[%swap3A_100, %swap3A_101], %swap3A_104 {strides = array<i32>} : memref<200x128xf32, #tpu.memory_space<vmem>>, vector<1x16xf32>,
      %broadcast_in_dim3A_105 = arith.constant 0.000000e+00 : f32
      %broadcast_in_dim3A_106 = vector.broadcast %broadcast_in_dim3A_105 : f32 to vector<16xf32>
      %swap3A_107 = arith.index_cast %scan3A_70 : i32 to index
      %swap3A_108 = arith.constant 80 : index
      %swap3A_109 = tpu.vector_load %arg6[%swap3A_107, %swap3A_108] {strides = array<i32>} : memref<200x128xf32, #tpu.memory_space<vmem>>, vector<1x16xf32>,
      %swap3A_110 = vector.shape_cast %swap3A_109 : vector<1x16xf32> to vector<16xf32>
      %swap3A_111 = vector.shape_cast %broadcast_in_dim3A_106 : vector<16xf32> to vector<1x16xf32>
      tpu.vector_store %arg6[%swap3A_107, %swap3A_108], %swap3A_111 {strides = array<i32>} : memref<200x128xf32, #tpu.memory_space<vmem>>, vector<1x16xf32>,
      %broadcast_in_dim3A_112 = arith.constant 0.000000e+00 : f32
      %broadcast_in_dim3A_113 = vector.broadcast %broadcast_in_dim3A_112 : f32 to vector<16xf32>
      %swap3A_114 = arith.index_cast %scan3A_70 : i32 to index
      %swap3A_115 = arith.constant 96 : index
      %swap3A_116 = tpu.vector_load %arg6[%swap3A_114, %swap3A_115] {strides = array<i32>} : memref<200x128xf32, #tpu.memory_space<vmem>>, vector<1x16xf32>,
      %swap3A_117 = vector.shape_cast %swap3A_116 : vector<1x16xf32> to vector<16xf32>
      %swap3A_118 = vector.shape_cast %broadcast_in_dim3A_113 : vector<16xf32> to vector<1x16xf32>
      tpu.vector_store %arg6[%swap3A_114, %swap3A_115], %swap3A_118 {strides = array<i32>} : memref<200x128xf32, #tpu.memory_space<vmem>>, vector<1x16xf32>,
      %broadcast_in_dim3A_119 = arith.constant 0.000000e+00 : f32
      %broadcast_in_dim3A_120 = vector.broadcast %broadcast_in_dim3A_119 : f32 to vector<16xf32>
      %swap3A_121 = arith.index_cast %scan3A_70 : i32 to index
      %swap3A_122 = arith.constant 112 : index
      %swap3A_123 = tpu.vector_load %arg6[%swap3A_121, %swap3A_122] {strides = array<i32>} : memref<200x128xf32, #tpu.memory_space<vmem>>, vector<1x16xf32>,
      %swap3A_124 = vector.shape_cast %swap3A_123 : vector<1x16xf32> to vector<16xf32>
      %swap3A_125 = vector.shape_cast %broadcast_in_dim3A_120 : vector<16xf32> to vector<1x16xf32>
      tpu.vector_store %arg6[%swap3A_121, %swap3A_122], %swap3A_125 {strides = array<i32>} : memref<200x128xf32, #tpu.memory_space<vmem>>, vector<1x16xf32>,
      %scan3A_126 = arith.constant 0 : i32
      scf.yield %scan3A_126 : i32
    }
    %scan3A_6 = arith.constant 200 : i32
    %add3A_7 = arith.constant 0 : i32
    %add3A_8 = arith.addi %arg1, %add3A_7 : i32
    %lt3A = arith.constant 50 : i32
    %lt3A_9 = arith.cmpi slt, %add3A_8, %lt3A : i32
    %convert_element_type3A = arith.extui %lt3A_9 : i1 to i32
    %cond3A = arith.constant 0 : i32
    %cond3A_10 = arith.cmpi ne, %convert_element_type3A, %cond3A : i32
    scf.if %cond3A_10 {
      %mul3A_70 = arith.constant 200 : i32
      %mul3A_71 = arith.muli %add3A_8, %mul3A_70 : i32
      "tpu.region"() ({
        %run_scoped3A = tpu.sem_alloc : memref<!tpu.dma_semaphore, #tpu.memory_space<semaphore_mem>>
        %dma_start3A = arith.constant 0 : i32
        %dma_start3A_72 = tpu.memref_slice %arg7[%mul3A_71, %dma_start3A] : memref<10000x128xf32, #tpu.memory_space<vmem_shared>> -> memref<200x128xf32, #tpu.memory_space<vmem_shared>>
        %dma_start3A_73 = arith.constant 0 : i32
        %dma_start3A_74 = tpu.memref_slice %arg7[%mul3A_71, %dma_start3A_73] : memref<10000x128xf32, #tpu.memory_space<vmem_shared>> -> memref<200x128xf32, #tpu.memory_space<vmem_shared>>
        tpu.enqueue_dma source(%arg6 : memref<200x128xf32, #tpu.memory_space<vmem>>) target(%dma_start3A_74 : memref<200x128xf32, #tpu.memory_space<vmem_shared>>) target_semaphore(%run_scoped3A : memref<!tpu.dma_semaphore, #tpu.memory_space<semaphore_mem>>)
        %dma_wait3A = arith.constant 0 : i32
        %dma_wait3A_75 = tpu.memref_slice %arg7[%mul3A_71, %dma_wait3A] : memref<10000x128xf32, #tpu.memory_space<vmem_shared>> -> memref<200x128xf32, #tpu.memory_space<vmem_shared>>
        %dma_wait3A_76 = arith.constant 0 : i32
        %dma_wait3A_77 = tpu.memref_slice %arg7[%mul3A_71, %dma_wait3A_76] : memref<10000x128xf32, #tpu.memory_space<vmem_shared>> -> memref<200x128xf32, #tpu.memory_space<vmem_shared>>
        tpu.wait_dma2 semaphore(%run_scoped3A : memref<!tpu.dma_semaphore, #tpu.memory_space<semaphore_mem>>) src(%arg6 : memref<200x128xf32, #tpu.memory_space<vmem>>) dst(%dma_wait3A_77 : memref<200x128xf32, #tpu.memory_space<vmem_shared>>)
        tpu.yield
      }) : () -> ()
    } else {
    }
    %add3A_11 = arith.constant 16 : i32
    %add3A_12 = arith.addi %arg1, %add3A_11 : i32
    %lt3A_13 = arith.constant 50 : i32
    %lt3A_14 = arith.cmpi slt, %add3A_12, %lt3A_13 : i32
    %convert_element_type3A_15 = arith.extui %lt3A_14 : i1 to i32
    %cond3A_16 = arith.constant 0 : i32
    %cond3A_17 = arith.cmpi ne, %convert_element_type3A_15, %cond3A_16 : i32
    scf.if %cond3A_17 {
      %mul3A_70 = arith.constant 200 : i32
      %mul3A_71 = arith.muli %add3A_12, %mul3A_70 : i32
      "tpu.region"() ({
        %run_scoped3A = tpu.sem_alloc : memref<!tpu.dma_semaphore, #tpu.memory_space<semaphore_mem>>
        %dma_start3A = arith.constant 0 : i32
        %dma_start3A_72 = tpu.memref_slice %arg7[%mul3A_71, %dma_start3A] : memref<10000x128xf32, #tpu.memory_space<vmem_shared>> -> memref<200x128xf32, #tpu.memory_space<vmem_shared>>
        %dma_start3A_73 = arith.constant 0 : i32
        %dma_start3A_74 = tpu.memref_slice %arg7[%mul3A_71, %dma_start3A_73] : memref<10000x128xf32, #tpu.memory_space<vmem_shared>> -> memref<200x128xf32, #tpu.memory_space<vmem_shared>>
        tpu.enqueue_dma source(%arg6 : memref<200x128xf32, #tpu.memory_space<vmem>>) target(%dma_start3A_74 : memref<200x128xf32, #tpu.memory_space<vmem_shared>>) target_semaphore(%run_scoped3A : memref<!tpu.dma_semaphore, #tpu.memory_space<semaphore_mem>>)
        %dma_wait3A = arith.constant 0 : i32
        %dma_wait3A_75 = tpu.memref_slice %arg7[%mul3A_71, %dma_wait3A] : memref<10000x128xf32, #tpu.memory_space<vmem_shared>> -> memref<200x128xf32, #tpu.memory_space<vmem_shared>>
        %dma_wait3A_76 = arith.constant 0 : i32
        %dma_wait3A_77 = tpu.memref_slice %arg7[%mul3A_71, %dma_wait3A_76] : memref<10000x128xf32, #tpu.memory_space<vmem_shared>> -> memref<200x128xf32, #tpu.memory_space<vmem_shared>>
        tpu.wait_dma2 semaphore(%run_scoped3A : memref<!tpu.dma_semaphore, #tpu.memory_space<semaphore_mem>>) src(%arg6 : memref<200x128xf32, #tpu.memory_space<vmem>>) dst(%dma_wait3A_77 : memref<200x128xf32, #tpu.memory_space<vmem_shared>>)
        tpu.yield
      }) : () -> ()
    } else {
    }
    %add3A_18 = arith.constant 32 : i32
    %add3A_19 = arith.addi %arg1, %add3A_18 : i32
    %lt3A_20 = arith.constant 50 : i32
    %lt3A_21 = arith.cmpi slt, %add3A_19, %lt3A_20 : i32
    %convert_element_type3A_22 = arith.extui %lt3A_21 : i1 to i32
    %cond3A_23 = arith.constant 0 : i32
    %cond3A_24 = arith.cmpi ne, %convert_element_type3A_22, %cond3A_23 : i32
    scf.if %cond3A_24 {
      %mul3A_70 = arith.constant 200 : i32
      %mul3A_71 = arith.muli %add3A_19, %mul3A_70 : i32
      "tpu.region"() ({
        %run_scoped3A = tpu.sem_alloc : memref<!tpu.dma_semaphore, #tpu.memory_space<semaphore_mem>>
        %dma_start3A = arith.constant 0 : i32
        %dma_start3A_72 = tpu.memref_slice %arg7[%mul3A_71, %dma_start3A] : memref<10000x128xf32, #tpu.memory_space<vmem_shared>> -> memref<200x128xf32, #tpu.memory_space<vmem_shared>>
        %dma_start3A_73 = arith.constant 0 : i32
        %dma_start3A_74 = tpu.memref_slice %arg7[%mul3A_71, %dma_start3A_73] : memref<10000x128xf32, #tpu.memory_space<vmem_shared>> -> memref<200x128xf32, #tpu.memory_space<vmem_shared>>
        tpu.enqueue_dma source(%arg6 : memref<200x128xf32, #tpu.memory_space<vmem>>) target(%dma_start3A_74 : memref<200x128xf32, #tpu.memory_space<vmem_shared>>) target_semaphore(%run_scoped3A : memref<!tpu.dma_semaphore, #tpu.memory_space<semaphore_mem>>)
        %dma_wait3A = arith.constant 0 : i32
        %dma_wait3A_75 = tpu.memref_slice %arg7[%mul3A_71, %dma_wait3A] : memref<10000x128xf32, #tpu.memory_space<vmem_shared>> -> memref<200x128xf32, #tpu.memory_space<vmem_shared>>
        %dma_wait3A_76 = arith.constant 0 : i32
        %dma_wait3A_77 = tpu.memref_slice %arg7[%mul3A_71, %dma_wait3A_76] : memref<10000x128xf32, #tpu.memory_space<vmem_shared>> -> memref<200x128xf32, #tpu.memory_space<vmem_shared>>
        tpu.wait_dma2 semaphore(%run_scoped3A : memref<!tpu.dma_semaphore, #tpu.memory_space<semaphore_mem>>) src(%arg6 : memref<200x128xf32, #tpu.memory_space<vmem>>) dst(%dma_wait3A_77 : memref<200x128xf32, #tpu.memory_space<vmem_shared>>)
        tpu.yield
      }) : () -> ()
    } else {
    }
    %add3A_25 = arith.constant 48 : i32
    %add3A_26 = arith.addi %arg1, %add3A_25 : i32
    %lt3A_27 = arith.constant 50 : i32
    %lt3A_28 = arith.cmpi slt, %add3A_26, %lt3A_27 : i32
    %convert_element_type3A_29 = arith.extui %lt3A_28 : i1 to i32
    %cond3A_30 = arith.constant 0 : i32
    %cond3A_31 = arith.cmpi ne, %convert_element_type3A_29, %cond3A_30 : i32
    scf.if %cond3A_31 {
      %mul3A_70 = arith.constant 200 : i32
      %mul3A_71 = arith.muli %add3A_26, %mul3A_70 : i32
      "tpu.region"() ({
        %run_scoped3A = tpu.sem_alloc : memref<!tpu.dma_semaphore, #tpu.memory_space<semaphore_mem>>
        %dma_start3A = arith.constant 0 : i32
        %dma_start3A_72 = tpu.memref_slice %arg7[%mul3A_71, %dma_start3A] : memref<10000x128xf32, #tpu.memory_space<vmem_shared>> -> memref<200x128xf32, #tpu.memory_space<vmem_shared>>
        %dma_start3A_73 = arith.constant 0 : i32
        %dma_start3A_74 = tpu.memref_slice %arg7[%mul3A_71, %dma_start3A_73] : memref<10000x128xf32, #tpu.memory_space<vmem_shared>> -> memref<200x128xf32, #tpu.memory_space<vmem_shared>>
        tpu.enqueue_dma source(%arg6 : memref<200x128xf32, #tpu.memory_space<vmem>>) target(%dma_start3A_74 : memref<200x128xf32, #tpu.memory_space<vmem_shared>>) target_semaphore(%run_scoped3A : memref<!tpu.dma_semaphore, #tpu.memory_space<semaphore_mem>>)
        %dma_wait3A = arith.constant 0 : i32
        %dma_wait3A_75 = tpu.memref_slice %arg7[%mul3A_71, %dma_wait3A] : memref<10000x128xf32, #tpu.memory_space<vmem_shared>> -> memref<200x128xf32, #tpu.memory_space<vmem_shared>>
        %dma_wait3A_76 = arith.constant 0 : i32
        %dma_wait3A_77 = tpu.memref_slice %arg7[%mul3A_71, %dma_wait3A_76] : memref<10000x128xf32, #tpu.memory_space<vmem_shared>> -> memref<200x128xf32, #tpu.memory_space<vmem_shared>>
        tpu.wait_dma2 semaphore(%run_scoped3A : memref<!tpu.dma_semaphore, #tpu.memory_space<semaphore_mem>>) src(%arg6 : memref<200x128xf32, #tpu.memory_space<vmem>>) dst(%dma_wait3A_77 : memref<200x128xf32, #tpu.memory_space<vmem_shared>>)
        tpu.yield
      }) : () -> ()
    } else {
    }
    %barrier3A = arith.constant 0 : index
    tpu.barrier barrier_id(%barrier3A)
    %mul3A_32 = arith.constant 5000 : i32
    %mul3A_33 = arith.muli %add3A, %mul3A_32 : i32
    %scan3A_34 = arith.constant 0 : i32
    %scan3A_35 = arith.constant 0 : i32
    %scan3A_36 = arith.constant 25 : i32
    %scan3A_37 = arith.addi %scan3A_35, %scan3A_36 : i32
    %scan3A_38 = arith.constant 1 : i32
    %scan3A_39 = scf.for %scan3A_70 = %scan3A_35 to %scan3A_37 step %scan3A_38 iter_args(%scan3A_71 = %scan3A_34) -> (i32)  : i32 {
      %mul3A_72 = arith.constant 200 : i32
      %mul3A_73 = arith.muli %scan3A_70, %mul3A_72 : i32
      %add3A_74 = arith.addi %mul3A_33, %mul3A_73 : i32
      "tpu.region"() ({
        %run_scoped3A = tpu.sem_alloc : memref<!tpu.dma_semaphore, #tpu.memory_space<semaphore_mem>>
        %dma_start3A = arith.constant 0 : i32
        %dma_start3A_96 = tpu.memref_slice %arg2[%add3A_74, %dma_start3A] : memref<160000x128xf32, #tpu.memory_space<hbm>> -> memref<200x128xf32, #tpu.memory_space<hbm>>
        %dma_start3A_97 = arith.constant 0 : i32
        %dma_start3A_98 = tpu.memref_slice %arg2[%add3A_74, %dma_start3A_97] : memref<160000x128xf32, #tpu.memory_space<hbm>> -> memref<200x128xf32, #tpu.memory_space<hbm>>
        tpu.enqueue_dma source(%dma_start3A_98 : memref<200x128xf32, #tpu.memory_space<hbm>>) target(%arg6 : memref<200x128xf32, #tpu.memory_space<vmem>>) target_semaphore(%run_scoped3A : memref<!tpu.dma_semaphore, #tpu.memory_space<semaphore_mem>>)
        %dma_wait3A = arith.constant 0 : i32
        %dma_wait3A_99 = tpu.memref_slice %arg2[%add3A_74, %dma_wait3A] : memref<160000x128xf32, #tpu.memory_space<hbm>> -> memref<200x128xf32, #tpu.memory_space<hbm>>
        %dma_wait3A_100 = arith.constant 0 : i32
        %dma_wait3A_101 = tpu.memref_slice %arg2[%add3A_74, %dma_wait3A_100] : memref<160000x128xf32, #tpu.memory_space<hbm>> -> memref<200x128xf32, #tpu.memory_space<hbm>>
        tpu.wait_dma2 semaphore(%run_scoped3A : memref<!tpu.dma_semaphore, #tpu.memory_space<semaphore_mem>>) src(%dma_wait3A_101 : memref<200x128xf32, #tpu.memory_space<hbm>>) dst(%arg6 : memref<200x128xf32, #tpu.memory_space<vmem>>)
        tpu.yield
      }) : () -> ()
      %mul3A_75 = arith.constant 5 : i32
      %mul3A_76 = arith.muli %scan3A_70, %mul3A_75 : i32
      %add3A_77 = arith.constant 0 : i32
      %add3A_78 = arith.addi %mul3A_76, %add3A_77 : i32
      "tpu.region"() ({
        %run_scoped3A = tpu.sem_alloc : memref<!tpu.dma_semaphore, #tpu.memory_space<semaphore_mem>>
        %dma_start3A = arith.constant 0 : i32
        %dma_start3A_96 = arith.constant 0 : i32
        %dma_start3A_97 = tpu.memref_slice %arg6[%dma_start3A, %dma_start3A_96] : memref<200x128xf32, #tpu.memory_space<vmem>> -> memref<40x128xf32, #tpu.memory_space<vmem>>
        %dma_start3A_98 = arith.constant 0 : i32
        %dma_start3A_99 = tpu.memref_slice %arg5[%add3A_78, %dma_start3A_98] : memref<125x40xi32, #tpu.memory_space<vmem>> -> memref<1x40xi32, #tpu.memory_space<vmem>>
        %dma_start3A_100 = tpu.memref_squeeze %dma_start3A_99 : memref<1x40xi32, #tpu.memory_space<vmem>> -> memref<40xi32, #tpu.memory_space<vmem>>
        %dma_start3A_101 = arith.constant 0 : i32
        %dma_start3A_102 = arith.constant 0 : i32
        %dma_start3A_103 = tpu.memref_slice %arg7[%dma_start3A_101, %dma_start3A_102] : memref<10000x128xf32, #tpu.memory_space<vmem_shared>> -> memref<10000x128xf32, #tpu.memory_space<vmem_shared>>
        tpu.enqueue_indirect_dma source(%dma_start3A_97 : memref<40x128xf32, #tpu.memory_space<vmem>>) target(%dma_start3A_103 : memref<10000x128xf32, #tpu.memory_space<vmem_shared>>) offsets(%dma_start3A_100 : memref<40xi32, #tpu.memory_space<vmem>>) semaphore(%run_scoped3A : memref<!tpu.dma_semaphore, #tpu.memory_space<semaphore_mem>>) {add = true}
        %dma_wait3A = arith.constant 0 : i32
        %dma_wait3A_104 = arith.constant 0 : i32
        %dma_wait3A_105 = tpu.memref_slice %arg6[%dma_wait3A, %dma_wait3A_104] : memref<200x128xf32, #tpu.memory_space<vmem>> -> memref<40x128xf32, #tpu.memory_space<vmem>>
        %dma_wait3A_106 = arith.constant 0 : i32
        %dma_wait3A_107 = tpu.memref_slice %arg5[%add3A_78, %dma_wait3A_106] : memref<125x40xi32, #tpu.memory_space<vmem>> -> memref<1x40xi32, #tpu.memory_space<vmem>>
        %dma_wait3A_108 = tpu.memref_squeeze %dma_wait3A_107 : memref<1x40xi32, #tpu.memory_space<vmem>> -> memref<40xi32, #tpu.memory_space<vmem>>
        %dma_wait3A_109 = arith.constant 0 : i32
        %dma_wait3A_110 = arith.constant 0 : i32
        %dma_wait3A_111 = tpu.memref_slice %arg7[%dma_wait3A_109, %dma_wait3A_110] : memref<10000x128xf32, #tpu.memory_space<vmem_shared>> -> memref<10000x128xf32, #tpu.memory_space<vmem_shared>>
        tpu.wait_indirect_dma semaphore(%run_scoped3A : memref<!tpu.dma_semaphore, #tpu.memory_space<semaphore_mem>>) src(%dma_wait3A_105 : memref<40x128xf32, #tpu.memory_space<vmem>>) dst(%dma_wait3A_111 : memref<10000x128xf32, #tpu.memory_space<vmem_shared>>)
        tpu.yield
      }) : () -> ()
      %mul3A_79 = arith.constant 5 : i32
      %mul3A_80 = arith.muli %scan3A_70, %mul3A_79 : i32
      %add3A_81 = arith.constant 1 : i32
      %add3A_82 = arith.addi %mul3A_80, %add3A_81 : i32
      "tpu.region"() ({
        %run_scoped3A = tpu.sem_alloc : memref<!tpu.dma_semaphore, #tpu.memory_space<semaphore_mem>>
        %dma_start3A = arith.constant 40 : i32
        %dma_start3A_96 = arith.constant 0 : i32
        %dma_start3A_97 = tpu.memref_slice %arg6[%dma_start3A, %dma_start3A_96] : memref<200x128xf32, #tpu.memory_space<vmem>> -> memref<40x128xf32, #tpu.memory_space<vmem>>
        %dma_start3A_98 = arith.constant 0 : i32
        %dma_start3A_99 = tpu.memref_slice %arg5[%add3A_82, %dma_start3A_98] : memref<125x40xi32, #tpu.memory_space<vmem>> -> memref<1x40xi32, #tpu.memory_space<vmem>>
        %dma_start3A_100 = tpu.memref_squeeze %dma_start3A_99 : memref<1x40xi32, #tpu.memory_space<vmem>> -> memref<40xi32, #tpu.memory_space<vmem>>
        %dma_start3A_101 = arith.constant 0 : i32
        %dma_start3A_102 = arith.constant 0 : i32
        %dma_start3A_103 = tpu.memref_slice %arg7[%dma_start3A_101, %dma_start3A_102] : memref<10000x128xf32, #tpu.memory_space<vmem_shared>> -> memref<10000x128xf32, #tpu.memory_space<vmem_shared>>
        tpu.enqueue_indirect_dma source(%dma_start3A_97 : memref<40x128xf32, #tpu.memory_space<vmem>>) target(%dma_start3A_103 : memref<10000x128xf32, #tpu.memory_space<vmem_shared>>) offsets(%dma_start3A_100 : memref<40xi32, #tpu.memory_space<vmem>>) semaphore(%run_scoped3A : memref<!tpu.dma_semaphore, #tpu.memory_space<semaphore_mem>>) {add = true}
        %dma_wait3A = arith.constant 40 : i32
        %dma_wait3A_104 = arith.constant 0 : i32
        %dma_wait3A_105 = tpu.memref_slice %arg6[%dma_wait3A, %dma_wait3A_104] : memref<200x128xf32, #tpu.memory_space<vmem>> -> memref<40x128xf32, #tpu.memory_space<vmem>>
        %dma_wait3A_106 = arith.constant 0 : i32
        %dma_wait3A_107 = tpu.memref_slice %arg5[%add3A_82, %dma_wait3A_106] : memref<125x40xi32, #tpu.memory_space<vmem>> -> memref<1x40xi32, #tpu.memory_space<vmem>>
        %dma_wait3A_108 = tpu.memref_squeeze %dma_wait3A_107 : memref<1x40xi32, #tpu.memory_space<vmem>> -> memref<40xi32, #tpu.memory_space<vmem>>
        %dma_wait3A_109 = arith.constant 0 : i32
        %dma_wait3A_110 = arith.constant 0 : i32
        %dma_wait3A_111 = tpu.memref_slice %arg7[%dma_wait3A_109, %dma_wait3A_110] : memref<10000x128xf32, #tpu.memory_space<vmem_shared>> -> memref<10000x128xf32, #tpu.memory_space<vmem_shared>>
        tpu.wait_indirect_dma semaphore(%run_scoped3A : memref<!tpu.dma_semaphore, #tpu.memory_space<semaphore_mem>>) src(%dma_wait3A_105 : memref<40x128xf32, #tpu.memory_space<vmem>>) dst(%dma_wait3A_111 : memref<10000x128xf32, #tpu.memory_space<vmem_shared>>)
        tpu.yield
      }) : () -> ()
      %mul3A_83 = arith.constant 5 : i32
      %mul3A_84 = arith.muli %scan3A_70, %mul3A_83 : i32
      %add3A_85 = arith.constant 2 : i32
      %add3A_86 = arith.addi %mul3A_84, %add3A_85 : i32
      "tpu.region"() ({
        %run_scoped3A = tpu.sem_alloc : memref<!tpu.dma_semaphore, #tpu.memory_space<semaphore_mem>>
        %dma_start3A = arith.constant 80 : i32
        %dma_start3A_96 = arith.constant 0 : i32
        %dma_start3A_97 = tpu.memref_slice %arg6[%dma_start3A, %dma_start3A_96] : memref<200x128xf32, #tpu.memory_space<vmem>> -> memref<40x128xf32, #tpu.memory_space<vmem>>
        %dma_start3A_98 = arith.constant 0 : i32
        %dma_start3A_99 = tpu.memref_slice %arg5[%add3A_86, %dma_start3A_98] : memref<125x40xi32, #tpu.memory_space<vmem>> -> memref<1x40xi32, #tpu.memory_space<vmem>>
        %dma_start3A_100 = tpu.memref_squeeze %dma_start3A_99 : memref<1x40xi32, #tpu.memory_space<vmem>> -> memref<40xi32, #tpu.memory_space<vmem>>
        %dma_start3A_101 = arith.constant 0 : i32
        %dma_start3A_102 = arith.constant 0 : i32
        %dma_start3A_103 = tpu.memref_slice %arg7[%dma_start3A_101, %dma_start3A_102] : memref<10000x128xf32, #tpu.memory_space<vmem_shared>> -> memref<10000x128xf32, #tpu.memory_space<vmem_shared>>
        tpu.enqueue_indirect_dma source(%dma_start3A_97 : memref<40x128xf32, #tpu.memory_space<vmem>>) target(%dma_start3A_103 : memref<10000x128xf32, #tpu.memory_space<vmem_shared>>) offsets(%dma_start3A_100 : memref<40xi32, #tpu.memory_space<vmem>>) semaphore(%run_scoped3A : memref<!tpu.dma_semaphore, #tpu.memory_space<semaphore_mem>>) {add = true}
        %dma_wait3A = arith.constant 80 : i32
        %dma_wait3A_104 = arith.constant 0 : i32
        %dma_wait3A_105 = tpu.memref_slice %arg6[%dma_wait3A, %dma_wait3A_104] : memref<200x128xf32, #tpu.memory_space<vmem>> -> memref<40x128xf32, #tpu.memory_space<vmem>>
        %dma_wait3A_106 = arith.constant 0 : i32
        %dma_wait3A_107 = tpu.memref_slice %arg5[%add3A_86, %dma_wait3A_106] : memref<125x40xi32, #tpu.memory_space<vmem>> -> memref<1x40xi32, #tpu.memory_space<vmem>>
        %dma_wait3A_108 = tpu.memref_squeeze %dma_wait3A_107 : memref<1x40xi32, #tpu.memory_space<vmem>> -> memref<40xi32, #tpu.memory_space<vmem>>
        %dma_wait3A_109 = arith.constant 0 : i32
        %dma_wait3A_110 = arith.constant 0 : i32
        %dma_wait3A_111 = tpu.memref_slice %arg7[%dma_wait3A_109, %dma_wait3A_110] : memref<10000x128xf32, #tpu.memory_space<vmem_shared>> -> memref<10000x128xf32, #tpu.memory_space<vmem_shared>>
        tpu.wait_indirect_dma semaphore(%run_scoped3A : memref<!tpu.dma_semaphore, #tpu.memory_space<semaphore_mem>>) src(%dma_wait3A_105 : memref<40x128xf32, #tpu.memory_space<vmem>>) dst(%dma_wait3A_111 : memref<10000x128xf32, #tpu.memory_space<vmem_shared>>)
        tpu.yield
      }) : () -> ()
      %mul3A_87 = arith.constant 5 : i32
      %mul3A_88 = arith.muli %scan3A_70, %mul3A_87 : i32
      %add3A_89 = arith.constant 3 : i32
      %add3A_90 = arith.addi %mul3A_88, %add3A_89 : i32
      "tpu.region"() ({
        %run_scoped3A = tpu.sem_alloc : memref<!tpu.dma_semaphore, #tpu.memory_space<semaphore_mem>>
        %dma_start3A = arith.constant 120 : i32
        %dma_start3A_96 = arith.constant 0 : i32
        %dma_start3A_97 = tpu.memref_slice %arg6[%dma_start3A, %dma_start3A_96] : memref<200x128xf32, #tpu.memory_space<vmem>> -> memref<40x128xf32, #tpu.memory_space<vmem>>
        %dma_start3A_98 = arith.constant 0 : i32
        %dma_start3A_99 = tpu.memref_slice %arg5[%add3A_90, %dma_start3A_98] : memref<125x40xi32, #tpu.memory_space<vmem>> -> memref<1x40xi32, #tpu.memory_space<vmem>>
        %dma_start3A_100 = tpu.memref_squeeze %dma_start3A_99 : memref<1x40xi32, #tpu.memory_space<vmem>> -> memref<40xi32, #tpu.memory_space<vmem>>
        %dma_start3A_101 = arith.constant 0 : i32
        %dma_start3A_102 = arith.constant 0 : i32
        %dma_start3A_103 = tpu.memref_slice %arg7[%dma_start3A_101, %dma_start3A_102] : memref<10000x128xf32, #tpu.memory_space<vmem_shared>> -> memref<10000x128xf32, #tpu.memory_space<vmem_shared>>
        tpu.enqueue_indirect_dma source(%dma_start3A_97 : memref<40x128xf32, #tpu.memory_space<vmem>>) target(%dma_start3A_103 : memref<10000x128xf32, #tpu.memory_space<vmem_shared>>) offsets(%dma_start3A_100 : memref<40xi32, #tpu.memory_space<vmem>>) semaphore(%run_scoped3A : memref<!tpu.dma_semaphore, #tpu.memory_space<semaphore_mem>>) {add = true}
        %dma_wait3A = arith.constant 120 : i32
        %dma_wait3A_104 = arith.constant 0 : i32
        %dma_wait3A_105 = tpu.memref_slice %arg6[%dma_wait3A, %dma_wait3A_104] : memref<200x128xf32, #tpu.memory_space<vmem>> -> memref<40x128xf32, #tpu.memory_space<vmem>>
        %dma_wait3A_106 = arith.constant 0 : i32
        %dma_wait3A_107 = tpu.memref_slice %arg5[%add3A_90, %dma_wait3A_106] : memref<125x40xi32, #tpu.memory_space<vmem>> -> memref<1x40xi32, #tpu.memory_space<vmem>>
        %dma_wait3A_108 = tpu.memref_squeeze %dma_wait3A_107 : memref<1x40xi32, #tpu.memory_space<vmem>> -> memref<40xi32, #tpu.memory_space<vmem>>
        %dma_wait3A_109 = arith.constant 0 : i32
        %dma_wait3A_110 = arith.constant 0 : i32
        %dma_wait3A_111 = tpu.memref_slice %arg7[%dma_wait3A_109, %dma_wait3A_110] : memref<10000x128xf32, #tpu.memory_space<vmem_shared>> -> memref<10000x128xf32, #tpu.memory_space<vmem_shared>>
        tpu.wait_indirect_dma semaphore(%run_scoped3A : memref<!tpu.dma_semaphore, #tpu.memory_space<semaphore_mem>>) src(%dma_wait3A_105 : memref<40x128xf32, #tpu.memory_space<vmem>>) dst(%dma_wait3A_111 : memref<10000x128xf32, #tpu.memory_space<vmem_shared>>)
        tpu.yield
      }) : () -> ()
      %mul3A_91 = arith.constant 5 : i32
      %mul3A_92 = arith.muli %scan3A_70, %mul3A_91 : i32
      %add3A_93 = arith.constant 4 : i32
      %add3A_94 = arith.addi %mul3A_92, %add3A_93 : i32
      "tpu.region"() ({
        %run_scoped3A = tpu.sem_alloc : memref<!tpu.dma_semaphore, #tpu.memory_space<semaphore_mem>>
        %dma_start3A = arith.constant 160 : i32
        %dma_start3A_96 = arith.constant 0 : i32
        %dma_start3A_97 = tpu.memref_slice %arg6[%dma_start3A, %dma_start3A_96] : memref<200x128xf32, #tpu.memory_space<vmem>> -> memref<40x128xf32, #tpu.memory_space<vmem>>
        %dma_start3A_98 = arith.constant 0 : i32
        %dma_start3A_99 = tpu.memref_slice %arg5[%add3A_94, %dma_start3A_98] : memref<125x40xi32, #tpu.memory_space<vmem>> -> memref<1x40xi32, #tpu.memory_space<vmem>>
        %dma_start3A_100 = tpu.memref_squeeze %dma_start3A_99 : memref<1x40xi32, #tpu.memory_space<vmem>> -> memref<40xi32, #tpu.memory_space<vmem>>
        %dma_start3A_101 = arith.constant 0 : i32
        %dma_start3A_102 = arith.constant 0 : i32
        %dma_start3A_103 = tpu.memref_slice %arg7[%dma_start3A_101, %dma_start3A_102] : memref<10000x128xf32, #tpu.memory_space<vmem_shared>> -> memref<10000x128xf32, #tpu.memory_space<vmem_shared>>
        tpu.enqueue_indirect_dma source(%dma_start3A_97 : memref<40x128xf32, #tpu.memory_space<vmem>>) target(%dma_start3A_103 : memref<10000x128xf32, #tpu.memory_space<vmem_shared>>) offsets(%dma_start3A_100 : memref<40xi32, #tpu.memory_space<vmem>>) semaphore(%run_scoped3A : memref<!tpu.dma_semaphore, #tpu.memory_space<semaphore_mem>>) {add = true}
        %dma_wait3A = arith.constant 160 : i32
        %dma_wait3A_104 = arith.constant 0 : i32
        %dma_wait3A_105 = tpu.memref_slice %arg6[%dma_wait3A, %dma_wait3A_104] : memref<200x128xf32, #tpu.memory_space<vmem>> -> memref<40x128xf32, #tpu.memory_space<vmem>>
        %dma_wait3A_106 = arith.constant 0 : i32
        %dma_wait3A_107 = tpu.memref_slice %arg5[%add3A_94, %dma_wait3A_106] : memref<125x40xi32, #tpu.memory_space<vmem>> -> memref<1x40xi32, #tpu.memory_space<vmem>>
        %dma_wait3A_108 = tpu.memref_squeeze %dma_wait3A_107 : memref<1x40xi32, #tpu.memory_space<vmem>> -> memref<40xi32, #tpu.memory_space<vmem>>
        %dma_wait3A_109 = arith.constant 0 : i32
        %dma_wait3A_110 = arith.constant 0 : i32
        %dma_wait3A_111 = tpu.memref_slice %arg7[%dma_wait3A_109, %dma_wait3A_110] : memref<10000x128xf32, #tpu.memory_space<vmem_shared>> -> memref<10000x128xf32, #tpu.memory_space<vmem_shared>>
        tpu.wait_indirect_dma semaphore(%run_scoped3A : memref<!tpu.dma_semaphore, #tpu.memory_space<semaphore_mem>>) src(%dma_wait3A_105 : memref<40x128xf32, #tpu.memory_space<vmem>>) dst(%dma_wait3A_111 : memref<10000x128xf32, #tpu.memory_space<vmem_shared>>)
        tpu.yield
      }) : () -> ()
      %scan3A_95 = arith.constant 0 : i32
      scf.yield %scan3A_95 : i32
    }
    %scan3A_40 = arith.constant 25 : i32
    %barrier3A_41 = arith.constant 0 : index
    tpu.barrier barrier_id(%barrier3A_41)
    %add3A_42 = arith.constant 0 : i32
    %add3A_43 = arith.addi %arg1, %add3A_42 : i32
    %lt3A_44 = arith.constant 50 : i32
    %lt3A_45 = arith.cmpi slt, %add3A_43, %lt3A_44 : i32
    %convert_element_type3A_46 = arith.extui %lt3A_45 : i1 to i32
    %cond3A_47 = arith.constant 0 : i32
    %cond3A_48 = arith.cmpi ne, %convert_element_type3A_46, %cond3A_47 : i32
    scf.if %cond3A_48 {
      %mul3A_70 = arith.constant 200 : i32
      %mul3A_71 = arith.muli %add3A_43, %mul3A_70 : i32
      %mul3A_72 = arith.constant 10000 : i32
      %mul3A_73 = arith.muli %arg0, %mul3A_72 : i32
      %mul3A_74 = arith.constant 200 : i32
      %mul3A_75 = arith.muli %add3A_43, %mul3A_74 : i32
      %add3A_76 = arith.addi %mul3A_73, %mul3A_75 : i32
      "tpu.region"() ({
        %run_scoped3A = tpu.sem_alloc : memref<!tpu.dma_semaphore, #tpu.memory_space<semaphore_mem>>
        %dma_start3A = arith.constant 0 : i32
        %dma_start3A_77 = tpu.memref_slice %arg4[%add3A_76, %dma_start3A] : memref<20000x128xf32, #tpu.memory_space<hbm>> -> memref<200x128xf32, #tpu.memory_space<hbm>>
        %dma_start3A_78 = arith.constant 0 : i32
        %dma_start3A_79 = tpu.memref_slice %arg7[%mul3A_71, %dma_start3A_78] : memref<10000x128xf32, #tpu.memory_space<vmem_shared>> -> memref<200x128xf32, #tpu.memory_space<vmem_shared>>
        tpu.enqueue_dma source(%dma_start3A_79 : memref<200x128xf32, #tpu.memory_space<vmem_shared>>) target(%dma_start3A_77 : memref<200x128xf32, #tpu.memory_space<hbm>>) target_semaphore(%run_scoped3A : memref<!tpu.dma_semaphore, #tpu.memory_space<semaphore_mem>>)
        %dma_wait3A = arith.constant 0 : i32
        %dma_wait3A_80 = tpu.memref_slice %arg4[%add3A_76, %dma_wait3A] : memref<20000x128xf32, #tpu.memory_space<hbm>> -> memref<200x128xf32, #tpu.memory_space<hbm>>
        %dma_wait3A_81 = arith.constant 0 : i32
        %dma_wait3A_82 = tpu.memref_slice %arg7[%mul3A_71, %dma_wait3A_81] : memref<10000x128xf32, #tpu.memory_space<vmem_shared>> -> memref<200x128xf32, #tpu.memory_space<vmem_shared>>
        tpu.wait_dma2 semaphore(%run_scoped3A : memref<!tpu.dma_semaphore, #tpu.memory_space<semaphore_mem>>) src(%dma_wait3A_82 : memref<200x128xf32, #tpu.memory_space<vmem_shared>>) dst(%dma_wait3A_80 : memref<200x128xf32, #tpu.memory_space<hbm>>)
        tpu.yield
      }) : () -> ()
    } else {
    }
    %add3A_49 = arith.constant 16 : i32
    %add3A_50 = arith.addi %arg1, %add3A_49 : i32
    %lt3A_51 = arith.constant 50 : i32
    %lt3A_52 = arith.cmpi slt, %add3A_50, %lt3A_51 : i32
    %convert_element_type3A_53 = arith.extui %lt3A_52 : i1 to i32
    %cond3A_54 = arith.constant 0 : i32
    %cond3A_55 = arith.cmpi ne, %convert_element_type3A_53, %cond3A_54 : i32
    scf.if %cond3A_55 {
      %mul3A_70 = arith.constant 200 : i32
      %mul3A_71 = arith.muli %add3A_50, %mul3A_70 : i32
      %mul3A_72 = arith.constant 10000 : i32
      %mul3A_73 = arith.muli %arg0, %mul3A_72 : i32
      %mul3A_74 = arith.constant 200 : i32
      %mul3A_75 = arith.muli %add3A_50, %mul3A_74 : i32
      %add3A_76 = arith.addi %mul3A_73, %mul3A_75 : i32
      "tpu.region"() ({
        %run_scoped3A = tpu.sem_alloc : memref<!tpu.dma_semaphore, #tpu.memory_space<semaphore_mem>>
        %dma_start3A = arith.constant 0 : i32
        %dma_start3A_77 = tpu.memref_slice %arg4[%add3A_76, %dma_start3A] : memref<20000x128xf32, #tpu.memory_space<hbm>> -> memref<200x128xf32, #tpu.memory_space<hbm>>
        %dma_start3A_78 = arith.constant 0 : i32
        %dma_start3A_79 = tpu.memref_slice %arg7[%mul3A_71, %dma_start3A_78] : memref<10000x128xf32, #tpu.memory_space<vmem_shared>> -> memref<200x128xf32, #tpu.memory_space<vmem_shared>>
        tpu.enqueue_dma source(%dma_start3A_79 : memref<200x128xf32, #tpu.memory_space<vmem_shared>>) target(%dma_start3A_77 : memref<200x128xf32, #tpu.memory_space<hbm>>) target_semaphore(%run_scoped3A : memref<!tpu.dma_semaphore, #tpu.memory_space<semaphore_mem>>)
        %dma_wait3A = arith.constant 0 : i32
        %dma_wait3A_80 = tpu.memref_slice %arg4[%add3A_76, %dma_wait3A] : memref<20000x128xf32, #tpu.memory_space<hbm>> -> memref<200x128xf32, #tpu.memory_space<hbm>>
        %dma_wait3A_81 = arith.constant 0 : i32
        %dma_wait3A_82 = tpu.memref_slice %arg7[%mul3A_71, %dma_wait3A_81] : memref<10000x128xf32, #tpu.memory_space<vmem_shared>> -> memref<200x128xf32, #tpu.memory_space<vmem_shared>>
        tpu.wait_dma2 semaphore(%run_scoped3A : memref<!tpu.dma_semaphore, #tpu.memory_space<semaphore_mem>>) src(%dma_wait3A_82 : memref<200x128xf32, #tpu.memory_space<vmem_shared>>) dst(%dma_wait3A_80 : memref<200x128xf32, #tpu.memory_space<hbm>>)
        tpu.yield
      }) : () -> ()
    } else {
    }
    %add3A_56 = arith.constant 32 : i32
    %add3A_57 = arith.addi %arg1, %add3A_56 : i32
    %lt3A_58 = arith.constant 50 : i32
    %lt3A_59 = arith.cmpi slt, %add3A_57, %lt3A_58 : i32
    %convert_element_type3A_60 = arith.extui %lt3A_59 : i1 to i32
    %cond3A_61 = arith.constant 0 : i32
    %cond3A_62 = arith.cmpi ne, %convert_element_type3A_60, %cond3A_61 : i32
    scf.if %cond3A_62 {
      %mul3A_70 = arith.constant 200 : i32
      %mul3A_71 = arith.muli %add3A_57, %mul3A_70 : i32
      %mul3A_72 = arith.constant 10000 : i32
      %mul3A_73 = arith.muli %arg0, %mul3A_72 : i32
      %mul3A_74 = arith.constant 200 : i32
      %mul3A_75 = arith.muli %add3A_57, %mul3A_74 : i32
      %add3A_76 = arith.addi %mul3A_73, %mul3A_75 : i32
      "tpu.region"() ({
        %run_scoped3A = tpu.sem_alloc : memref<!tpu.dma_semaphore, #tpu.memory_space<semaphore_mem>>
        %dma_start3A = arith.constant 0 : i32
        %dma_start3A_77 = tpu.memref_slice %arg4[%add3A_76, %dma_start3A] : memref<20000x128xf32, #tpu.memory_space<hbm>> -> memref<200x128xf32, #tpu.memory_space<hbm>>
        %dma_start3A_78 = arith.constant 0 : i32
        %dma_start3A_79 = tpu.memref_slice %arg7[%mul3A_71, %dma_start3A_78] : memref<10000x128xf32, #tpu.memory_space<vmem_shared>> -> memref<200x128xf32, #tpu.memory_space<vmem_shared>>
        tpu.enqueue_dma source(%dma_start3A_79 : memref<200x128xf32, #tpu.memory_space<vmem_shared>>) target(%dma_start3A_77 : memref<200x128xf32, #tpu.memory_space<hbm>>) target_semaphore(%run_scoped3A : memref<!tpu.dma_semaphore, #tpu.memory_space<semaphore_mem>>)
        %dma_wait3A = arith.constant 0 : i32
        %dma_wait3A_80 = tpu.memref_slice %arg4[%add3A_76, %dma_wait3A] : memref<20000x128xf32, #tpu.memory_space<hbm>> -> memref<200x128xf32, #tpu.memory_space<hbm>>
        %dma_wait3A_81 = arith.constant 0 : i32
        %dma_wait3A_82 = tpu.memref_slice %arg7[%mul3A_71, %dma_wait3A_81] : memref<10000x128xf32, #tpu.memory_space<vmem_shared>> -> memref<200x128xf32, #tpu.memory_space<vmem_shared>>
        tpu.wait_dma2 semaphore(%run_scoped3A : memref<!tpu.dma_semaphore, #tpu.memory_space<semaphore_mem>>) src(%dma_wait3A_82 : memref<200x128xf32, #tpu.memory_space<vmem_shared>>) dst(%dma_wait3A_80 : memref<200x128xf32, #tpu.memory_space<hbm>>)
        tpu.yield
      }) : () -> ()
    } else {
    }
    %add3A_63 = arith.constant 48 : i32
    %add3A_64 = arith.addi %arg1, %add3A_63 : i32
    %lt3A_65 = arith.constant 50 : i32
    %lt3A_66 = arith.cmpi slt, %add3A_64, %lt3A_65 : i32
    %convert_element_type3A_67 = arith.extui %lt3A_66 : i1 to i32
    %cond3A_68 = arith.constant 0 : i32
    %cond3A_69 = arith.cmpi ne, %convert_element_type3A_67, %cond3A_68 : i32
    scf.if %cond3A_69 {
      %mul3A_70 = arith.constant 200 : i32
      %mul3A_71 = arith.muli %add3A_64, %mul3A_70 : i32
      %mul3A_72 = arith.constant 10000 : i32
      %mul3A_73 = arith.muli %arg0, %mul3A_72 : i32
      %mul3A_74 = arith.constant 200 : i32
      %mul3A_75 = arith.muli %add3A_64, %mul3A_74 : i32
      %add3A_76 = arith.addi %mul3A_73, %mul3A_75 : i32
      "tpu.region"() ({
        %run_scoped3A = tpu.sem_alloc : memref<!tpu.dma_semaphore, #tpu.memory_space<semaphore_mem>>
        %dma_start3A = arith.constant 0 : i32
        %dma_start3A_77 = tpu.memref_slice %arg4[%add3A_76, %dma_start3A] : memref<20000x128xf32, #tpu.memory_space<hbm>> -> memref<200x128xf32, #tpu.memory_space<hbm>>
        %dma_start3A_78 = arith.constant 0 : i32
        %dma_start3A_79 = tpu.memref_slice %arg7[%mul3A_71, %dma_start3A_78] : memref<10000x128xf32, #tpu.memory_space<vmem_shared>> -> memref<200x128xf32, #tpu.memory_space<vmem_shared>>
        tpu.enqueue_dma source(%dma_start3A_79 : memref<200x128xf32, #tpu.memory_space<vmem_shared>>) target(%dma_start3A_77 : memref<200x128xf32, #tpu.memory_space<hbm>>) target_semaphore(%run_scoped3A : memref<!tpu.dma_semaphore, #tpu.memory_space<semaphore_mem>>)
        %dma_wait3A = arith.constant 0 : i32
        %dma_wait3A_80 = tpu.memref_slice %arg4[%add3A_76, %dma_wait3A] : memref<20000x128xf32, #tpu.memory_space<hbm>> -> memref<200x128xf32, #tpu.memory_space<hbm>>
        %dma_wait3A_81 = arith.constant 0 : i32
        %dma_wait3A_82 = tpu.memref_slice %arg7[%mul3A_71, %dma_wait3A_81] : memref<10000x128xf32, #tpu.memory_space<vmem_shared>> -> memref<200x128xf32, #tpu.memory_space<vmem_shared>>
        tpu.wait_dma2 semaphore(%run_scoped3A : memref<!tpu.dma_semaphore, #tpu.memory_space<semaphore_mem>>) src(%dma_wait3A_82 : memref<200x128xf32, #tpu.memory_space<vmem_shared>>) dst(%dma_wait3A_80 : memref<200x128xf32, #tpu.memory_space<hbm>>)
        tpu.yield
      }) : () -> ()
    } else {
    }
    return
  }
}

#map = affine_map<(d0, d1) -> (0, 0)>
#map1 = affine_map<(d0, d1) -> (0, 0, 0)>
module attributes {stable_mosaic.version = 14 : i64} {
  func.func @k(%arg0: i32, %arg1: i32, %arg2: memref<10000x128xf32, #tpu.memory_space<hbm>>, %arg3: memref<10000x128xf32, #tpu.memory_space<hbm>>, %arg4: memref<32x125x40xi32, #tpu.memory_space<hbm>>, %arg5: memref<32x125x40xi32, #tpu.memory_space<hbm>>, %arg6: memref<160000x128xf32, #tpu.memory_space<hbm>>, %arg7: memref<125x40xi32, #tpu.memory_space<vmem>>, %arg8: memref<125x40xi32, #tpu.memory_space<vmem>>, %arg9: memref<40x128xf32, #tpu.memory_space<vmem>>, %arg10: memref<40x128xf32, #tpu.memory_space<vmem>>, %arg11: memref<40x128xf32, #tpu.memory_space<vmem>>, %arg12: memref<40x128xf32, #tpu.memory_space<vmem>>, %arg13: memref<!tpu.dma_semaphore, #tpu.memory_space<semaphore_mem>>, %arg14: memref<!tpu.dma_semaphore, #tpu.memory_space<semaphore_mem>>, %arg15: memref<!tpu.dma_semaphore, #tpu.memory_space<semaphore_mem>>, %arg16: memref<!tpu.dma_semaphore, #tpu.memory_space<semaphore_mem>>) attributes {dimension_semantics = [#tpu.dimension_semantics<core_parallel>, #tpu.dimension_semantics<subcore_parallel>], iteration_bounds = array<i64: 2, 16>, scalar_prefetch = 0 : i64, scratch_operands = 10 : i64, tpu.core_type = #tpu.core_type<sc_vector_subcore>, window_params = [{transform_indices = #map}, {transform_indices = #map}, {transform_indices = #map1}, {transform_indices = #map1}, {transform_indices = #map}]} {
    %mul3A = arith.constant 2 : i32
    %mul3A_0 = arith.muli %arg1, %mul3A : i32
    %add3A = arith.addi %mul3A_0, %arg0 : i32
    "tpu.region"() ({
      %run_scoped3A = tpu.sem_alloc : memref<!tpu.dma_semaphore, #tpu.memory_space<semaphore_mem>>
      %dma_start3A_35 = arith.constant 0 : i32
      %dma_start3A_36 = arith.constant 0 : i32
      %dma_start3A_37 = tpu.memref_slice %arg4[%add3A, %dma_start3A_35, %dma_start3A_36] : memref<32x125x40xi32, #tpu.memory_space<hbm>> -> memref<1x125x40xi32, #tpu.memory_space<hbm>>
      %dma_start3A_38 = tpu.memref_squeeze %dma_start3A_37 : memref<1x125x40xi32, #tpu.memory_space<hbm>> -> memref<125x40xi32, #tpu.memory_space<hbm>>
      %dma_start3A_39 = arith.constant 0 : i32
      %dma_start3A_40 = arith.constant 0 : i32
      %dma_start3A_41 = tpu.memref_slice %arg4[%add3A, %dma_start3A_39, %dma_start3A_40] : memref<32x125x40xi32, #tpu.memory_space<hbm>> -> memref<1x125x40xi32, #tpu.memory_space<hbm>>
      %dma_start3A_42 = tpu.memref_squeeze %dma_start3A_41 : memref<1x125x40xi32, #tpu.memory_space<hbm>> -> memref<125x40xi32, #tpu.memory_space<hbm>>
      tpu.enqueue_dma source(%dma_start3A_42 : memref<125x40xi32, #tpu.memory_space<hbm>>) target(%arg7 : memref<125x40xi32, #tpu.memory_space<vmem>>) target_semaphore(%run_scoped3A : memref<!tpu.dma_semaphore, #tpu.memory_space<semaphore_mem>>)
      %dma_wait3A_43 = arith.constant 0 : i32
      %dma_wait3A_44 = arith.constant 0 : i32
      %dma_wait3A_45 = tpu.memref_slice %arg4[%add3A, %dma_wait3A_43, %dma_wait3A_44] : memref<32x125x40xi32, #tpu.memory_space<hbm>> -> memref<1x125x40xi32, #tpu.memory_space<hbm>>
      %dma_wait3A_46 = tpu.memref_squeeze %dma_wait3A_45 : memref<1x125x40xi32, #tpu.memory_space<hbm>> -> memref<125x40xi32, #tpu.memory_space<hbm>>
      %dma_wait3A_47 = arith.constant 0 : i32
      %dma_wait3A_48 = arith.constant 0 : i32
      %dma_wait3A_49 = tpu.memref_slice %arg4[%add3A, %dma_wait3A_47, %dma_wait3A_48] : memref<32x125x40xi32, #tpu.memory_space<hbm>> -> memref<1x125x40xi32, #tpu.memory_space<hbm>>
      %dma_wait3A_50 = tpu.memref_squeeze %dma_wait3A_49 : memref<1x125x40xi32, #tpu.memory_space<hbm>> -> memref<125x40xi32, #tpu.memory_space<hbm>>
      tpu.wait_dma2 semaphore(%run_scoped3A : memref<!tpu.dma_semaphore, #tpu.memory_space<semaphore_mem>>) src(%dma_wait3A_50 : memref<125x40xi32, #tpu.memory_space<hbm>>) dst(%arg7 : memref<125x40xi32, #tpu.memory_space<vmem>>)
      tpu.yield
    }) : () -> ()
    "tpu.region"() ({
      %run_scoped3A = tpu.sem_alloc : memref<!tpu.dma_semaphore, #tpu.memory_space<semaphore_mem>>
      %dma_start3A_35 = arith.constant 0 : i32
      %dma_start3A_36 = arith.constant 0 : i32
      %dma_start3A_37 = tpu.memref_slice %arg5[%add3A, %dma_start3A_35, %dma_start3A_36] : memref<32x125x40xi32, #tpu.memory_space<hbm>> -> memref<1x125x40xi32, #tpu.memory_space<hbm>>
      %dma_start3A_38 = tpu.memref_squeeze %dma_start3A_37 : memref<1x125x40xi32, #tpu.memory_space<hbm>> -> memref<125x40xi32, #tpu.memory_space<hbm>>
      %dma_start3A_39 = arith.constant 0 : i32
      %dma_start3A_40 = arith.constant 0 : i32
      %dma_start3A_41 = tpu.memref_slice %arg5[%add3A, %dma_start3A_39, %dma_start3A_40] : memref<32x125x40xi32, #tpu.memory_space<hbm>> -> memref<1x125x40xi32, #tpu.memory_space<hbm>>
      %dma_start3A_42 = tpu.memref_squeeze %dma_start3A_41 : memref<1x125x40xi32, #tpu.memory_space<hbm>> -> memref<125x40xi32, #tpu.memory_space<hbm>>
      tpu.enqueue_dma source(%dma_start3A_42 : memref<125x40xi32, #tpu.memory_space<hbm>>) target(%arg8 : memref<125x40xi32, #tpu.memory_space<vmem>>) target_semaphore(%run_scoped3A : memref<!tpu.dma_semaphore, #tpu.memory_space<semaphore_mem>>)
      %dma_wait3A_43 = arith.constant 0 : i32
      %dma_wait3A_44 = arith.constant 0 : i32
      %dma_wait3A_45 = tpu.memref_slice %arg5[%add3A, %dma_wait3A_43, %dma_wait3A_44] : memref<32x125x40xi32, #tpu.memory_space<hbm>> -> memref<1x125x40xi32, #tpu.memory_space<hbm>>
      %dma_wait3A_46 = tpu.memref_squeeze %dma_wait3A_45 : memref<1x125x40xi32, #tpu.memory_space<hbm>> -> memref<125x40xi32, #tpu.memory_space<hbm>>
      %dma_wait3A_47 = arith.constant 0 : i32
      %dma_wait3A_48 = arith.constant 0 : i32
      %dma_wait3A_49 = tpu.memref_slice %arg5[%add3A, %dma_wait3A_47, %dma_wait3A_48] : memref<32x125x40xi32, #tpu.memory_space<hbm>> -> memref<1x125x40xi32, #tpu.memory_space<hbm>>
      %dma_wait3A_50 = tpu.memref_squeeze %dma_wait3A_49 : memref<1x125x40xi32, #tpu.memory_space<hbm>> -> memref<125x40xi32, #tpu.memory_space<hbm>>
      tpu.wait_dma2 semaphore(%run_scoped3A : memref<!tpu.dma_semaphore, #tpu.memory_space<semaphore_mem>>) src(%dma_wait3A_50 : memref<125x40xi32, #tpu.memory_space<hbm>>) dst(%arg8 : memref<125x40xi32, #tpu.memory_space<vmem>>)
      tpu.yield
    }) : () -> ()
    %mul3A_1 = arith.constant 125 : i32
    %mul3A_2 = arith.muli %add3A, %mul3A_1 : i32
    %dma_start3A = arith.constant 0 : i32
    %dma_start3A_3 = arith.constant 0 : i32
    %dma_start3A_4 = arith.constant 0 : i32
    %dma_start3A_5 = tpu.memref_slice %arg9[%dma_start3A_3, %dma_start3A_4] : memref<40x128xf32, #tpu.memory_space<vmem>> -> memref<40x128xf32, #tpu.memory_space<vmem>>
    %dma_start3A_6 = arith.constant 0 : i32
    %dma_start3A_7 = tpu.memref_slice %arg7[%dma_start3A, %dma_start3A_6] : memref<125x40xi32, #tpu.memory_space<vmem>> -> memref<1x40xi32, #tpu.memory_space<vmem>>
    %dma_start3A_8 = tpu.memref_squeeze %dma_start3A_7 : memref<1x40xi32, #tpu.memory_space<vmem>> -> memref<40xi32, #tpu.memory_space<vmem>>
    %dma_start3A_9 = arith.constant 0 : i32
    %dma_start3A_10 = arith.constant 0 : i32
    %dma_start3A_11 = tpu.memref_slice %arg2[%dma_start3A_9, %dma_start3A_10] : memref<10000x128xf32, #tpu.memory_space<hbm>> -> memref<10000x128xf32, #tpu.memory_space<hbm>>
    tpu.enqueue_indirect_dma source(%dma_start3A_11 : memref<10000x128xf32, #tpu.memory_space<hbm>>) target(%dma_start3A_5 : memref<40x128xf32, #tpu.memory_space<vmem>>) offsets(%dma_start3A_8 : memref<40xi32, #tpu.memory_space<vmem>>) semaphore(%arg13 : memref<!tpu.dma_semaphore, #tpu.memory_space<semaphore_mem>>)
    %dma_start3A_12 = arith.constant 0 : i32
    %dma_start3A_13 = arith.constant 0 : i32
    %dma_start3A_14 = arith.constant 0 : i32
    %dma_start3A_15 = tpu.memref_slice %arg10[%dma_start3A_13, %dma_start3A_14] : memref<40x128xf32, #tpu.memory_space<vmem>> -> memref<40x128xf32, #tpu.memory_space<vmem>>
    %dma_start3A_16 = arith.constant 0 : i32
    %dma_start3A_17 = tpu.memref_slice %arg8[%dma_start3A_12, %dma_start3A_16] : memref<125x40xi32, #tpu.memory_space<vmem>> -> memref<1x40xi32, #tpu.memory_space<vmem>>
    %dma_start3A_18 = tpu.memref_squeeze %dma_start3A_17 : memref<1x40xi32, #tpu.memory_space<vmem>> -> memref<40xi32, #tpu.memory_space<vmem>>
    %dma_start3A_19 = arith.constant 0 : i32
    %dma_start3A_20 = arith.constant 0 : i32
    %dma_start3A_21 = tpu.memref_slice %arg3[%dma_start3A_19, %dma_start3A_20] : memref<10000x128xf32, #tpu.memory_space<hbm>> -> memref<10000x128xf32, #tpu.memory_space<hbm>>
    tpu.enqueue_indirect_dma source(%dma_start3A_21 : memref<10000x128xf32, #tpu.memory_space<hbm>>) target(%dma_start3A_15 : memref<40x128xf32, #tpu.memory_space<vmem>>) offsets(%dma_start3A_18 : memref<40xi32, #tpu.memory_space<vmem>>) semaphore(%arg13 : memref<!tpu.dma_semaphore, #tpu.memory_space<semaphore_mem>>)
    %scan3A = arith.constant 0 : i32
    %scan3A_22 = arith.constant 0 : i32
    %scan3A_23 = arith.constant 63 : i32
    %scan3A_24 = arith.addi %scan3A_22, %scan3A_23 : i32
    %scan3A_25 = arith.constant 1 : i32
    %scan3A_26 = scf.for %scan3A_35 = %scan3A_22 to %scan3A_24 step %scan3A_25 iter_args(%scan3A_36 = %scan3A) -> (i32)  : i32 {
      %mul3A_37 = arith.constant 2 : i32
      %mul3A_38 = arith.muli %mul3A_37, %scan3A_35 : i32
      %gt3A = arith.constant 0 : i32
      %gt3A_39 = arith.cmpi sgt, %scan3A_35, %gt3A : i32
      %convert_element_type3A = arith.extui %gt3A_39 : i1 to i32
      %cond3A = arith.constant 0 : i32
      %cond3A_40 = arith.cmpi ne, %convert_element_type3A, %cond3A : i32
      scf.if %cond3A_40 {
        %sub3A = arith.constant 1 : i32
        %sub3A_96 = arith.subi %mul3A_38, %sub3A : i32
        %add3A_97 = arith.addi %mul3A_2, %sub3A_96 : i32
        %mul3A_98 = arith.constant 40 : i32
        %mul3A_99 = arith.muli %add3A_97, %mul3A_98 : i32
        %dma_wait3A_100 = arith.constant 0 : i32
        %dma_wait3A_101 = tpu.memref_slice %arg6[%mul3A_99, %dma_wait3A_100] : memref<160000x128xf32, #tpu.memory_space<hbm>> -> memref<40x128xf32, #tpu.memory_space<hbm>>
        %dma_wait3A_102 = arith.constant 0 : i32
        %dma_wait3A_103 = tpu.memref_slice %arg6[%mul3A_99, %dma_wait3A_102] : memref<160000x128xf32, #tpu.memory_space<hbm>> -> memref<40x128xf32, #tpu.memory_space<hbm>>
        tpu.wait_dma2 semaphore(%arg16 : memref<!tpu.dma_semaphore, #tpu.memory_space<semaphore_mem>>) src(%arg11 : memref<40x128xf32, #tpu.memory_space<vmem>>) dst(%dma_wait3A_103 : memref<40x128xf32, #tpu.memory_space<hbm>>)
      } else {
      }
      %add3A_41 = arith.constant 1 : i32
      %add3A_42 = arith.addi %mul3A_38, %add3A_41 : i32
      %lt3A = arith.constant 125 : i32
      %lt3A_43 = arith.cmpi slt, %add3A_42, %lt3A : i32
      %convert_element_type3A_44 = arith.extui %lt3A_43 : i1 to i32
      %cond3A_45 = arith.constant 0 : i32
      %cond3A_46 = arith.cmpi ne, %convert_element_type3A_44, %cond3A_45 : i32
      scf.if %cond3A_46 {
        %add3A_96 = arith.constant 1 : i32
        %add3A_97 = arith.addi %mul3A_38, %add3A_96 : i32
        %mul3A_98 = arith.constant 1 : i32
        %mul3A_99 = arith.muli %add3A_97, %mul3A_98 : i32
        %add3A_100 = arith.constant 0 : i32
        %add3A_101 = arith.addi %mul3A_99, %add3A_100 : i32
        %dma_start3A_102 = arith.constant 0 : i32
        %dma_start3A_103 = arith.constant 0 : i32
        %dma_start3A_104 = tpu.memref_slice %arg11[%dma_start3A_102, %dma_start3A_103] : memref<40x128xf32, #tpu.memory_space<vmem>> -> memref<40x128xf32, #tpu.memory_space<vmem>>
        %dma_start3A_105 = arith.constant 0 : i32
        %dma_start3A_106 = tpu.memref_slice %arg7[%add3A_101, %dma_start3A_105] : memref<125x40xi32, #tpu.memory_space<vmem>> -> memref<1x40xi32, #tpu.memory_space<vmem>>
        %dma_start3A_107 = tpu.memref_squeeze %dma_start3A_106 : memref<1x40xi32, #tpu.memory_space<vmem>> -> memref<40xi32, #tpu.memory_space<vmem>>
        %dma_start3A_108 = arith.constant 0 : i32
        %dma_start3A_109 = arith.constant 0 : i32
        %dma_start3A_110 = tpu.memref_slice %arg2[%dma_start3A_108, %dma_start3A_109] : memref<10000x128xf32, #tpu.memory_space<hbm>> -> memref<10000x128xf32, #tpu.memory_space<hbm>>
        tpu.enqueue_indirect_dma source(%dma_start3A_110 : memref<10000x128xf32, #tpu.memory_space<hbm>>) target(%dma_start3A_104 : memref<40x128xf32, #tpu.memory_space<vmem>>) offsets(%dma_start3A_107 : memref<40xi32, #tpu.memory_space<vmem>>) semaphore(%arg14 : memref<!tpu.dma_semaphore, #tpu.memory_space<semaphore_mem>>)
        %mul3A_111 = arith.constant 1 : i32
        %mul3A_112 = arith.muli %add3A_97, %mul3A_111 : i32
        %add3A_113 = arith.constant 0 : i32
        %add3A_114 = arith.addi %mul3A_112, %add3A_113 : i32
        %dma_start3A_115 = arith.constant 0 : i32
        %dma_start3A_116 = arith.constant 0 : i32
        %dma_start3A_117 = tpu.memref_slice %arg12[%dma_start3A_115, %dma_start3A_116] : memref<40x128xf32, #tpu.memory_space<vmem>> -> memref<40x128xf32, #tpu.memory_space<vmem>>
        %dma_start3A_118 = arith.constant 0 : i32
        %dma_start3A_119 = tpu.memref_slice %arg8[%add3A_114, %dma_start3A_118] : memref<125x40xi32, #tpu.memory_space<vmem>> -> memref<1x40xi32, #tpu.memory_space<vmem>>
        %dma_start3A_120 = tpu.memref_squeeze %dma_start3A_119 : memref<1x40xi32, #tpu.memory_space<vmem>> -> memref<40xi32, #tpu.memory_space<vmem>>
        %dma_start3A_121 = arith.constant 0 : i32
        %dma_start3A_122 = arith.constant 0 : i32
        %dma_start3A_123 = tpu.memref_slice %arg3[%dma_start3A_121, %dma_start3A_122] : memref<10000x128xf32, #tpu.memory_space<hbm>> -> memref<10000x128xf32, #tpu.memory_space<hbm>>
        tpu.enqueue_indirect_dma source(%dma_start3A_123 : memref<10000x128xf32, #tpu.memory_space<hbm>>) target(%dma_start3A_117 : memref<40x128xf32, #tpu.memory_space<vmem>>) offsets(%dma_start3A_120 : memref<40xi32, #tpu.memory_space<vmem>>) semaphore(%arg14 : memref<!tpu.dma_semaphore, #tpu.memory_space<semaphore_mem>>)
      } else {
      }
      %dma_wait3A_47 = arith.constant 0 : i32
      %dma_wait3A_48 = arith.constant 0 : i32
      %dma_wait3A_49 = arith.constant 0 : i32
      %dma_wait3A_50 = tpu.memref_slice %arg9[%dma_wait3A_48, %dma_wait3A_49] : memref<40x128xf32, #tpu.memory_space<vmem>> -> memref<40x128xf32, #tpu.memory_space<vmem>>
      %dma_wait3A_51 = arith.constant 0 : i32
      %dma_wait3A_52 = tpu.memref_slice %arg7[%dma_wait3A_47, %dma_wait3A_51] : memref<125x40xi32, #tpu.memory_space<vmem>> -> memref<1x40xi32, #tpu.memory_space<vmem>>
      %dma_wait3A_53 = tpu.memref_squeeze %dma_wait3A_52 : memref<1x40xi32, #tpu.memory_space<vmem>> -> memref<40xi32, #tpu.memory_space<vmem>>
      %dma_wait3A_54 = arith.constant 0 : i32
      %dma_wait3A_55 = arith.constant 0 : i32
      %dma_wait3A_56 = tpu.memref_slice %arg2[%dma_wait3A_54, %dma_wait3A_55] : memref<10000x128xf32, #tpu.memory_space<hbm>> -> memref<10000x128xf32, #tpu.memory_space<hbm>>
      tpu.wait_indirect_dma semaphore(%arg13 : memref<!tpu.dma_semaphore, #tpu.memory_space<semaphore_mem>>) src(%dma_wait3A_56 : memref<10000x128xf32, #tpu.memory_space<hbm>>) dst(%dma_wait3A_50 : memref<40x128xf32, #tpu.memory_space<vmem>>)
      %dma_wait3A_57 = arith.constant 0 : i32
      %dma_wait3A_58 = arith.constant 0 : i32
      %dma_wait3A_59 = arith.constant 0 : i32
      %dma_wait3A_60 = tpu.memref_slice %arg9[%dma_wait3A_58, %dma_wait3A_59] : memref<40x128xf32, #tpu.memory_space<vmem>> -> memref<40x128xf32, #tpu.memory_space<vmem>>
      %dma_wait3A_61 = arith.constant 0 : i32
      %dma_wait3A_62 = tpu.memref_slice %arg7[%dma_wait3A_57, %dma_wait3A_61] : memref<125x40xi32, #tpu.memory_space<vmem>> -> memref<1x40xi32, #tpu.memory_space<vmem>>
      %dma_wait3A_63 = tpu.memref_squeeze %dma_wait3A_62 : memref<1x40xi32, #tpu.memory_space<vmem>> -> memref<40xi32, #tpu.memory_space<vmem>>
      %dma_wait3A_64 = arith.constant 0 : i32
      %dma_wait3A_65 = arith.constant 0 : i32
      %dma_wait3A_66 = tpu.memref_slice %arg2[%dma_wait3A_64, %dma_wait3A_65] : memref<10000x128xf32, #tpu.memory_space<hbm>> -> memref<10000x128xf32, #tpu.memory_space<hbm>>
      tpu.wait_indirect_dma semaphore(%arg13 : memref<!tpu.dma_semaphore, #tpu.memory_space<semaphore_mem>>) src(%dma_wait3A_66 : memref<10000x128xf32, #tpu.memory_space<hbm>>) dst(%dma_wait3A_60 : memref<40x128xf32, #tpu.memory_space<vmem>>)
      %scan3A_67 = arith.constant 0 : i32
      %scan3A_68 = arith.constant 0 : i32
      %scan3A_69 = arith.constant 40 : i32
      %scan3A_70 = arith.addi %scan3A_68, %scan3A_69 : i32
      %scan3A_71 = arith.constant 1 : i32
      %scan3A_72 = scf.for %scan3A_96 = %scan3A_68 to %scan3A_70 step %scan3A_71 iter_args(%scan3A_97 = %scan3A_67) -> (i32)  : i32 {
        %get3A = arith.index_cast %scan3A_96 : i32 to index
        %get3A_98 = arith.constant 0 : index
        %get3A_99 = tpu.vector_load %arg10[%get3A, %get3A_98] {strides = array<i32>} : memref<40x128xf32, #tpu.memory_space<vmem>>, vector<1x16xf32>,
        %get3A_100 = vector.shape_cast %get3A_99 : vector<1x16xf32> to vector<16xf32>
        %swap3A = arith.index_cast %scan3A_96 : i32 to index
        %swap3A_101 = arith.constant 0 : index
        %swap3A_102 = tpu.vector_load %arg9[%swap3A, %swap3A_101] {strides = array<i32>} : memref<40x128xf32, #tpu.memory_space<vmem>>, vector<1x16xf32>,
        %swap3A_103 = vector.shape_cast %swap3A_102 : vector<1x16xf32> to vector<16xf32>
        %swap3A_104 = vector.shape_cast %get3A_100 : vector<16xf32> to vector<1x16xf32>
        tpu.vector_store %arg9[%swap3A, %swap3A_101], %swap3A_104 {add = true, strides = array<i32>} : memref<40x128xf32, #tpu.memory_space<vmem>>, vector<1x16xf32>,
        %get3A_105 = arith.index_cast %scan3A_96 : i32 to index
        %get3A_106 = arith.constant 16 : index
        %get3A_107 = tpu.vector_load %arg10[%get3A_105, %get3A_106] {strides = array<i32>} : memref<40x128xf32, #tpu.memory_space<vmem>>, vector<1x16xf32>,
        %get3A_108 = vector.shape_cast %get3A_107 : vector<1x16xf32> to vector<16xf32>
        %swap3A_109 = arith.index_cast %scan3A_96 : i32 to index
        %swap3A_110 = arith.constant 16 : index
        %swap3A_111 = tpu.vector_load %arg9[%swap3A_109, %swap3A_110] {strides = array<i32>} : memref<40x128xf32, #tpu.memory_space<vmem>>, vector<1x16xf32>,
        %swap3A_112 = vector.shape_cast %swap3A_111 : vector<1x16xf32> to vector<16xf32>
        %swap3A_113 = vector.shape_cast %get3A_108 : vector<16xf32> to vector<1x16xf32>
        tpu.vector_store %arg9[%swap3A_109, %swap3A_110], %swap3A_113 {add = true, strides = array<i32>} : memref<40x128xf32, #tpu.memory_space<vmem>>, vector<1x16xf32>,
        %get3A_114 = arith.index_cast %scan3A_96 : i32 to index
        %get3A_115 = arith.constant 32 : index
        %get3A_116 = tpu.vector_load %arg10[%get3A_114, %get3A_115] {strides = array<i32>} : memref<40x128xf32, #tpu.memory_space<vmem>>, vector<1x16xf32>,
        %get3A_117 = vector.shape_cast %get3A_116 : vector<1x16xf32> to vector<16xf32>
        %swap3A_118 = arith.index_cast %scan3A_96 : i32 to index
        %swap3A_119 = arith.constant 32 : index
        %swap3A_120 = tpu.vector_load %arg9[%swap3A_118, %swap3A_119] {strides = array<i32>} : memref<40x128xf32, #tpu.memory_space<vmem>>, vector<1x16xf32>,
        %swap3A_121 = vector.shape_cast %swap3A_120 : vector<1x16xf32> to vector<16xf32>
        %swap3A_122 = vector.shape_cast %get3A_117 : vector<16xf32> to vector<1x16xf32>
        tpu.vector_store %arg9[%swap3A_118, %swap3A_119], %swap3A_122 {add = true, strides = array<i32>} : memref<40x128xf32, #tpu.memory_space<vmem>>, vector<1x16xf32>,
        %get3A_123 = arith.index_cast %scan3A_96 : i32 to index
        %get3A_124 = arith.constant 48 : index
        %get3A_125 = tpu.vector_load %arg10[%get3A_123, %get3A_124] {strides = array<i32>} : memref<40x128xf32, #tpu.memory_space<vmem>>, vector<1x16xf32>,
        %get3A_126 = vector.shape_cast %get3A_125 : vector<1x16xf32> to vector<16xf32>
        %swap3A_127 = arith.index_cast %scan3A_96 : i32 to index
        %swap3A_128 = arith.constant 48 : index
        %swap3A_129 = tpu.vector_load %arg9[%swap3A_127, %swap3A_128] {strides = array<i32>} : memref<40x128xf32, #tpu.memory_space<vmem>>, vector<1x16xf32>,
        %swap3A_130 = vector.shape_cast %swap3A_129 : vector<1x16xf32> to vector<16xf32>
        %swap3A_131 = vector.shape_cast %get3A_126 : vector<16xf32> to vector<1x16xf32>
        tpu.vector_store %arg9[%swap3A_127, %swap3A_128], %swap3A_131 {add = true, strides = array<i32>} : memref<40x128xf32, #tpu.memory_space<vmem>>, vector<1x16xf32>,
        %get3A_132 = arith.index_cast %scan3A_96 : i32 to index
        %get3A_133 = arith.constant 64 : index
        %get3A_134 = tpu.vector_load %arg10[%get3A_132, %get3A_133] {strides = array<i32>} : memref<40x128xf32, #tpu.memory_space<vmem>>, vector<1x16xf32>,
        %get3A_135 = vector.shape_cast %get3A_134 : vector<1x16xf32> to vector<16xf32>
        %swap3A_136 = arith.index_cast %scan3A_96 : i32 to index
        %swap3A_137 = arith.constant 64 : index
        %swap3A_138 = tpu.vector_load %arg9[%swap3A_136, %swap3A_137] {strides = array<i32>} : memref<40x128xf32, #tpu.memory_space<vmem>>, vector<1x16xf32>,
        %swap3A_139 = vector.shape_cast %swap3A_138 : vector<1x16xf32> to vector<16xf32>
        %swap3A_140 = vector.shape_cast %get3A_135 : vector<16xf32> to vector<1x16xf32>
        tpu.vector_store %arg9[%swap3A_136, %swap3A_137], %swap3A_140 {add = true, strides = array<i32>} : memref<40x128xf32, #tpu.memory_space<vmem>>, vector<1x16xf32>,
        %get3A_141 = arith.index_cast %scan3A_96 : i32 to index
        %get3A_142 = arith.constant 80 : index
        %get3A_143 = tpu.vector_load %arg10[%get3A_141, %get3A_142] {strides = array<i32>} : memref<40x128xf32, #tpu.memory_space<vmem>>, vector<1x16xf32>,
        %get3A_144 = vector.shape_cast %get3A_143 : vector<1x16xf32> to vector<16xf32>
        %swap3A_145 = arith.index_cast %scan3A_96 : i32 to index
        %swap3A_146 = arith.constant 80 : index
        %swap3A_147 = tpu.vector_load %arg9[%swap3A_145, %swap3A_146] {strides = array<i32>} : memref<40x128xf32, #tpu.memory_space<vmem>>, vector<1x16xf32>,
        %swap3A_148 = vector.shape_cast %swap3A_147 : vector<1x16xf32> to vector<16xf32>
        %swap3A_149 = vector.shape_cast %get3A_144 : vector<16xf32> to vector<1x16xf32>
        tpu.vector_store %arg9[%swap3A_145, %swap3A_146], %swap3A_149 {add = true, strides = array<i32>} : memref<40x128xf32, #tpu.memory_space<vmem>>, vector<1x16xf32>,
        %get3A_150 = arith.index_cast %scan3A_96 : i32 to index
        %get3A_151 = arith.constant 96 : index
        %get3A_152 = tpu.vector_load %arg10[%get3A_150, %get3A_151] {strides = array<i32>} : memref<40x128xf32, #tpu.memory_space<vmem>>, vector<1x16xf32>,
        %get3A_153 = vector.shape_cast %get3A_152 : vector<1x16xf32> to vector<16xf32>
        %swap3A_154 = arith.index_cast %scan3A_96 : i32 to index
        %swap3A_155 = arith.constant 96 : index
        %swap3A_156 = tpu.vector_load %arg9[%swap3A_154, %swap3A_155] {strides = array<i32>} : memref<40x128xf32, #tpu.memory_space<vmem>>, vector<1x16xf32>,
        %swap3A_157 = vector.shape_cast %swap3A_156 : vector<1x16xf32> to vector<16xf32>
        %swap3A_158 = vector.shape_cast %get3A_153 : vector<16xf32> to vector<1x16xf32>
        tpu.vector_store %arg9[%swap3A_154, %swap3A_155], %swap3A_158 {add = true, strides = array<i32>} : memref<40x128xf32, #tpu.memory_space<vmem>>, vector<1x16xf32>,
        %get3A_159 = arith.index_cast %scan3A_96 : i32 to index
        %get3A_160 = arith.constant 112 : index
        %get3A_161 = tpu.vector_load %arg10[%get3A_159, %get3A_160] {strides = array<i32>} : memref<40x128xf32, #tpu.memory_space<vmem>>, vector<1x16xf32>,
        %get3A_162 = vector.shape_cast %get3A_161 : vector<1x16xf32> to vector<16xf32>
        %swap3A_163 = arith.index_cast %scan3A_96 : i32 to index
        %swap3A_164 = arith.constant 112 : index
        %swap3A_165 = tpu.vector_load %arg9[%swap3A_163, %swap3A_164] {strides = array<i32>} : memref<40x128xf32, #tpu.memory_space<vmem>>, vector<1x16xf32>,
        %swap3A_166 = vector.shape_cast %swap3A_165 : vector<1x16xf32> to vector<16xf32>
        %swap3A_167 = vector.shape_cast %get3A_162 : vector<16xf32> to vector<1x16xf32>
        tpu.vector_store %arg9[%swap3A_163, %swap3A_164], %swap3A_167 {add = true, strides = array<i32>} : memref<40x128xf32, #tpu.memory_space<vmem>>, vector<1x16xf32>,
        %scan3A_168 = arith.constant 0 : i32
        scf.yield %scan3A_168 : i32
      }
      %scan3A_73 = arith.constant 40 : i32
      %add3A_74 = arith.addi %mul3A_2, %mul3A_38 : i32
      %mul3A_75 = arith.constant 40 : i32
      %mul3A_76 = arith.muli %add3A_74, %mul3A_75 : i32
      %dma_start3A_77 = arith.constant 0 : i32
      %dma_start3A_78 = tpu.memref_slice %arg6[%mul3A_76, %dma_start3A_77] : memref<160000x128xf32, #tpu.memory_space<hbm>> -> memref<40x128xf32, #tpu.memory_space<hbm>>
      %dma_start3A_79 = arith.constant 0 : i32
      %dma_start3A_80 = tpu.memref_slice %arg6[%mul3A_76, %dma_start3A_79] : memref<160000x128xf32, #tpu.memory_space<hbm>> -> memref<40x128xf32, #tpu.memory_space<hbm>>
      tpu.enqueue_dma source(%arg9 : memref<40x128xf32, #tpu.memory_space<vmem>>) target(%dma_start3A_80 : memref<40x128xf32, #tpu.memory_space<hbm>>) target_semaphore(%arg15 : memref<!tpu.dma_semaphore, #tpu.memory_space<semaphore_mem>>)
      %add3A_81 = arith.constant 2 : i32
      %add3A_82 = arith.addi %mul3A_38, %add3A_81 : i32
      %lt3A_83 = arith.constant 125 : i32
      %lt3A_84 = arith.cmpi slt, %add3A_82, %lt3A_83 : i32
      %convert_element_type3A_85 = arith.extui %lt3A_84 : i1 to i32
      %cond3A_86 = arith.constant 0 : i32
      %cond3A_87 = arith.cmpi ne, %convert_element_type3A_85, %cond3A_86 : i32
      scf.if %cond3A_87 {
        %add3A_96 = arith.addi %mul3A_2, %mul3A_38 : i32
        %mul3A_97 = arith.constant 40 : i32
        %mul3A_98 = arith.muli %add3A_96, %mul3A_97 : i32
        %dma_wait3A_99 = arith.constant 0 : i32
        %dma_wait3A_100 = tpu.memref_slice %arg6[%mul3A_98, %dma_wait3A_99] : memref<160000x128xf32, #tpu.memory_space<hbm>> -> memref<40x128xf32, #tpu.memory_space<hbm>>
        %dma_wait3A_101 = arith.constant 0 : i32
        %dma_wait3A_102 = tpu.memref_slice %arg6[%mul3A_98, %dma_wait3A_101] : memref<160000x128xf32, #tpu.memory_space<hbm>> -> memref<40x128xf32, #tpu.memory_space<hbm>>
        tpu.wait_dma2 semaphore(%arg15 : memref<!tpu.dma_semaphore, #tpu.memory_space<semaphore_mem>>) src(%arg9 : memref<40x128xf32, #tpu.memory_space<vmem>>) dst(%dma_wait3A_102 : memref<40x128xf32, #tpu.memory_space<hbm>>)
        %add3A_103 = arith.constant 2 : i32
        %add3A_104 = arith.addi %mul3A_38, %add3A_103 : i32
        %mul3A_105 = arith.constant 1 : i32
        %mul3A_106 = arith.muli %add3A_104, %mul3A_105 : i32
        %add3A_107 = arith.constant 0 : i32
        %add3A_108 = arith.addi %mul3A_106, %add3A_107 : i32
        %dma_start3A_109 = arith.constant 0 : i32
        %dma_start3A_110 = arith.constant 0 : i32
        %dma_start3A_111 = tpu.memref_slice %arg9[%dma_start3A_109, %dma_start3A_110] : memref<40x128xf32, #tpu.memory_space<vmem>> -> memref<40x128xf32, #tpu.memory_space<vmem>>
        %dma_start3A_112 = arith.constant 0 : i32
        %dma_start3A_113 = tpu.memref_slice %arg7[%add3A_108, %dma_start3A_112] : memref<125x40xi32, #tpu.memory_space<vmem>> -> memref<1x40xi32, #tpu.memory_space<vmem>>
        %dma_start3A_114 = tpu.memref_squeeze %dma_start3A_113 : memref<1x40xi32, #tpu.memory_space<vmem>> -> memref<40xi32, #tpu.memory_space<vmem>>
        %dma_start3A_115 = arith.constant 0 : i32
        %dma_start3A_116 = arith.constant 0 : i32
        %dma_start3A_117 = tpu.memref_slice %arg2[%dma_start3A_115, %dma_start3A_116] : memref<10000x128xf32, #tpu.memory_space<hbm>> -> memref<10000x128xf32, #tpu.memory_space<hbm>>
        tpu.enqueue_indirect_dma source(%dma_start3A_117 : memref<10000x128xf32, #tpu.memory_space<hbm>>) target(%dma_start3A_111 : memref<40x128xf32, #tpu.memory_space<vmem>>) offsets(%dma_start3A_114 : memref<40xi32, #tpu.memory_space<vmem>>) semaphore(%arg13 : memref<!tpu.dma_semaphore, #tpu.memory_space<semaphore_mem>>)
        %mul3A_118 = arith.constant 1 : i32
        %mul3A_119 = arith.muli %add3A_104, %mul3A_118 : i32
        %add3A_120 = arith.constant 0 : i32
        %add3A_121 = arith.addi %mul3A_119, %add3A_120 : i32
        %dma_start3A_122 = arith.constant 0 : i32
        %dma_start3A_123 = arith.constant 0 : i32
        %dma_start3A_124 = tpu.memref_slice %arg10[%dma_start3A_122, %dma_start3A_123] : memref<40x128xf32, #tpu.memory_space<vmem>> -> memref<40x128xf32, #tpu.memory_space<vmem>>
        %dma_start3A_125 = arith.constant 0 : i32
        %dma_start3A_126 = tpu.memref_slice %arg8[%add3A_121, %dma_start3A_125] : memref<125x40xi32, #tpu.memory_space<vmem>> -> memref<1x40xi32, #tpu.memory_space<vmem>>
        %dma_start3A_127 = tpu.memref_squeeze %dma_start3A_126 : memref<1x40xi32, #tpu.memory_space<vmem>> -> memref<40xi32, #tpu.memory_space<vmem>>
        %dma_start3A_128 = arith.constant 0 : i32
        %dma_start3A_129 = arith.constant 0 : i32
        %dma_start3A_130 = tpu.memref_slice %arg3[%dma_start3A_128, %dma_start3A_129] : memref<10000x128xf32, #tpu.memory_space<hbm>> -> memref<10000x128xf32, #tpu.memory_space<hbm>>
        tpu.enqueue_indirect_dma source(%dma_start3A_130 : memref<10000x128xf32, #tpu.memory_space<hbm>>) target(%dma_start3A_124 : memref<40x128xf32, #tpu.memory_space<vmem>>) offsets(%dma_start3A_127 : memref<40xi32, #tpu.memory_space<vmem>>) semaphore(%arg13 : memref<!tpu.dma_semaphore, #tpu.memory_space<semaphore_mem>>)
      } else {
      }
      %add3A_88 = arith.constant 1 : i32
      %add3A_89 = arith.addi %mul3A_38, %add3A_88 : i32
      %lt3A_90 = arith.constant 125 : i32
      %lt3A_91 = arith.cmpi slt, %add3A_89, %lt3A_90 : i32
      %convert_element_type3A_92 = arith.extui %lt3A_91 : i1 to i32
      %cond3A_93 = arith.constant 0 : i32
      %cond3A_94 = arith.cmpi ne, %convert_element_type3A_92, %cond3A_93 : i32
      scf.if %cond3A_94 {
        %add3A_96 = arith.constant 1 : i32
        %add3A_97 = arith.addi %mul3A_38, %add3A_96 : i32
        %dma_wait3A_98 = arith.constant 0 : i32
        %dma_wait3A_99 = arith.constant 0 : i32
        %dma_wait3A_100 = arith.constant 0 : i32
        %dma_wait3A_101 = tpu.memref_slice %arg11[%dma_wait3A_99, %dma_wait3A_100] : memref<40x128xf32, #tpu.memory_space<vmem>> -> memref<40x128xf32, #tpu.memory_space<vmem>>
        %dma_wait3A_102 = arith.constant 0 : i32
        %dma_wait3A_103 = tpu.memref_slice %arg7[%dma_wait3A_98, %dma_wait3A_102] : memref<125x40xi32, #tpu.memory_space<vmem>> -> memref<1x40xi32, #tpu.memory_space<vmem>>
        %dma_wait3A_104 = tpu.memref_squeeze %dma_wait3A_103 : memref<1x40xi32, #tpu.memory_space<vmem>> -> memref<40xi32, #tpu.memory_space<vmem>>
        %dma_wait3A_105 = arith.constant 0 : i32
        %dma_wait3A_106 = arith.constant 0 : i32
        %dma_wait3A_107 = tpu.memref_slice %arg2[%dma_wait3A_105, %dma_wait3A_106] : memref<10000x128xf32, #tpu.memory_space<hbm>> -> memref<10000x128xf32, #tpu.memory_space<hbm>>
        tpu.wait_indirect_dma semaphore(%arg14 : memref<!tpu.dma_semaphore, #tpu.memory_space<semaphore_mem>>) src(%dma_wait3A_107 : memref<10000x128xf32, #tpu.memory_space<hbm>>) dst(%dma_wait3A_101 : memref<40x128xf32, #tpu.memory_space<vmem>>)
        %dma_wait3A_108 = arith.constant 0 : i32
        %dma_wait3A_109 = arith.constant 0 : i32
        %dma_wait3A_110 = arith.constant 0 : i32
        %dma_wait3A_111 = tpu.memref_slice %arg11[%dma_wait3A_109, %dma_wait3A_110] : memref<40x128xf32, #tpu.memory_space<vmem>> -> memref<40x128xf32, #tpu.memory_space<vmem>>
        %dma_wait3A_112 = arith.constant 0 : i32
        %dma_wait3A_113 = tpu.memref_slice %arg7[%dma_wait3A_108, %dma_wait3A_112] : memref<125x40xi32, #tpu.memory_space<vmem>> -> memref<1x40xi32, #tpu.memory_space<vmem>>
        %dma_wait3A_114 = tpu.memref_squeeze %dma_wait3A_113 : memref<1x40xi32, #tpu.memory_space<vmem>> -> memref<40xi32, #tpu.memory_space<vmem>>
        %dma_wait3A_115 = arith.constant 0 : i32
        %dma_wait3A_116 = arith.constant 0 : i32
        %dma_wait3A_117 = tpu.memref_slice %arg2[%dma_wait3A_115, %dma_wait3A_116] : memref<10000x128xf32, #tpu.memory_space<hbm>> -> memref<10000x128xf32, #tpu.memory_space<hbm>>
        tpu.wait_indirect_dma semaphore(%arg14 : memref<!tpu.dma_semaphore, #tpu.memory_space<semaphore_mem>>) src(%dma_wait3A_117 : memref<10000x128xf32, #tpu.memory_space<hbm>>) dst(%dma_wait3A_111 : memref<40x128xf32, #tpu.memory_space<vmem>>)
        %scan3A_118 = arith.constant 0 : i32
        %scan3A_119 = arith.constant 0 : i32
        %scan3A_120 = arith.constant 40 : i32
        %scan3A_121 = arith.addi %scan3A_119, %scan3A_120 : i32
        %scan3A_122 = arith.constant 1 : i32
        %scan3A_123 = scf.for %scan3A_132 = %scan3A_119 to %scan3A_121 step %scan3A_122 iter_args(%scan3A_133 = %scan3A_118) -> (i32)  : i32 {
          %get3A = arith.index_cast %scan3A_132 : i32 to index
          %get3A_134 = arith.constant 0 : index
          %get3A_135 = tpu.vector_load %arg12[%get3A, %get3A_134] {strides = array<i32>} : memref<40x128xf32, #tpu.memory_space<vmem>>, vector<1x16xf32>,
          %get3A_136 = vector.shape_cast %get3A_135 : vector<1x16xf32> to vector<16xf32>
          %swap3A = arith.index_cast %scan3A_132 : i32 to index
          %swap3A_137 = arith.constant 0 : index
          %swap3A_138 = tpu.vector_load %arg11[%swap3A, %swap3A_137] {strides = array<i32>} : memref<40x128xf32, #tpu.memory_space<vmem>>, vector<1x16xf32>,
          %swap3A_139 = vector.shape_cast %swap3A_138 : vector<1x16xf32> to vector<16xf32>
          %swap3A_140 = vector.shape_cast %get3A_136 : vector<16xf32> to vector<1x16xf32>
          tpu.vector_store %arg11[%swap3A, %swap3A_137], %swap3A_140 {add = true, strides = array<i32>} : memref<40x128xf32, #tpu.memory_space<vmem>>, vector<1x16xf32>,
          %get3A_141 = arith.index_cast %scan3A_132 : i32 to index
          %get3A_142 = arith.constant 16 : index
          %get3A_143 = tpu.vector_load %arg12[%get3A_141, %get3A_142] {strides = array<i32>} : memref<40x128xf32, #tpu.memory_space<vmem>>, vector<1x16xf32>,
          %get3A_144 = vector.shape_cast %get3A_143 : vector<1x16xf32> to vector<16xf32>
          %swap3A_145 = arith.index_cast %scan3A_132 : i32 to index
          %swap3A_146 = arith.constant 16 : index
          %swap3A_147 = tpu.vector_load %arg11[%swap3A_145, %swap3A_146] {strides = array<i32>} : memref<40x128xf32, #tpu.memory_space<vmem>>, vector<1x16xf32>,
          %swap3A_148 = vector.shape_cast %swap3A_147 : vector<1x16xf32> to vector<16xf32>
          %swap3A_149 = vector.shape_cast %get3A_144 : vector<16xf32> to vector<1x16xf32>
          tpu.vector_store %arg11[%swap3A_145, %swap3A_146], %swap3A_149 {add = true, strides = array<i32>} : memref<40x128xf32, #tpu.memory_space<vmem>>, vector<1x16xf32>,
          %get3A_150 = arith.index_cast %scan3A_132 : i32 to index
          %get3A_151 = arith.constant 32 : index
          %get3A_152 = tpu.vector_load %arg12[%get3A_150, %get3A_151] {strides = array<i32>} : memref<40x128xf32, #tpu.memory_space<vmem>>, vector<1x16xf32>,
          %get3A_153 = vector.shape_cast %get3A_152 : vector<1x16xf32> to vector<16xf32>
          %swap3A_154 = arith.index_cast %scan3A_132 : i32 to index
          %swap3A_155 = arith.constant 32 : index
          %swap3A_156 = tpu.vector_load %arg11[%swap3A_154, %swap3A_155] {strides = array<i32>} : memref<40x128xf32, #tpu.memory_space<vmem>>, vector<1x16xf32>,
          %swap3A_157 = vector.shape_cast %swap3A_156 : vector<1x16xf32> to vector<16xf32>
          %swap3A_158 = vector.shape_cast %get3A_153 : vector<16xf32> to vector<1x16xf32>
          tpu.vector_store %arg11[%swap3A_154, %swap3A_155], %swap3A_158 {add = true, strides = array<i32>} : memref<40x128xf32, #tpu.memory_space<vmem>>, vector<1x16xf32>,
          %get3A_159 = arith.index_cast %scan3A_132 : i32 to index
          %get3A_160 = arith.constant 48 : index
          %get3A_161 = tpu.vector_load %arg12[%get3A_159, %get3A_160] {strides = array<i32>} : memref<40x128xf32, #tpu.memory_space<vmem>>, vector<1x16xf32>,
          %get3A_162 = vector.shape_cast %get3A_161 : vector<1x16xf32> to vector<16xf32>
          %swap3A_163 = arith.index_cast %scan3A_132 : i32 to index
          %swap3A_164 = arith.constant 48 : index
          %swap3A_165 = tpu.vector_load %arg11[%swap3A_163, %swap3A_164] {strides = array<i32>} : memref<40x128xf32, #tpu.memory_space<vmem>>, vector<1x16xf32>,
          %swap3A_166 = vector.shape_cast %swap3A_165 : vector<1x16xf32> to vector<16xf32>
          %swap3A_167 = vector.shape_cast %get3A_162 : vector<16xf32> to vector<1x16xf32>
          tpu.vector_store %arg11[%swap3A_163, %swap3A_164], %swap3A_167 {add = true, strides = array<i32>} : memref<40x128xf32, #tpu.memory_space<vmem>>, vector<1x16xf32>,
          %get3A_168 = arith.index_cast %scan3A_132 : i32 to index
          %get3A_169 = arith.constant 64 : index
          %get3A_170 = tpu.vector_load %arg12[%get3A_168, %get3A_169] {strides = array<i32>} : memref<40x128xf32, #tpu.memory_space<vmem>>, vector<1x16xf32>,
          %get3A_171 = vector.shape_cast %get3A_170 : vector<1x16xf32> to vector<16xf32>
          %swap3A_172 = arith.index_cast %scan3A_132 : i32 to index
          %swap3A_173 = arith.constant 64 : index
          %swap3A_174 = tpu.vector_load %arg11[%swap3A_172, %swap3A_173] {strides = array<i32>} : memref<40x128xf32, #tpu.memory_space<vmem>>, vector<1x16xf32>,
          %swap3A_175 = vector.shape_cast %swap3A_174 : vector<1x16xf32> to vector<16xf32>
          %swap3A_176 = vector.shape_cast %get3A_171 : vector<16xf32> to vector<1x16xf32>
          tpu.vector_store %arg11[%swap3A_172, %swap3A_173], %swap3A_176 {add = true, strides = array<i32>} : memref<40x128xf32, #tpu.memory_space<vmem>>, vector<1x16xf32>,
          %get3A_177 = arith.index_cast %scan3A_132 : i32 to index
          %get3A_178 = arith.constant 80 : index
          %get3A_179 = tpu.vector_load %arg12[%get3A_177, %get3A_178] {strides = array<i32>} : memref<40x128xf32, #tpu.memory_space<vmem>>, vector<1x16xf32>,
          %get3A_180 = vector.shape_cast %get3A_179 : vector<1x16xf32> to vector<16xf32>
          %swap3A_181 = arith.index_cast %scan3A_132 : i32 to index
          %swap3A_182 = arith.constant 80 : index
          %swap3A_183 = tpu.vector_load %arg11[%swap3A_181, %swap3A_182] {strides = array<i32>} : memref<40x128xf32, #tpu.memory_space<vmem>>, vector<1x16xf32>,
          %swap3A_184 = vector.shape_cast %swap3A_183 : vector<1x16xf32> to vector<16xf32>
          %swap3A_185 = vector.shape_cast %get3A_180 : vector<16xf32> to vector<1x16xf32>
          tpu.vector_store %arg11[%swap3A_181, %swap3A_182], %swap3A_185 {add = true, strides = array<i32>} : memref<40x128xf32, #tpu.memory_space<vmem>>, vector<1x16xf32>,
          %get3A_186 = arith.index_cast %scan3A_132 : i32 to index
          %get3A_187 = arith.constant 96 : index
          %get3A_188 = tpu.vector_load %arg12[%get3A_186, %get3A_187] {strides = array<i32>} : memref<40x128xf32, #tpu.memory_space<vmem>>, vector<1x16xf32>,
          %get3A_189 = vector.shape_cast %get3A_188 : vector<1x16xf32> to vector<16xf32>
          %swap3A_190 = arith.index_cast %scan3A_132 : i32 to index
          %swap3A_191 = arith.constant 96 : index
          %swap3A_192 = tpu.vector_load %arg11[%swap3A_190, %swap3A_191] {strides = array<i32>} : memref<40x128xf32, #tpu.memory_space<vmem>>, vector<1x16xf32>,
          %swap3A_193 = vector.shape_cast %swap3A_192 : vector<1x16xf32> to vector<16xf32>
          %swap3A_194 = vector.shape_cast %get3A_189 : vector<16xf32> to vector<1x16xf32>
          tpu.vector_store %arg11[%swap3A_190, %swap3A_191], %swap3A_194 {add = true, strides = array<i32>} : memref<40x128xf32, #tpu.memory_space<vmem>>, vector<1x16xf32>,
          %get3A_195 = arith.index_cast %scan3A_132 : i32 to index
          %get3A_196 = arith.constant 112 : index
          %get3A_197 = tpu.vector_load %arg12[%get3A_195, %get3A_196] {strides = array<i32>} : memref<40x128xf32, #tpu.memory_space<vmem>>, vector<1x16xf32>,
          %get3A_198 = vector.shape_cast %get3A_197 : vector<1x16xf32> to vector<16xf32>
          %swap3A_199 = arith.index_cast %scan3A_132 : i32 to index
          %swap3A_200 = arith.constant 112 : index
          %swap3A_201 = tpu.vector_load %arg11[%swap3A_199, %swap3A_200] {strides = array<i32>} : memref<40x128xf32, #tpu.memory_space<vmem>>, vector<1x16xf32>,
          %swap3A_202 = vector.shape_cast %swap3A_201 : vector<1x16xf32> to vector<16xf32>
          %swap3A_203 = vector.shape_cast %get3A_198 : vector<16xf32> to vector<1x16xf32>
          tpu.vector_store %arg11[%swap3A_199, %swap3A_200], %swap3A_203 {add = true, strides = array<i32>} : memref<40x128xf32, #tpu.memory_space<vmem>>, vector<1x16xf32>,
          %scan3A_204 = arith.constant 0 : i32
          scf.yield %scan3A_204 : i32
        }
        %scan3A_124 = arith.constant 40 : i32
        %add3A_125 = arith.addi %mul3A_2, %add3A_97 : i32
        %mul3A_126 = arith.constant 40 : i32
        %mul3A_127 = arith.muli %add3A_125, %mul3A_126 : i32
        %dma_start3A_128 = arith.constant 0 : i32
        %dma_start3A_129 = tpu.memref_slice %arg6[%mul3A_127, %dma_start3A_128] : memref<160000x128xf32, #tpu.memory_space<hbm>> -> memref<40x128xf32, #tpu.memory_space<hbm>>
        %dma_start3A_130 = arith.constant 0 : i32
        %dma_start3A_131 = tpu.memref_slice %arg6[%mul3A_127, %dma_start3A_130] : memref<160000x128xf32, #tpu.memory_space<hbm>> -> memref<40x128xf32, #tpu.memory_space<hbm>>
        tpu.enqueue_dma source(%arg11 : memref<40x128xf32, #tpu.memory_space<vmem>>) target(%dma_start3A_131 : memref<40x128xf32, #tpu.memory_space<hbm>>) target_semaphore(%arg16 : memref<!tpu.dma_semaphore, #tpu.memory_space<semaphore_mem>>)
      } else {
      }
      %scan3A_95 = arith.constant 0 : i32
      scf.yield %scan3A_95 : i32
    }
    %scan3A_27 = arith.constant 63 : i32
    %add3A_28 = arith.constant 124 : i32
    %add3A_29 = arith.addi %mul3A_2, %add3A_28 : i32
    %mul3A_30 = arith.constant 40 : i32
    %mul3A_31 = arith.muli %add3A_29, %mul3A_30 : i32
    %dma_wait3A = arith.constant 0 : i32
    %dma_wait3A_32 = tpu.memref_slice %arg6[%mul3A_31, %dma_wait3A] : memref<160000x128xf32, #tpu.memory_space<hbm>> -> memref<40x128xf32, #tpu.memory_space<hbm>>
    %dma_wait3A_33 = arith.constant 0 : i32
    %dma_wait3A_34 = tpu.memref_slice %arg6[%mul3A_31, %dma_wait3A_33] : memref<160000x128xf32, #tpu.memory_space<hbm>> -> memref<40x128xf32, #tpu.memory_space<hbm>>
    tpu.wait_dma2 semaphore(%arg15 : memref<!tpu.dma_semaphore, #tpu.memory_space<semaphore_mem>>) src(%arg9 : memref<40x128xf32, #tpu.memory_space<vmem>>) dst(%dma_wait3A_34 : memref<40x128xf32, #tpu.memory_space<hbm>>)
    return
  }
}

#map = affine_map<(d0, d1) -> (0, 0)>
#map1 = affine_map<(d0, d1) -> (0, 0, 0)>
module attributes {stable_mosaic.version = 14 : i64} {
  func.func @k(%arg0: i32, %arg1: i32, %arg2: memref<10000x128xf32, #tpu.memory_space<hbm>>, %arg3: memref<10000x128xf32, #tpu.memory_space<hbm>>, %arg4: memref<32x125x40xi32, #tpu.memory_space<hbm>>, %arg5: memref<32x125x40xi32, #tpu.memory_space<hbm>>, %arg6: memref<160000x128xf32, #tpu.memory_space<hbm>>, %arg7: memref<125x40xi32, #tpu.memory_space<vmem>>, %arg8: memref<125x40xi32, #tpu.memory_space<vmem>>, %arg9: memref<40x128xf32, #tpu.memory_space<vmem>>, %arg10: memref<40x128xf32, #tpu.memory_space<vmem>>, %arg11: memref<40x128xf32, #tpu.memory_space<vmem>>, %arg12: memref<40x128xf32, #tpu.memory_space<vmem>>, %arg13: memref<!tpu.dma_semaphore, #tpu.memory_space<semaphore_mem>>, %arg14: memref<!tpu.dma_semaphore, #tpu.memory_space<semaphore_mem>>, %arg15: memref<!tpu.dma_semaphore, #tpu.memory_space<semaphore_mem>>, %arg16: memref<!tpu.dma_semaphore, #tpu.memory_space<semaphore_mem>>) attributes {dimension_semantics = [#tpu.dimension_semantics<core_parallel>, #tpu.dimension_semantics<subcore_parallel>], iteration_bounds = array<i64: 2, 16>, scalar_prefetch = 0 : i64, scratch_operands = 10 : i64, tpu.core_type = #tpu.core_type<sc_vector_subcore>, window_params = [{transform_indices = #map}, {transform_indices = #map}, {transform_indices = #map1}, {transform_indices = #map1}, {transform_indices = #map}]} {
    %mul3A = arith.constant 2 : i32
    %mul3A_0 = arith.muli %arg1, %mul3A : i32
    %add3A = arith.addi %mul3A_0, %arg0 : i32
    "tpu.region"() ({
      %run_scoped3A = tpu.sem_alloc : memref<!tpu.dma_semaphore, #tpu.memory_space<semaphore_mem>>
      %dma_start3A_35 = arith.constant 0 : i32
      %dma_start3A_36 = arith.constant 0 : i32
      %dma_start3A_37 = tpu.memref_slice %arg4[%add3A, %dma_start3A_35, %dma_start3A_36] : memref<32x125x40xi32, #tpu.memory_space<hbm>> -> memref<1x125x40xi32, #tpu.memory_space<hbm>>
      %dma_start3A_38 = tpu.memref_squeeze %dma_start3A_37 : memref<1x125x40xi32, #tpu.memory_space<hbm>> -> memref<125x40xi32, #tpu.memory_space<hbm>>
      %dma_start3A_39 = arith.constant 0 : i32
      %dma_start3A_40 = arith.constant 0 : i32
      %dma_start3A_41 = tpu.memref_slice %arg4[%add3A, %dma_start3A_39, %dma_start3A_40] : memref<32x125x40xi32, #tpu.memory_space<hbm>> -> memref<1x125x40xi32, #tpu.memory_space<hbm>>
      %dma_start3A_42 = tpu.memref_squeeze %dma_start3A_41 : memref<1x125x40xi32, #tpu.memory_space<hbm>> -> memref<125x40xi32, #tpu.memory_space<hbm>>
      tpu.enqueue_dma source(%dma_start3A_42 : memref<125x40xi32, #tpu.memory_space<hbm>>) target(%arg7 : memref<125x40xi32, #tpu.memory_space<vmem>>) target_semaphore(%run_scoped3A : memref<!tpu.dma_semaphore, #tpu.memory_space<semaphore_mem>>)
      %dma_wait3A_43 = arith.constant 0 : i32
      %dma_wait3A_44 = arith.constant 0 : i32
      %dma_wait3A_45 = tpu.memref_slice %arg4[%add3A, %dma_wait3A_43, %dma_wait3A_44] : memref<32x125x40xi32, #tpu.memory_space<hbm>> -> memref<1x125x40xi32, #tpu.memory_space<hbm>>
      %dma_wait3A_46 = tpu.memref_squeeze %dma_wait3A_45 : memref<1x125x40xi32, #tpu.memory_space<hbm>> -> memref<125x40xi32, #tpu.memory_space<hbm>>
      %dma_wait3A_47 = arith.constant 0 : i32
      %dma_wait3A_48 = arith.constant 0 : i32
      %dma_wait3A_49 = tpu.memref_slice %arg4[%add3A, %dma_wait3A_47, %dma_wait3A_48] : memref<32x125x40xi32, #tpu.memory_space<hbm>> -> memref<1x125x40xi32, #tpu.memory_space<hbm>>
      %dma_wait3A_50 = tpu.memref_squeeze %dma_wait3A_49 : memref<1x125x40xi32, #tpu.memory_space<hbm>> -> memref<125x40xi32, #tpu.memory_space<hbm>>
      tpu.wait_dma2 semaphore(%run_scoped3A : memref<!tpu.dma_semaphore, #tpu.memory_space<semaphore_mem>>) src(%dma_wait3A_50 : memref<125x40xi32, #tpu.memory_space<hbm>>) dst(%arg7 : memref<125x40xi32, #tpu.memory_space<vmem>>)
      tpu.yield
    }) : () -> ()
    "tpu.region"() ({
      %run_scoped3A = tpu.sem_alloc : memref<!tpu.dma_semaphore, #tpu.memory_space<semaphore_mem>>
      %dma_start3A_35 = arith.constant 0 : i32
      %dma_start3A_36 = arith.constant 0 : i32
      %dma_start3A_37 = tpu.memref_slice %arg5[%add3A, %dma_start3A_35, %dma_start3A_36] : memref<32x125x40xi32, #tpu.memory_space<hbm>> -> memref<1x125x40xi32, #tpu.memory_space<hbm>>
      %dma_start3A_38 = tpu.memref_squeeze %dma_start3A_37 : memref<1x125x40xi32, #tpu.memory_space<hbm>> -> memref<125x40xi32, #tpu.memory_space<hbm>>
      %dma_start3A_39 = arith.constant 0 : i32
      %dma_start3A_40 = arith.constant 0 : i32
      %dma_start3A_41 = tpu.memref_slice %arg5[%add3A, %dma_start3A_39, %dma_start3A_40] : memref<32x125x40xi32, #tpu.memory_space<hbm>> -> memref<1x125x40xi32, #tpu.memory_space<hbm>>
      %dma_start3A_42 = tpu.memref_squeeze %dma_start3A_41 : memref<1x125x40xi32, #tpu.memory_space<hbm>> -> memref<125x40xi32, #tpu.memory_space<hbm>>
      tpu.enqueue_dma source(%dma_start3A_42 : memref<125x40xi32, #tpu.memory_space<hbm>>) target(%arg8 : memref<125x40xi32, #tpu.memory_space<vmem>>) target_semaphore(%run_scoped3A : memref<!tpu.dma_semaphore, #tpu.memory_space<semaphore_mem>>)
      %dma_wait3A_43 = arith.constant 0 : i32
      %dma_wait3A_44 = arith.constant 0 : i32
      %dma_wait3A_45 = tpu.memref_slice %arg5[%add3A, %dma_wait3A_43, %dma_wait3A_44] : memref<32x125x40xi32, #tpu.memory_space<hbm>> -> memref<1x125x40xi32, #tpu.memory_space<hbm>>
      %dma_wait3A_46 = tpu.memref_squeeze %dma_wait3A_45 : memref<1x125x40xi32, #tpu.memory_space<hbm>> -> memref<125x40xi32, #tpu.memory_space<hbm>>
      %dma_wait3A_47 = arith.constant 0 : i32
      %dma_wait3A_48 = arith.constant 0 : i32
      %dma_wait3A_49 = tpu.memref_slice %arg5[%add3A, %dma_wait3A_47, %dma_wait3A_48] : memref<32x125x40xi32, #tpu.memory_space<hbm>> -> memref<1x125x40xi32, #tpu.memory_space<hbm>>
      %dma_wait3A_50 = tpu.memref_squeeze %dma_wait3A_49 : memref<1x125x40xi32, #tpu.memory_space<hbm>> -> memref<125x40xi32, #tpu.memory_space<hbm>>
      tpu.wait_dma2 semaphore(%run_scoped3A : memref<!tpu.dma_semaphore, #tpu.memory_space<semaphore_mem>>) src(%dma_wait3A_50 : memref<125x40xi32, #tpu.memory_space<hbm>>) dst(%arg8 : memref<125x40xi32, #tpu.memory_space<vmem>>)
      tpu.yield
    }) : () -> ()
    %mul3A_1 = arith.constant 125 : i32
    %mul3A_2 = arith.muli %add3A, %mul3A_1 : i32
    %dma_start3A = arith.constant 0 : i32
    %dma_start3A_3 = arith.constant 0 : i32
    %dma_start3A_4 = arith.constant 0 : i32
    %dma_start3A_5 = tpu.memref_slice %arg9[%dma_start3A_3, %dma_start3A_4] : memref<40x128xf32, #tpu.memory_space<vmem>> -> memref<40x128xf32, #tpu.memory_space<vmem>>
    %dma_start3A_6 = arith.constant 0 : i32
    %dma_start3A_7 = tpu.memref_slice %arg7[%dma_start3A, %dma_start3A_6] : memref<125x40xi32, #tpu.memory_space<vmem>> -> memref<1x40xi32, #tpu.memory_space<vmem>>
    %dma_start3A_8 = tpu.memref_squeeze %dma_start3A_7 : memref<1x40xi32, #tpu.memory_space<vmem>> -> memref<40xi32, #tpu.memory_space<vmem>>
    %dma_start3A_9 = arith.constant 0 : i32
    %dma_start3A_10 = arith.constant 0 : i32
    %dma_start3A_11 = tpu.memref_slice %arg2[%dma_start3A_9, %dma_start3A_10] : memref<10000x128xf32, #tpu.memory_space<hbm>> -> memref<10000x128xf32, #tpu.memory_space<hbm>>
    tpu.enqueue_indirect_dma source(%dma_start3A_11 : memref<10000x128xf32, #tpu.memory_space<hbm>>) target(%dma_start3A_5 : memref<40x128xf32, #tpu.memory_space<vmem>>) offsets(%dma_start3A_8 : memref<40xi32, #tpu.memory_space<vmem>>) semaphore(%arg13 : memref<!tpu.dma_semaphore, #tpu.memory_space<semaphore_mem>>)
    %dma_start3A_12 = arith.constant 0 : i32
    %dma_start3A_13 = arith.constant 0 : i32
    %dma_start3A_14 = arith.constant 0 : i32
    %dma_start3A_15 = tpu.memref_slice %arg10[%dma_start3A_13, %dma_start3A_14] : memref<40x128xf32, #tpu.memory_space<vmem>> -> memref<40x128xf32, #tpu.memory_space<vmem>>
    %dma_start3A_16 = arith.constant 0 : i32
    %dma_start3A_17 = tpu.memref_slice %arg8[%dma_start3A_12, %dma_start3A_16] : memref<125x40xi32, #tpu.memory_space<vmem>> -> memref<1x40xi32, #tpu.memory_space<vmem>>
    %dma_start3A_18 = tpu.memref_squeeze %dma_start3A_17 : memref<1x40xi32, #tpu.memory_space<vmem>> -> memref<40xi32, #tpu.memory_space<vmem>>
    %dma_start3A_19 = arith.constant 0 : i32
    %dma_start3A_20 = arith.constant 0 : i32
    %dma_start3A_21 = tpu.memref_slice %arg3[%dma_start3A_19, %dma_start3A_20] : memref<10000x128xf32, #tpu.memory_space<hbm>> -> memref<10000x128xf32, #tpu.memory_space<hbm>>
    tpu.enqueue_indirect_dma source(%dma_start3A_21 : memref<10000x128xf32, #tpu.memory_space<hbm>>) target(%dma_start3A_15 : memref<40x128xf32, #tpu.memory_space<vmem>>) offsets(%dma_start3A_18 : memref<40xi32, #tpu.memory_space<vmem>>) semaphore(%arg13 : memref<!tpu.dma_semaphore, #tpu.memory_space<semaphore_mem>>)
    %scan3A = arith.constant 0 : i32
    %scan3A_22 = arith.constant 0 : i32
    %scan3A_23 = arith.constant 63 : i32
    %scan3A_24 = arith.addi %scan3A_22, %scan3A_23 : i32
    %scan3A_25 = arith.constant 1 : i32
    %scan3A_26 = scf.for %scan3A_35 = %scan3A_22 to %scan3A_24 step %scan3A_25 iter_args(%scan3A_36 = %scan3A) -> (i32)  : i32 {
      %mul3A_37 = arith.constant 2 : i32
      %mul3A_38 = arith.muli %mul3A_37, %scan3A_35 : i32
      %gt3A = arith.constant 0 : i32
      %gt3A_39 = arith.cmpi sgt, %scan3A_35, %gt3A : i32
      %convert_element_type3A = arith.extui %gt3A_39 : i1 to i32
      %cond3A = arith.constant 0 : i32
      %cond3A_40 = arith.cmpi ne, %convert_element_type3A, %cond3A : i32
      scf.if %cond3A_40 {
        %sub3A = arith.constant 1 : i32
        %sub3A_96 = arith.subi %mul3A_38, %sub3A : i32
        %add3A_97 = arith.addi %mul3A_2, %sub3A_96 : i32
        %mul3A_98 = arith.constant 40 : i32
        %mul3A_99 = arith.muli %add3A_97, %mul3A_98 : i32
        %dma_wait3A_100 = arith.constant 0 : i32
        %dma_wait3A_101 = tpu.memref_slice %arg6[%mul3A_99, %dma_wait3A_100] : memref<160000x128xf32, #tpu.memory_space<hbm>> -> memref<40x128xf32, #tpu.memory_space<hbm>>
        %dma_wait3A_102 = arith.constant 0 : i32
        %dma_wait3A_103 = tpu.memref_slice %arg6[%mul3A_99, %dma_wait3A_102] : memref<160000x128xf32, #tpu.memory_space<hbm>> -> memref<40x128xf32, #tpu.memory_space<hbm>>
        tpu.wait_dma2 semaphore(%arg16 : memref<!tpu.dma_semaphore, #tpu.memory_space<semaphore_mem>>) src(%arg11 : memref<40x128xf32, #tpu.memory_space<vmem>>) dst(%dma_wait3A_103 : memref<40x128xf32, #tpu.memory_space<hbm>>)
      } else {
      }
      %add3A_41 = arith.constant 1 : i32
      %add3A_42 = arith.addi %mul3A_38, %add3A_41 : i32
      %lt3A = arith.constant 125 : i32
      %lt3A_43 = arith.cmpi slt, %add3A_42, %lt3A : i32
      %convert_element_type3A_44 = arith.extui %lt3A_43 : i1 to i32
      %cond3A_45 = arith.constant 0 : i32
      %cond3A_46 = arith.cmpi ne, %convert_element_type3A_44, %cond3A_45 : i32
      scf.if %cond3A_46 {
        %add3A_96 = arith.constant 1 : i32
        %add3A_97 = arith.addi %mul3A_38, %add3A_96 : i32
        %mul3A_98 = arith.constant 1 : i32
        %mul3A_99 = arith.muli %add3A_97, %mul3A_98 : i32
        %add3A_100 = arith.constant 0 : i32
        %add3A_101 = arith.addi %mul3A_99, %add3A_100 : i32
        %dma_start3A_102 = arith.constant 0 : i32
        %dma_start3A_103 = arith.constant 0 : i32
        %dma_start3A_104 = tpu.memref_slice %arg11[%dma_start3A_102, %dma_start3A_103] : memref<40x128xf32, #tpu.memory_space<vmem>> -> memref<40x128xf32, #tpu.memory_space<vmem>>
        %dma_start3A_105 = arith.constant 0 : i32
        %dma_start3A_106 = tpu.memref_slice %arg7[%add3A_101, %dma_start3A_105] : memref<125x40xi32, #tpu.memory_space<vmem>> -> memref<1x40xi32, #tpu.memory_space<vmem>>
        %dma_start3A_107 = tpu.memref_squeeze %dma_start3A_106 : memref<1x40xi32, #tpu.memory_space<vmem>> -> memref<40xi32, #tpu.memory_space<vmem>>
        %dma_start3A_108 = arith.constant 0 : i32
        %dma_start3A_109 = arith.constant 0 : i32
        %dma_start3A_110 = tpu.memref_slice %arg2[%dma_start3A_108, %dma_start3A_109] : memref<10000x128xf32, #tpu.memory_space<hbm>> -> memref<10000x128xf32, #tpu.memory_space<hbm>>
        tpu.enqueue_indirect_dma source(%dma_start3A_110 : memref<10000x128xf32, #tpu.memory_space<hbm>>) target(%dma_start3A_104 : memref<40x128xf32, #tpu.memory_space<vmem>>) offsets(%dma_start3A_107 : memref<40xi32, #tpu.memory_space<vmem>>) semaphore(%arg14 : memref<!tpu.dma_semaphore, #tpu.memory_space<semaphore_mem>>)
        %mul3A_111 = arith.constant 1 : i32
        %mul3A_112 = arith.muli %add3A_97, %mul3A_111 : i32
        %add3A_113 = arith.constant 0 : i32
        %add3A_114 = arith.addi %mul3A_112, %add3A_113 : i32
        %dma_start3A_115 = arith.constant 0 : i32
        %dma_start3A_116 = arith.constant 0 : i32
        %dma_start3A_117 = tpu.memref_slice %arg12[%dma_start3A_115, %dma_start3A_116] : memref<40x128xf32, #tpu.memory_space<vmem>> -> memref<40x128xf32, #tpu.memory_space<vmem>>
        %dma_start3A_118 = arith.constant 0 : i32
        %dma_start3A_119 = tpu.memref_slice %arg8[%add3A_114, %dma_start3A_118] : memref<125x40xi32, #tpu.memory_space<vmem>> -> memref<1x40xi32, #tpu.memory_space<vmem>>
        %dma_start3A_120 = tpu.memref_squeeze %dma_start3A_119 : memref<1x40xi32, #tpu.memory_space<vmem>> -> memref<40xi32, #tpu.memory_space<vmem>>
        %dma_start3A_121 = arith.constant 0 : i32
        %dma_start3A_122 = arith.constant 0 : i32
        %dma_start3A_123 = tpu.memref_slice %arg3[%dma_start3A_121, %dma_start3A_122] : memref<10000x128xf32, #tpu.memory_space<hbm>> -> memref<10000x128xf32, #tpu.memory_space<hbm>>
        tpu.enqueue_indirect_dma source(%dma_start3A_123 : memref<10000x128xf32, #tpu.memory_space<hbm>>) target(%dma_start3A_117 : memref<40x128xf32, #tpu.memory_space<vmem>>) offsets(%dma_start3A_120 : memref<40xi32, #tpu.memory_space<vmem>>) semaphore(%arg14 : memref<!tpu.dma_semaphore, #tpu.memory_space<semaphore_mem>>)
      } else {
      }
      %dma_wait3A_47 = arith.constant 0 : i32
      %dma_wait3A_48 = arith.constant 0 : i32
      %dma_wait3A_49 = arith.constant 0 : i32
      %dma_wait3A_50 = tpu.memref_slice %arg9[%dma_wait3A_48, %dma_wait3A_49] : memref<40x128xf32, #tpu.memory_space<vmem>> -> memref<40x128xf32, #tpu.memory_space<vmem>>
      %dma_wait3A_51 = arith.constant 0 : i32
      %dma_wait3A_52 = tpu.memref_slice %arg7[%dma_wait3A_47, %dma_wait3A_51] : memref<125x40xi32, #tpu.memory_space<vmem>> -> memref<1x40xi32, #tpu.memory_space<vmem>>
      %dma_wait3A_53 = tpu.memref_squeeze %dma_wait3A_52 : memref<1x40xi32, #tpu.memory_space<vmem>> -> memref<40xi32, #tpu.memory_space<vmem>>
      %dma_wait3A_54 = arith.constant 0 : i32
      %dma_wait3A_55 = arith.constant 0 : i32
      %dma_wait3A_56 = tpu.memref_slice %arg2[%dma_wait3A_54, %dma_wait3A_55] : memref<10000x128xf32, #tpu.memory_space<hbm>> -> memref<10000x128xf32, #tpu.memory_space<hbm>>
      tpu.wait_indirect_dma semaphore(%arg13 : memref<!tpu.dma_semaphore, #tpu.memory_space<semaphore_mem>>) src(%dma_wait3A_56 : memref<10000x128xf32, #tpu.memory_space<hbm>>) dst(%dma_wait3A_50 : memref<40x128xf32, #tpu.memory_space<vmem>>)
      %dma_wait3A_57 = arith.constant 0 : i32
      %dma_wait3A_58 = arith.constant 0 : i32
      %dma_wait3A_59 = arith.constant 0 : i32
      %dma_wait3A_60 = tpu.memref_slice %arg9[%dma_wait3A_58, %dma_wait3A_59] : memref<40x128xf32, #tpu.memory_space<vmem>> -> memref<40x128xf32, #tpu.memory_space<vmem>>
      %dma_wait3A_61 = arith.constant 0 : i32
      %dma_wait3A_62 = tpu.memref_slice %arg7[%dma_wait3A_57, %dma_wait3A_61] : memref<125x40xi32, #tpu.memory_space<vmem>> -> memref<1x40xi32, #tpu.memory_space<vmem>>
      %dma_wait3A_63 = tpu.memref_squeeze %dma_wait3A_62 : memref<1x40xi32, #tpu.memory_space<vmem>> -> memref<40xi32, #tpu.memory_space<vmem>>
      %dma_wait3A_64 = arith.constant 0 : i32
      %dma_wait3A_65 = arith.constant 0 : i32
      %dma_wait3A_66 = tpu.memref_slice %arg2[%dma_wait3A_64, %dma_wait3A_65] : memref<10000x128xf32, #tpu.memory_space<hbm>> -> memref<10000x128xf32, #tpu.memory_space<hbm>>
      tpu.wait_indirect_dma semaphore(%arg13 : memref<!tpu.dma_semaphore, #tpu.memory_space<semaphore_mem>>) src(%dma_wait3A_66 : memref<10000x128xf32, #tpu.memory_space<hbm>>) dst(%dma_wait3A_60 : memref<40x128xf32, #tpu.memory_space<vmem>>)
      %scan3A_67 = arith.constant 0 : i32
      %scan3A_68 = arith.constant 0 : i32
      %scan3A_69 = arith.constant 40 : i32
      %scan3A_70 = arith.addi %scan3A_68, %scan3A_69 : i32
      %scan3A_71 = arith.constant 1 : i32
      %scan3A_72 = scf.for %scan3A_96 = %scan3A_68 to %scan3A_70 step %scan3A_71 iter_args(%scan3A_97 = %scan3A_67) -> (i32)  : i32 {
        %get3A = arith.index_cast %scan3A_96 : i32 to index
        %get3A_98 = arith.constant 0 : index
        %get3A_99 = tpu.vector_load %arg10[%get3A, %get3A_98] {strides = array<i32>} : memref<40x128xf32, #tpu.memory_space<vmem>>, vector<1x16xf32>,
        %get3A_100 = vector.shape_cast %get3A_99 : vector<1x16xf32> to vector<16xf32>
        %swap3A = arith.index_cast %scan3A_96 : i32 to index
        %swap3A_101 = arith.constant 0 : index
        %swap3A_102 = tpu.vector_load %arg9[%swap3A, %swap3A_101] {strides = array<i32>} : memref<40x128xf32, #tpu.memory_space<vmem>>, vector<1x16xf32>,
        %swap3A_103 = vector.shape_cast %swap3A_102 : vector<1x16xf32> to vector<16xf32>
        %swap3A_104 = vector.shape_cast %get3A_100 : vector<16xf32> to vector<1x16xf32>
        tpu.vector_store %arg9[%swap3A, %swap3A_101], %swap3A_104 {add = true, strides = array<i32>} : memref<40x128xf32, #tpu.memory_space<vmem>>, vector<1x16xf32>,
        %get3A_105 = arith.index_cast %scan3A_96 : i32 to index
        %get3A_106 = arith.constant 16 : index
        %get3A_107 = tpu.vector_load %arg10[%get3A_105, %get3A_106] {strides = array<i32>} : memref<40x128xf32, #tpu.memory_space<vmem>>, vector<1x16xf32>,
        %get3A_108 = vector.shape_cast %get3A_107 : vector<1x16xf32> to vector<16xf32>
        %swap3A_109 = arith.index_cast %scan3A_96 : i32 to index
        %swap3A_110 = arith.constant 16 : index
        %swap3A_111 = tpu.vector_load %arg9[%swap3A_109, %swap3A_110] {strides = array<i32>} : memref<40x128xf32, #tpu.memory_space<vmem>>, vector<1x16xf32>,
        %swap3A_112 = vector.shape_cast %swap3A_111 : vector<1x16xf32> to vector<16xf32>
        %swap3A_113 = vector.shape_cast %get3A_108 : vector<16xf32> to vector<1x16xf32>
        tpu.vector_store %arg9[%swap3A_109, %swap3A_110], %swap3A_113 {add = true, strides = array<i32>} : memref<40x128xf32, #tpu.memory_space<vmem>>, vector<1x16xf32>,
        %get3A_114 = arith.index_cast %scan3A_96 : i32 to index
        %get3A_115 = arith.constant 32 : index
        %get3A_116 = tpu.vector_load %arg10[%get3A_114, %get3A_115] {strides = array<i32>} : memref<40x128xf32, #tpu.memory_space<vmem>>, vector<1x16xf32>,
        %get3A_117 = vector.shape_cast %get3A_116 : vector<1x16xf32> to vector<16xf32>
        %swap3A_118 = arith.index_cast %scan3A_96 : i32 to index
        %swap3A_119 = arith.constant 32 : index
        %swap3A_120 = tpu.vector_load %arg9[%swap3A_118, %swap3A_119] {strides = array<i32>} : memref<40x128xf32, #tpu.memory_space<vmem>>, vector<1x16xf32>,
        %swap3A_121 = vector.shape_cast %swap3A_120 : vector<1x16xf32> to vector<16xf32>
        %swap3A_122 = vector.shape_cast %get3A_117 : vector<16xf32> to vector<1x16xf32>
        tpu.vector_store %arg9[%swap3A_118, %swap3A_119], %swap3A_122 {add = true, strides = array<i32>} : memref<40x128xf32, #tpu.memory_space<vmem>>, vector<1x16xf32>,
        %get3A_123 = arith.index_cast %scan3A_96 : i32 to index
        %get3A_124 = arith.constant 48 : index
        %get3A_125 = tpu.vector_load %arg10[%get3A_123, %get3A_124] {strides = array<i32>} : memref<40x128xf32, #tpu.memory_space<vmem>>, vector<1x16xf32>,
        %get3A_126 = vector.shape_cast %get3A_125 : vector<1x16xf32> to vector<16xf32>
        %swap3A_127 = arith.index_cast %scan3A_96 : i32 to index
        %swap3A_128 = arith.constant 48 : index
        %swap3A_129 = tpu.vector_load %arg9[%swap3A_127, %swap3A_128] {strides = array<i32>} : memref<40x128xf32, #tpu.memory_space<vmem>>, vector<1x16xf32>,
        %swap3A_130 = vector.shape_cast %swap3A_129 : vector<1x16xf32> to vector<16xf32>
        %swap3A_131 = vector.shape_cast %get3A_126 : vector<16xf32> to vector<1x16xf32>
        tpu.vector_store %arg9[%swap3A_127, %swap3A_128], %swap3A_131 {add = true, strides = array<i32>} : memref<40x128xf32, #tpu.memory_space<vmem>>, vector<1x16xf32>,
        %get3A_132 = arith.index_cast %scan3A_96 : i32 to index
        %get3A_133 = arith.constant 64 : index
        %get3A_134 = tpu.vector_load %arg10[%get3A_132, %get3A_133] {strides = array<i32>} : memref<40x128xf32, #tpu.memory_space<vmem>>, vector<1x16xf32>,
        %get3A_135 = vector.shape_cast %get3A_134 : vector<1x16xf32> to vector<16xf32>
        %swap3A_136 = arith.index_cast %scan3A_96 : i32 to index
        %swap3A_137 = arith.constant 64 : index
        %swap3A_138 = tpu.vector_load %arg9[%swap3A_136, %swap3A_137] {strides = array<i32>} : memref<40x128xf32, #tpu.memory_space<vmem>>, vector<1x16xf32>,
        %swap3A_139 = vector.shape_cast %swap3A_138 : vector<1x16xf32> to vector<16xf32>
        %swap3A_140 = vector.shape_cast %get3A_135 : vector<16xf32> to vector<1x16xf32>
        tpu.vector_store %arg9[%swap3A_136, %swap3A_137], %swap3A_140 {add = true, strides = array<i32>} : memref<40x128xf32, #tpu.memory_space<vmem>>, vector<1x16xf32>,
        %get3A_141 = arith.index_cast %scan3A_96 : i32 to index
        %get3A_142 = arith.constant 80 : index
        %get3A_143 = tpu.vector_load %arg10[%get3A_141, %get3A_142] {strides = array<i32>} : memref<40x128xf32, #tpu.memory_space<vmem>>, vector<1x16xf32>,
        %get3A_144 = vector.shape_cast %get3A_143 : vector<1x16xf32> to vector<16xf32>
        %swap3A_145 = arith.index_cast %scan3A_96 : i32 to index
        %swap3A_146 = arith.constant 80 : index
        %swap3A_147 = tpu.vector_load %arg9[%swap3A_145, %swap3A_146] {strides = array<i32>} : memref<40x128xf32, #tpu.memory_space<vmem>>, vector<1x16xf32>,
        %swap3A_148 = vector.shape_cast %swap3A_147 : vector<1x16xf32> to vector<16xf32>
        %swap3A_149 = vector.shape_cast %get3A_144 : vector<16xf32> to vector<1x16xf32>
        tpu.vector_store %arg9[%swap3A_145, %swap3A_146], %swap3A_149 {add = true, strides = array<i32>} : memref<40x128xf32, #tpu.memory_space<vmem>>, vector<1x16xf32>,
        %get3A_150 = arith.index_cast %scan3A_96 : i32 to index
        %get3A_151 = arith.constant 96 : index
        %get3A_152 = tpu.vector_load %arg10[%get3A_150, %get3A_151] {strides = array<i32>} : memref<40x128xf32, #tpu.memory_space<vmem>>, vector<1x16xf32>,
        %get3A_153 = vector.shape_cast %get3A_152 : vector<1x16xf32> to vector<16xf32>
        %swap3A_154 = arith.index_cast %scan3A_96 : i32 to index
        %swap3A_155 = arith.constant 96 : index
        %swap3A_156 = tpu.vector_load %arg9[%swap3A_154, %swap3A_155] {strides = array<i32>} : memref<40x128xf32, #tpu.memory_space<vmem>>, vector<1x16xf32>,
        %swap3A_157 = vector.shape_cast %swap3A_156 : vector<1x16xf32> to vector<16xf32>
        %swap3A_158 = vector.shape_cast %get3A_153 : vector<16xf32> to vector<1x16xf32>
        tpu.vector_store %arg9[%swap3A_154, %swap3A_155], %swap3A_158 {add = true, strides = array<i32>} : memref<40x128xf32, #tpu.memory_space<vmem>>, vector<1x16xf32>,
        %get3A_159 = arith.index_cast %scan3A_96 : i32 to index
        %get3A_160 = arith.constant 112 : index
        %get3A_161 = tpu.vector_load %arg10[%get3A_159, %get3A_160] {strides = array<i32>} : memref<40x128xf32, #tpu.memory_space<vmem>>, vector<1x16xf32>,
        %get3A_162 = vector.shape_cast %get3A_161 : vector<1x16xf32> to vector<16xf32>
        %swap3A_163 = arith.index_cast %scan3A_96 : i32 to index
        %swap3A_164 = arith.constant 112 : index
        %swap3A_165 = tpu.vector_load %arg9[%swap3A_163, %swap3A_164] {strides = array<i32>} : memref<40x128xf32, #tpu.memory_space<vmem>>, vector<1x16xf32>,
        %swap3A_166 = vector.shape_cast %swap3A_165 : vector<1x16xf32> to vector<16xf32>
        %swap3A_167 = vector.shape_cast %get3A_162 : vector<16xf32> to vector<1x16xf32>
        tpu.vector_store %arg9[%swap3A_163, %swap3A_164], %swap3A_167 {add = true, strides = array<i32>} : memref<40x128xf32, #tpu.memory_space<vmem>>, vector<1x16xf32>,
        %scan3A_168 = arith.constant 0 : i32
        scf.yield %scan3A_168 : i32
      }
      %scan3A_73 = arith.constant 40 : i32
      %add3A_74 = arith.addi %mul3A_2, %mul3A_38 : i32
      %mul3A_75 = arith.constant 40 : i32
      %mul3A_76 = arith.muli %add3A_74, %mul3A_75 : i32
      %dma_start3A_77 = arith.constant 0 : i32
      %dma_start3A_78 = tpu.memref_slice %arg6[%mul3A_76, %dma_start3A_77] : memref<160000x128xf32, #tpu.memory_space<hbm>> -> memref<40x128xf32, #tpu.memory_space<hbm>>
      %dma_start3A_79 = arith.constant 0 : i32
      %dma_start3A_80 = tpu.memref_slice %arg6[%mul3A_76, %dma_start3A_79] : memref<160000x128xf32, #tpu.memory_space<hbm>> -> memref<40x128xf32, #tpu.memory_space<hbm>>
      tpu.enqueue_dma source(%arg9 : memref<40x128xf32, #tpu.memory_space<vmem>>) target(%dma_start3A_80 : memref<40x128xf32, #tpu.memory_space<hbm>>) target_semaphore(%arg15 : memref<!tpu.dma_semaphore, #tpu.memory_space<semaphore_mem>>)
      %add3A_81 = arith.constant 2 : i32
      %add3A_82 = arith.addi %mul3A_38, %add3A_81 : i32
      %lt3A_83 = arith.constant 125 : i32
      %lt3A_84 = arith.cmpi slt, %add3A_82, %lt3A_83 : i32
      %convert_element_type3A_85 = arith.extui %lt3A_84 : i1 to i32
      %cond3A_86 = arith.constant 0 : i32
      %cond3A_87 = arith.cmpi ne, %convert_element_type3A_85, %cond3A_86 : i32
      scf.if %cond3A_87 {
        %add3A_96 = arith.addi %mul3A_2, %mul3A_38 : i32
        %mul3A_97 = arith.constant 40 : i32
        %mul3A_98 = arith.muli %add3A_96, %mul3A_97 : i32
        %dma_wait3A_99 = arith.constant 0 : i32
        %dma_wait3A_100 = tpu.memref_slice %arg6[%mul3A_98, %dma_wait3A_99] : memref<160000x128xf32, #tpu.memory_space<hbm>> -> memref<40x128xf32, #tpu.memory_space<hbm>>
        %dma_wait3A_101 = arith.constant 0 : i32
        %dma_wait3A_102 = tpu.memref_slice %arg6[%mul3A_98, %dma_wait3A_101] : memref<160000x128xf32, #tpu.memory_space<hbm>> -> memref<40x128xf32, #tpu.memory_space<hbm>>
        tpu.wait_dma2 semaphore(%arg15 : memref<!tpu.dma_semaphore, #tpu.memory_space<semaphore_mem>>) src(%arg9 : memref<40x128xf32, #tpu.memory_space<vmem>>) dst(%dma_wait3A_102 : memref<40x128xf32, #tpu.memory_space<hbm>>)
        %add3A_103 = arith.constant 2 : i32
        %add3A_104 = arith.addi %mul3A_38, %add3A_103 : i32
        %mul3A_105 = arith.constant 1 : i32
        %mul3A_106 = arith.muli %add3A_104, %mul3A_105 : i32
        %add3A_107 = arith.constant 0 : i32
        %add3A_108 = arith.addi %mul3A_106, %add3A_107 : i32
        %dma_start3A_109 = arith.constant 0 : i32
        %dma_start3A_110 = arith.constant 0 : i32
        %dma_start3A_111 = tpu.memref_slice %arg9[%dma_start3A_109, %dma_start3A_110] : memref<40x128xf32, #tpu.memory_space<vmem>> -> memref<40x128xf32, #tpu.memory_space<vmem>>
        %dma_start3A_112 = arith.constant 0 : i32
        %dma_start3A_113 = tpu.memref_slice %arg7[%add3A_108, %dma_start3A_112] : memref<125x40xi32, #tpu.memory_space<vmem>> -> memref<1x40xi32, #tpu.memory_space<vmem>>
        %dma_start3A_114 = tpu.memref_squeeze %dma_start3A_113 : memref<1x40xi32, #tpu.memory_space<vmem>> -> memref<40xi32, #tpu.memory_space<vmem>>
        %dma_start3A_115 = arith.constant 0 : i32
        %dma_start3A_116 = arith.constant 0 : i32
        %dma_start3A_117 = tpu.memref_slice %arg2[%dma_start3A_115, %dma_start3A_116] : memref<10000x128xf32, #tpu.memory_space<hbm>> -> memref<10000x128xf32, #tpu.memory_space<hbm>>
        tpu.enqueue_indirect_dma source(%dma_start3A_117 : memref<10000x128xf32, #tpu.memory_space<hbm>>) target(%dma_start3A_111 : memref<40x128xf32, #tpu.memory_space<vmem>>) offsets(%dma_start3A_114 : memref<40xi32, #tpu.memory_space<vmem>>) semaphore(%arg13 : memref<!tpu.dma_semaphore, #tpu.memory_space<semaphore_mem>>)
        %mul3A_118 = arith.constant 1 : i32
        %mul3A_119 = arith.muli %add3A_104, %mul3A_118 : i32
        %add3A_120 = arith.constant 0 : i32
        %add3A_121 = arith.addi %mul3A_119, %add3A_120 : i32
        %dma_start3A_122 = arith.constant 0 : i32
        %dma_start3A_123 = arith.constant 0 : i32
        %dma_start3A_124 = tpu.memref_slice %arg10[%dma_start3A_122, %dma_start3A_123] : memref<40x128xf32, #tpu.memory_space<vmem>> -> memref<40x128xf32, #tpu.memory_space<vmem>>
        %dma_start3A_125 = arith.constant 0 : i32
        %dma_start3A_126 = tpu.memref_slice %arg8[%add3A_121, %dma_start3A_125] : memref<125x40xi32, #tpu.memory_space<vmem>> -> memref<1x40xi32, #tpu.memory_space<vmem>>
        %dma_start3A_127 = tpu.memref_squeeze %dma_start3A_126 : memref<1x40xi32, #tpu.memory_space<vmem>> -> memref<40xi32, #tpu.memory_space<vmem>>
        %dma_start3A_128 = arith.constant 0 : i32
        %dma_start3A_129 = arith.constant 0 : i32
        %dma_start3A_130 = tpu.memref_slice %arg3[%dma_start3A_128, %dma_start3A_129] : memref<10000x128xf32, #tpu.memory_space<hbm>> -> memref<10000x128xf32, #tpu.memory_space<hbm>>
        tpu.enqueue_indirect_dma source(%dma_start3A_130 : memref<10000x128xf32, #tpu.memory_space<hbm>>) target(%dma_start3A_124 : memref<40x128xf32, #tpu.memory_space<vmem>>) offsets(%dma_start3A_127 : memref<40xi32, #tpu.memory_space<vmem>>) semaphore(%arg13 : memref<!tpu.dma_semaphore, #tpu.memory_space<semaphore_mem>>)
      } else {
      }
      %add3A_88 = arith.constant 1 : i32
      %add3A_89 = arith.addi %mul3A_38, %add3A_88 : i32
      %lt3A_90 = arith.constant 125 : i32
      %lt3A_91 = arith.cmpi slt, %add3A_89, %lt3A_90 : i32
      %convert_element_type3A_92 = arith.extui %lt3A_91 : i1 to i32
      %cond3A_93 = arith.constant 0 : i32
      %cond3A_94 = arith.cmpi ne, %convert_element_type3A_92, %cond3A_93 : i32
      scf.if %cond3A_94 {
        %add3A_96 = arith.constant 1 : i32
        %add3A_97 = arith.addi %mul3A_38, %add3A_96 : i32
        %dma_wait3A_98 = arith.constant 0 : i32
        %dma_wait3A_99 = arith.constant 0 : i32
        %dma_wait3A_100 = arith.constant 0 : i32
        %dma_wait3A_101 = tpu.memref_slice %arg11[%dma_wait3A_99, %dma_wait3A_100] : memref<40x128xf32, #tpu.memory_space<vmem>> -> memref<40x128xf32, #tpu.memory_space<vmem>>
        %dma_wait3A_102 = arith.constant 0 : i32
        %dma_wait3A_103 = tpu.memref_slice %arg7[%dma_wait3A_98, %dma_wait3A_102] : memref<125x40xi32, #tpu.memory_space<vmem>> -> memref<1x40xi32, #tpu.memory_space<vmem>>
        %dma_wait3A_104 = tpu.memref_squeeze %dma_wait3A_103 : memref<1x40xi32, #tpu.memory_space<vmem>> -> memref<40xi32, #tpu.memory_space<vmem>>
        %dma_wait3A_105 = arith.constant 0 : i32
        %dma_wait3A_106 = arith.constant 0 : i32
        %dma_wait3A_107 = tpu.memref_slice %arg2[%dma_wait3A_105, %dma_wait3A_106] : memref<10000x128xf32, #tpu.memory_space<hbm>> -> memref<10000x128xf32, #tpu.memory_space<hbm>>
        tpu.wait_indirect_dma semaphore(%arg14 : memref<!tpu.dma_semaphore, #tpu.memory_space<semaphore_mem>>) src(%dma_wait3A_107 : memref<10000x128xf32, #tpu.memory_space<hbm>>) dst(%dma_wait3A_101 : memref<40x128xf32, #tpu.memory_space<vmem>>)
        %dma_wait3A_108 = arith.constant 0 : i32
        %dma_wait3A_109 = arith.constant 0 : i32
        %dma_wait3A_110 = arith.constant 0 : i32
        %dma_wait3A_111 = tpu.memref_slice %arg11[%dma_wait3A_109, %dma_wait3A_110] : memref<40x128xf32, #tpu.memory_space<vmem>> -> memref<40x128xf32, #tpu.memory_space<vmem>>
        %dma_wait3A_112 = arith.constant 0 : i32
        %dma_wait3A_113 = tpu.memref_slice %arg7[%dma_wait3A_108, %dma_wait3A_112] : memref<125x40xi32, #tpu.memory_space<vmem>> -> memref<1x40xi32, #tpu.memory_space<vmem>>
        %dma_wait3A_114 = tpu.memref_squeeze %dma_wait3A_113 : memref<1x40xi32, #tpu.memory_space<vmem>> -> memref<40xi32, #tpu.memory_space<vmem>>
        %dma_wait3A_115 = arith.constant 0 : i32
        %dma_wait3A_116 = arith.constant 0 : i32
        %dma_wait3A_117 = tpu.memref_slice %arg2[%dma_wait3A_115, %dma_wait3A_116] : memref<10000x128xf32, #tpu.memory_space<hbm>> -> memref<10000x128xf32, #tpu.memory_space<hbm>>
        tpu.wait_indirect_dma semaphore(%arg14 : memref<!tpu.dma_semaphore, #tpu.memory_space<semaphore_mem>>) src(%dma_wait3A_117 : memref<10000x128xf32, #tpu.memory_space<hbm>>) dst(%dma_wait3A_111 : memref<40x128xf32, #tpu.memory_space<vmem>>)
        %scan3A_118 = arith.constant 0 : i32
        %scan3A_119 = arith.constant 0 : i32
        %scan3A_120 = arith.constant 40 : i32
        %scan3A_121 = arith.addi %scan3A_119, %scan3A_120 : i32
        %scan3A_122 = arith.constant 1 : i32
        %scan3A_123 = scf.for %scan3A_132 = %scan3A_119 to %scan3A_121 step %scan3A_122 iter_args(%scan3A_133 = %scan3A_118) -> (i32)  : i32 {
          %get3A = arith.index_cast %scan3A_132 : i32 to index
          %get3A_134 = arith.constant 0 : index
          %get3A_135 = tpu.vector_load %arg12[%get3A, %get3A_134] {strides = array<i32>} : memref<40x128xf32, #tpu.memory_space<vmem>>, vector<1x16xf32>,
          %get3A_136 = vector.shape_cast %get3A_135 : vector<1x16xf32> to vector<16xf32>
          %swap3A = arith.index_cast %scan3A_132 : i32 to index
          %swap3A_137 = arith.constant 0 : index
          %swap3A_138 = tpu.vector_load %arg11[%swap3A, %swap3A_137] {strides = array<i32>} : memref<40x128xf32, #tpu.memory_space<vmem>>, vector<1x16xf32>,
          %swap3A_139 = vector.shape_cast %swap3A_138 : vector<1x16xf32> to vector<16xf32>
          %swap3A_140 = vector.shape_cast %get3A_136 : vector<16xf32> to vector<1x16xf32>
          tpu.vector_store %arg11[%swap3A, %swap3A_137], %swap3A_140 {add = true, strides = array<i32>} : memref<40x128xf32, #tpu.memory_space<vmem>>, vector<1x16xf32>,
          %get3A_141 = arith.index_cast %scan3A_132 : i32 to index
          %get3A_142 = arith.constant 16 : index
          %get3A_143 = tpu.vector_load %arg12[%get3A_141, %get3A_142] {strides = array<i32>} : memref<40x128xf32, #tpu.memory_space<vmem>>, vector<1x16xf32>,
          %get3A_144 = vector.shape_cast %get3A_143 : vector<1x16xf32> to vector<16xf32>
          %swap3A_145 = arith.index_cast %scan3A_132 : i32 to index
          %swap3A_146 = arith.constant 16 : index
          %swap3A_147 = tpu.vector_load %arg11[%swap3A_145, %swap3A_146] {strides = array<i32>} : memref<40x128xf32, #tpu.memory_space<vmem>>, vector<1x16xf32>,
          %swap3A_148 = vector.shape_cast %swap3A_147 : vector<1x16xf32> to vector<16xf32>
          %swap3A_149 = vector.shape_cast %get3A_144 : vector<16xf32> to vector<1x16xf32>
          tpu.vector_store %arg11[%swap3A_145, %swap3A_146], %swap3A_149 {add = true, strides = array<i32>} : memref<40x128xf32, #tpu.memory_space<vmem>>, vector<1x16xf32>,
          %get3A_150 = arith.index_cast %scan3A_132 : i32 to index
          %get3A_151 = arith.constant 32 : index
          %get3A_152 = tpu.vector_load %arg12[%get3A_150, %get3A_151] {strides = array<i32>} : memref<40x128xf32, #tpu.memory_space<vmem>>, vector<1x16xf32>,
          %get3A_153 = vector.shape_cast %get3A_152 : vector<1x16xf32> to vector<16xf32>
          %swap3A_154 = arith.index_cast %scan3A_132 : i32 to index
          %swap3A_155 = arith.constant 32 : index
          %swap3A_156 = tpu.vector_load %arg11[%swap3A_154, %swap3A_155] {strides = array<i32>} : memref<40x128xf32, #tpu.memory_space<vmem>>, vector<1x16xf32>,
          %swap3A_157 = vector.shape_cast %swap3A_156 : vector<1x16xf32> to vector<16xf32>
          %swap3A_158 = vector.shape_cast %get3A_153 : vector<16xf32> to vector<1x16xf32>
          tpu.vector_store %arg11[%swap3A_154, %swap3A_155], %swap3A_158 {add = true, strides = array<i32>} : memref<40x128xf32, #tpu.memory_space<vmem>>, vector<1x16xf32>,
          %get3A_159 = arith.index_cast %scan3A_132 : i32 to index
          %get3A_160 = arith.constant 48 : index
          %get3A_161 = tpu.vector_load %arg12[%get3A_159, %get3A_160] {strides = array<i32>} : memref<40x128xf32, #tpu.memory_space<vmem>>, vector<1x16xf32>,
          %get3A_162 = vector.shape_cast %get3A_161 : vector<1x16xf32> to vector<16xf32>
          %swap3A_163 = arith.index_cast %scan3A_132 : i32 to index
          %swap3A_164 = arith.constant 48 : index
          %swap3A_165 = tpu.vector_load %arg11[%swap3A_163, %swap3A_164] {strides = array<i32>} : memref<40x128xf32, #tpu.memory_space<vmem>>, vector<1x16xf32>,
          %swap3A_166 = vector.shape_cast %swap3A_165 : vector<1x16xf32> to vector<16xf32>
          %swap3A_167 = vector.shape_cast %get3A_162 : vector<16xf32> to vector<1x16xf32>
          tpu.vector_store %arg11[%swap3A_163, %swap3A_164], %swap3A_167 {add = true, strides = array<i32>} : memref<40x128xf32, #tpu.memory_space<vmem>>, vector<1x16xf32>,
          %get3A_168 = arith.index_cast %scan3A_132 : i32 to index
          %get3A_169 = arith.constant 64 : index
          %get3A_170 = tpu.vector_load %arg12[%get3A_168, %get3A_169] {strides = array<i32>} : memref<40x128xf32, #tpu.memory_space<vmem>>, vector<1x16xf32>,
          %get3A_171 = vector.shape_cast %get3A_170 : vector<1x16xf32> to vector<16xf32>
          %swap3A_172 = arith.index_cast %scan3A_132 : i32 to index
          %swap3A_173 = arith.constant 64 : index
          %swap3A_174 = tpu.vector_load %arg11[%swap3A_172, %swap3A_173] {strides = array<i32>} : memref<40x128xf32, #tpu.memory_space<vmem>>, vector<1x16xf32>,
          %swap3A_175 = vector.shape_cast %swap3A_174 : vector<1x16xf32> to vector<16xf32>
          %swap3A_176 = vector.shape_cast %get3A_171 : vector<16xf32> to vector<1x16xf32>
          tpu.vector_store %arg11[%swap3A_172, %swap3A_173], %swap3A_176 {add = true, strides = array<i32>} : memref<40x128xf32, #tpu.memory_space<vmem>>, vector<1x16xf32>,
          %get3A_177 = arith.index_cast %scan3A_132 : i32 to index
          %get3A_178 = arith.constant 80 : index
          %get3A_179 = tpu.vector_load %arg12[%get3A_177, %get3A_178] {strides = array<i32>} : memref<40x128xf32, #tpu.memory_space<vmem>>, vector<1x16xf32>,
          %get3A_180 = vector.shape_cast %get3A_179 : vector<1x16xf32> to vector<16xf32>
          %swap3A_181 = arith.index_cast %scan3A_132 : i32 to index
          %swap3A_182 = arith.constant 80 : index
          %swap3A_183 = tpu.vector_load %arg11[%swap3A_181, %swap3A_182] {strides = array<i32>} : memref<40x128xf32, #tpu.memory_space<vmem>>, vector<1x16xf32>,
          %swap3A_184 = vector.shape_cast %swap3A_183 : vector<1x16xf32> to vector<16xf32>
          %swap3A_185 = vector.shape_cast %get3A_180 : vector<16xf32> to vector<1x16xf32>
          tpu.vector_store %arg11[%swap3A_181, %swap3A_182], %swap3A_185 {add = true, strides = array<i32>} : memref<40x128xf32, #tpu.memory_space<vmem>>, vector<1x16xf32>,
          %get3A_186 = arith.index_cast %scan3A_132 : i32 to index
          %get3A_187 = arith.constant 96 : index
          %get3A_188 = tpu.vector_load %arg12[%get3A_186, %get3A_187] {strides = array<i32>} : memref<40x128xf32, #tpu.memory_space<vmem>>, vector<1x16xf32>,
          %get3A_189 = vector.shape_cast %get3A_188 : vector<1x16xf32> to vector<16xf32>
          %swap3A_190 = arith.index_cast %scan3A_132 : i32 to index
          %swap3A_191 = arith.constant 96 : index
          %swap3A_192 = tpu.vector_load %arg11[%swap3A_190, %swap3A_191] {strides = array<i32>} : memref<40x128xf32, #tpu.memory_space<vmem>>, vector<1x16xf32>,
          %swap3A_193 = vector.shape_cast %swap3A_192 : vector<1x16xf32> to vector<16xf32>
          %swap3A_194 = vector.shape_cast %get3A_189 : vector<16xf32> to vector<1x16xf32>
          tpu.vector_store %arg11[%swap3A_190, %swap3A_191], %swap3A_194 {add = true, strides = array<i32>} : memref<40x128xf32, #tpu.memory_space<vmem>>, vector<1x16xf32>,
          %get3A_195 = arith.index_cast %scan3A_132 : i32 to index
          %get3A_196 = arith.constant 112 : index
          %get3A_197 = tpu.vector_load %arg12[%get3A_195, %get3A_196] {strides = array<i32>} : memref<40x128xf32, #tpu.memory_space<vmem>>, vector<1x16xf32>,
          %get3A_198 = vector.shape_cast %get3A_197 : vector<1x16xf32> to vector<16xf32>
          %swap3A_199 = arith.index_cast %scan3A_132 : i32 to index
          %swap3A_200 = arith.constant 112 : index
          %swap3A_201 = tpu.vector_load %arg11[%swap3A_199, %swap3A_200] {strides = array<i32>} : memref<40x128xf32, #tpu.memory_space<vmem>>, vector<1x16xf32>,
          %swap3A_202 = vector.shape_cast %swap3A_201 : vector<1x16xf32> to vector<16xf32>
          %swap3A_203 = vector.shape_cast %get3A_198 : vector<16xf32> to vector<1x16xf32>
          tpu.vector_store %arg11[%swap3A_199, %swap3A_200], %swap3A_203 {add = true, strides = array<i32>} : memref<40x128xf32, #tpu.memory_space<vmem>>, vector<1x16xf32>,
          %scan3A_204 = arith.constant 0 : i32
          scf.yield %scan3A_204 : i32
        }
        %scan3A_124 = arith.constant 40 : i32
        %add3A_125 = arith.addi %mul3A_2, %add3A_97 : i32
        %mul3A_126 = arith.constant 40 : i32
        %mul3A_127 = arith.muli %add3A_125, %mul3A_126 : i32
        %dma_start3A_128 = arith.constant 0 : i32
        %dma_start3A_129 = tpu.memref_slice %arg6[%mul3A_127, %dma_start3A_128] : memref<160000x128xf32, #tpu.memory_space<hbm>> -> memref<40x128xf32, #tpu.memory_space<hbm>>
        %dma_start3A_130 = arith.constant 0 : i32
        %dma_start3A_131 = tpu.memref_slice %arg6[%mul3A_127, %dma_start3A_130] : memref<160000x128xf32, #tpu.memory_space<hbm>> -> memref<40x128xf32, #tpu.memory_space<hbm>>
        tpu.enqueue_dma source(%arg11 : memref<40x128xf32, #tpu.memory_space<vmem>>) target(%dma_start3A_131 : memref<40x128xf32, #tpu.memory_space<hbm>>) target_semaphore(%arg16 : memref<!tpu.dma_semaphore, #tpu.memory_space<semaphore_mem>>)
      } else {
      }
      %scan3A_95 = arith.constant 0 : i32
      scf.yield %scan3A_95 : i32
    }
    %scan3A_27 = arith.constant 63 : i32
    %add3A_28 = arith.constant 124 : i32
    %add3A_29 = arith.addi %mul3A_2, %add3A_28 : i32
    %mul3A_30 = arith.constant 40 : i32
    %mul3A_31 = arith.muli %add3A_29, %mul3A_30 : i32
    %dma_wait3A = arith.constant 0 : i32
    %dma_wait3A_32 = tpu.memref_slice %arg6[%mul3A_31, %dma_wait3A] : memref<160000x128xf32, #tpu.memory_space<hbm>> -> memref<40x128xf32, #tpu.memory_space<hbm>>
    %dma_wait3A_33 = arith.constant 0 : i32
    %dma_wait3A_34 = tpu.memref_slice %arg6[%mul3A_31, %dma_wait3A_33] : memref<160000x128xf32, #tpu.memory_space<hbm>> -> memref<40x128xf32, #tpu.memory_space<hbm>>
    tpu.wait_dma2 semaphore(%arg15 : memref<!tpu.dma_semaphore, #tpu.memory_space<semaphore_mem>>) src(%arg9 : memref<40x128xf32, #tpu.memory_space<vmem>>) dst(%dma_wait3A_34 : memref<40x128xf32, #tpu.memory_space<hbm>>)
    return
  }
}

module attributes {stable_mosaic.version = 14 : i64} {
  func.func @_premix_body(%arg0: memref<10000x128xf32, #tpu.memory_space<vmem>>, %arg1: memref<128x128xf32, #tpu.memory_space<vmem>>, %arg2: memref<128x128xf32, #tpu.memory_space<vmem>>, %arg3: memref<10000x128xf32, #tpu.memory_space<vmem>>, %arg4: memref<10000x128xf32, #tpu.memory_space<vmem>>) attributes {dimension_semantics = [], scalar_prefetch = 0 : i64, scratch_operands = 0 : i64, tpu.core_type = #tpu.core_type<tc>} {
    %get3A = arith.constant 0 : index
    %get3A_0 = arith.constant 0 : index
    %get3A_1 = vector.load %arg0[%get3A, %get3A_0] : memref<10000x128xf32, #tpu.memory_space<vmem>>, vector<10000x128xf32>
    %get3A_2 = arith.constant 0 : index
    %get3A_3 = arith.constant 0 : index
    %get3A_4 = vector.load %arg1[%get3A_2, %get3A_3] : memref<128x128xf32, #tpu.memory_space<vmem>>, vector<128x128xf32>
    %dot_general3A = arith.constant dense<0.000000e+00> : vector<10000x128xf32>
    %dot_general3A_5 = tpu.matmul %get3A_1, %get3A_4, %dot_general3A {dimension_numbers = #tpu.dot_dimension_numbers<[1], [0], [0], [1], [0, 0, 1, 1], [], []>, transpose_lhs_hint = false} : vector<10000x128xf32>, vector<128x128xf32>, vector<10000x128xf32> -> vector<10000x128xf32>
    %swap3A = arith.constant 0 : index
    %swap3A_6 = arith.constant 0 : index
    %swap3A_7 = vector.load %arg3[%swap3A, %swap3A_6] : memref<10000x128xf32, #tpu.memory_space<vmem>>, vector<10000x128xf32>
    tpu.vector_store %arg3[%swap3A, %swap3A_6], %dot_general3A_5 {strides = array<i32>} : memref<10000x128xf32, #tpu.memory_space<vmem>>, vector<10000x128xf32>,
    %get3A_8 = arith.constant 0 : index
    %get3A_9 = arith.constant 0 : index
    %get3A_10 = vector.load %arg2[%get3A_8, %get3A_9] : memref<128x128xf32, #tpu.memory_space<vmem>>, vector<128x128xf32>
    %dot_general3A_11 = arith.constant dense<0.000000e+00> : vector<10000x128xf32>
    %dot_general3A_12 = tpu.matmul %get3A_1, %get3A_10, %dot_general3A_11 {dimension_numbers = #tpu.dot_dimension_numbers<[1], [0], [0], [1], [0, 0, 1, 1], [], []>, transpose_lhs_hint = false} : vector<10000x128xf32>, vector<128x128xf32>, vector<10000x128xf32> -> vector<10000x128xf32>
    %swap3A_13 = arith.constant 0 : index
    %swap3A_14 = arith.constant 0 : index
    %swap3A_15 = vector.load %arg4[%swap3A_13, %swap3A_14] : memref<10000x128xf32, #tpu.memory_space<vmem>>, vector<10000x128xf32>
    tpu.vector_store %arg4[%swap3A_13, %swap3A_14], %dot_general3A_12 {strides = array<i32>} : memref<10000x128xf32, #tpu.memory_space<vmem>>, vector<10000x128xf32>,
    return
  }
}

module attributes {stable_mosaic.version = 14 : i64} {
  func.func @_combine_body(%arg0: i32, %arg1: memref<3200x128xf32, #tpu.memory_space<vmem>>, %arg2: memref<3200x128xf32, #tpu.memory_space<vmem>>, %arg3: memref<128x128xf32, #tpu.memory_space<vmem>>, %arg4: memref<1x128xf32, #tpu.memory_space<vmem>>, %arg5: memref<128x128xf32, #tpu.memory_space<vmem>>, %arg6: memref<1x128xf32, #tpu.memory_space<vmem>>, %arg7: memref<3200x128xf32, #tpu.memory_space<vmem>>) attributes {dimension_semantics = [#tpu.dimension_semantics<arbitrary>], iteration_bounds = array<i64: 50>, scalar_prefetch = 0 : i64, scratch_operands = 0 : i64, tpu.core_type = #tpu.core_type<tc>, window_params = [{transform_indices = @transform_0, window_bounds = array<i64: 3200, 128>}, {transform_indices = @transform_1, window_bounds = array<i64: 3200, 128>}, {pipeline_mode = #tpu.pipeline_mode<synchronous>, transform_indices = @transform_2, window_bounds = array<i64: 128, 128>}, {pipeline_mode = #tpu.pipeline_mode<synchronous>, transform_indices = @transform_3, window_bounds = array<i64: 1, 128>}, {pipeline_mode = #tpu.pipeline_mode<synchronous>, transform_indices = @transform_4, window_bounds = array<i64: 128, 128>}, {pipeline_mode = #tpu.pipeline_mode<synchronous>, transform_indices = @transform_5, window_bounds = array<i64: 1, 128>}, {transform_indices = @transform_6, window_bounds = array<i64: 3200, 128>}]} {
    %get3A = arith.constant 0 : index
    %get3A_0 = arith.constant 0 : index
    %get3A_1 = vector.load %arg1[%get3A, %get3A_0] : memref<3200x128xf32, #tpu.memory_space<vmem>>, vector<3200x128xf32>
    %get3A_2 = arith.constant 0 : index
    %get3A_3 = arith.constant 0 : index
    %get3A_4 = vector.load %arg2[%get3A_2, %get3A_3] : memref<3200x128xf32, #tpu.memory_space<vmem>>, vector<3200x128xf32>
    %get3A_5 = arith.constant 0 : index
    %get3A_6 = arith.constant 0 : index
    %get3A_7 = vector.load %arg3[%get3A_5, %get3A_6] : memref<128x128xf32, #tpu.memory_space<vmem>>, vector<128x128xf32>
    %dot_general3A = arith.constant dense<0.000000e+00> : vector<3200x128xf32>
    %dot_general3A_8 = tpu.matmul %get3A_4, %get3A_7, %dot_general3A {dimension_numbers = #tpu.dot_dimension_numbers<[1], [0], [0], [1], [0, 0, 1, 1], [], []>, transpose_lhs_hint = false} : vector<3200x128xf32>, vector<128x128xf32>, vector<3200x128xf32> -> vector<3200x128xf32>
    %add3A = arith.addf %get3A_1, %dot_general3A_8 : vector<3200x128xf32>
    %get3A_9 = arith.constant 0 : index
    %get3A_10 = arith.constant 0 : index
    %get3A_11 = vector.load %arg4[%get3A_9, %get3A_10] : memref<1x128xf32, #tpu.memory_space<vmem>>, vector<1x128xf32>
    %add3A_12 = vector.broadcast %get3A_11 : vector<1x128xf32> to vector<3200x128xf32>
    %add3A_13 = arith.addf %add3A, %add3A_12 : vector<3200x128xf32>
    %max3A = arith.constant 0.000000e+00 : f32
    %max3A_14 = vector.broadcast %max3A : f32 to vector<3200x128xf32>
    %max3A_15 = arith.maximumf %add3A_13, %max3A_14 : vector<3200x128xf32>
    %get3A_16 = arith.constant 0 : index
    %get3A_17 = arith.constant 0 : index
    %get3A_18 = vector.load %arg5[%get3A_16, %get3A_17] : memref<128x128xf32, #tpu.memory_space<vmem>>, vector<128x128xf32>
    %dot_general3A_19 = arith.constant dense<0.000000e+00> : vector<3200x128xf32>
    %dot_general3A_20 = tpu.matmul %max3A_15, %get3A_18, %dot_general3A_19 {dimension_numbers = #tpu.dot_dimension_numbers<[1], [0], [0], [1], [0, 0, 1, 1], [], []>, transpose_lhs_hint = false} : vector<3200x128xf32>, vector<128x128xf32>, vector<3200x128xf32> -> vector<3200x128xf32>
    %get3A_21 = arith.constant 0 : index
    %get3A_22 = arith.constant 0 : index
    %get3A_23 = vector.load %arg6[%get3A_21, %get3A_22] : memref<1x128xf32, #tpu.memory_space<vmem>>, vector<1x128xf32>
    %add3A_24 = vector.broadcast %get3A_23 : vector<1x128xf32> to vector<3200x128xf32>
    %add3A_25 = arith.addf %dot_general3A_20, %add3A_24 : vector<3200x128xf32>
    %swap3A = arith.constant 0 : index
    %swap3A_26 = arith.constant 0 : index
    %swap3A_27 = vector.load %arg7[%swap3A, %swap3A_26] : memref<3200x128xf32, #tpu.memory_space<vmem>>, vector<3200x128xf32>
    tpu.vector_store %arg7[%swap3A, %swap3A_26], %add3A_25 {strides = array<i32>} : memref<3200x128xf32, #tpu.memory_space<vmem>>, vector<3200x128xf32>,
    return
  }
  func.func @transform_0(%arg0: i32) -> (i32, i32) {
    %c0_i32 = arith.constant 0 : i32
    %c0_i32_0 = arith.constant 0 : i32
    return %arg0, %c0_i32 : i32, i32
  }
  func.func @transform_1(%arg0: i32) -> (i32, i32) {
    %add3A = arith.constant 50 : i32
    %add3A_0 = arith.addi %arg0, %add3A : i32
    %c0_i32 = arith.constant 0 : i32
    %c0_i32_1 = arith.constant 0 : i32
    return %add3A_0, %c0_i32 : i32, i32
  }
  func.func @transform_2(%arg0: i32) -> (i32, i32) {
    %c0_i32 = arith.constant 0 : i32
    %c0_i32_0 = arith.constant 0 : i32
    %c0_i32_1 = arith.constant 0 : i32
    return %c0_i32, %c0_i32_0 : i32, i32
  }
  func.func @transform_3(%arg0: i32) -> (i32, i32) {
    %c0_i32 = arith.constant 0 : i32
    %c0_i32_0 = arith.constant 0 : i32
    %c0_i32_1 = arith.constant 0 : i32
    return %c0_i32, %c0_i32_0 : i32, i32
  }
  func.func @transform_4(%arg0: i32) -> (i32, i32) {
    %c0_i32 = arith.constant 0 : i32
    %c0_i32_0 = arith.constant 0 : i32
    %c0_i32_1 = arith.constant 0 : i32
    return %c0_i32, %c0_i32_0 : i32, i32
  }
  func.func @transform_5(%arg0: i32) -> (i32, i32) {
    %c0_i32 = arith.constant 0 : i32
    %c0_i32_0 = arith.constant 0 : i32
    %c0_i32_1 = arith.constant 0 : i32
    return %c0_i32, %c0_i32_0 : i32, i32
  }
  func.func @transform_6(%arg0: i32) -> (i32, i32) {
    %c0_i32 = arith.constant 0 : i32
    %c0_i32_0 = arith.constant 0 : i32
    return %arg0, %c0_i32 : i32, i32
  }
}

module attributes {stable_mosaic.version = 14 : i64} {
  func.func @_combine_body(%arg0: i32, %arg1: memref<3200x128xf32, #tpu.memory_space<vmem>>, %arg2: memref<3200x128xf32, #tpu.memory_space<vmem>>, %arg3: memref<128x128xf32, #tpu.memory_space<vmem>>, %arg4: memref<1x128xf32, #tpu.memory_space<vmem>>, %arg5: memref<128x128xf32, #tpu.memory_space<vmem>>, %arg6: memref<1x128xf32, #tpu.memory_space<vmem>>, %arg7: memref<3200x128xf32, #tpu.memory_space<vmem>>) attributes {dimension_semantics = [#tpu.dimension_semantics<arbitrary>], iteration_bounds = array<i64: 50>, scalar_prefetch = 0 : i64, scratch_operands = 0 : i64, tpu.core_type = #tpu.core_type<tc>, window_params = [{transform_indices = @transform_0, window_bounds = array<i64: 3200, 128>}, {transform_indices = @transform_1, window_bounds = array<i64: 3200, 128>}, {pipeline_mode = #tpu.pipeline_mode<synchronous>, transform_indices = @transform_2, window_bounds = array<i64: 128, 128>}, {pipeline_mode = #tpu.pipeline_mode<synchronous>, transform_indices = @transform_3, window_bounds = array<i64: 1, 128>}, {pipeline_mode = #tpu.pipeline_mode<synchronous>, transform_indices = @transform_4, window_bounds = array<i64: 128, 128>}, {pipeline_mode = #tpu.pipeline_mode<synchronous>, transform_indices = @transform_5, window_bounds = array<i64: 1, 128>}, {transform_indices = @transform_6, window_bounds = array<i64: 3200, 128>}]} {
    %get3A = arith.constant 0 : index
    %get3A_0 = arith.constant 0 : index
    %get3A_1 = vector.load %arg1[%get3A, %get3A_0] : memref<3200x128xf32, #tpu.memory_space<vmem>>, vector<3200x128xf32>
    %get3A_2 = arith.constant 0 : index
    %get3A_3 = arith.constant 0 : index
    %get3A_4 = vector.load %arg2[%get3A_2, %get3A_3] : memref<3200x128xf32, #tpu.memory_space<vmem>>, vector<3200x128xf32>
    %get3A_5 = arith.constant 0 : index
    %get3A_6 = arith.constant 0 : index
    %get3A_7 = vector.load %arg3[%get3A_5, %get3A_6] : memref<128x128xf32, #tpu.memory_space<vmem>>, vector<128x128xf32>
    %dot_general3A = arith.constant dense<0.000000e+00> : vector<3200x128xf32>
    %dot_general3A_8 = tpu.matmul %get3A_4, %get3A_7, %dot_general3A {dimension_numbers = #tpu.dot_dimension_numbers<[1], [0], [0], [1], [0, 0, 1, 1], [], []>, transpose_lhs_hint = false} : vector<3200x128xf32>, vector<128x128xf32>, vector<3200x128xf32> -> vector<3200x128xf32>
    %add3A = arith.addf %get3A_1, %dot_general3A_8 : vector<3200x128xf32>
    %get3A_9 = arith.constant 0 : index
    %get3A_10 = arith.constant 0 : index
    %get3A_11 = vector.load %arg4[%get3A_9, %get3A_10] : memref<1x128xf32, #tpu.memory_space<vmem>>, vector<1x128xf32>
    %add3A_12 = vector.broadcast %get3A_11 : vector<1x128xf32> to vector<3200x128xf32>
    %add3A_13 = arith.addf %add3A, %add3A_12 : vector<3200x128xf32>
    %max3A = arith.constant 0.000000e+00 : f32
    %max3A_14 = vector.broadcast %max3A : f32 to vector<3200x128xf32>
    %max3A_15 = arith.maximumf %add3A_13, %max3A_14 : vector<3200x128xf32>
    %get3A_16 = arith.constant 0 : index
    %get3A_17 = arith.constant 0 : index
    %get3A_18 = vector.load %arg5[%get3A_16, %get3A_17] : memref<128x128xf32, #tpu.memory_space<vmem>>, vector<128x128xf32>
    %dot_general3A_19 = arith.constant dense<0.000000e+00> : vector<3200x128xf32>
    %dot_general3A_20 = tpu.matmul %max3A_15, %get3A_18, %dot_general3A_19 {dimension_numbers = #tpu.dot_dimension_numbers<[1], [0], [0], [1], [0, 0, 1, 1], [], []>, transpose_lhs_hint = false} : vector<3200x128xf32>, vector<128x128xf32>, vector<3200x128xf32> -> vector<3200x128xf32>
    %get3A_21 = arith.constant 0 : index
    %get3A_22 = arith.constant 0 : index
    %get3A_23 = vector.load %arg6[%get3A_21, %get3A_22] : memref<1x128xf32, #tpu.memory_space<vmem>>, vector<1x128xf32>
    %add3A_24 = vector.broadcast %get3A_23 : vector<1x128xf32> to vector<3200x128xf32>
    %add3A_25 = arith.addf %dot_general3A_20, %add3A_24 : vector<3200x128xf32>
    %swap3A = arith.constant 0 : index
    %swap3A_26 = arith.constant 0 : index
    %swap3A_27 = vector.load %arg7[%swap3A, %swap3A_26] : memref<3200x128xf32, #tpu.memory_space<vmem>>, vector<3200x128xf32>
    tpu.vector_store %arg7[%swap3A, %swap3A_26], %add3A_25 {strides = array<i32>} : memref<3200x128xf32, #tpu.memory_space<vmem>>, vector<3200x128xf32>,
    return
  }
  func.func @transform_0(%arg0: i32) -> (i32, i32) {
    %c0_i32 = arith.constant 0 : i32
    %c0_i32_0 = arith.constant 0 : i32
    return %arg0, %c0_i32 : i32, i32
  }
  func.func @transform_1(%arg0: i32) -> (i32, i32) {
    %add3A = arith.constant 0 : i32
    %add3A_0 = arith.addi %arg0, %add3A : i32
    %c0_i32 = arith.constant 0 : i32
    %c0_i32_1 = arith.constant 0 : i32
    return %add3A_0, %c0_i32 : i32, i32
  }
  func.func @transform_2(%arg0: i32) -> (i32, i32) {
    %c0_i32 = arith.constant 0 : i32
    %c0_i32_0 = arith.constant 0 : i32
    %c0_i32_1 = arith.constant 0 : i32
    return %c0_i32, %c0_i32_0 : i32, i32
  }
  func.func @transform_3(%arg0: i32) -> (i32, i32) {
    %c0_i32 = arith.constant 0 : i32
    %c0_i32_0 = arith.constant 0 : i32
    %c0_i32_1 = arith.constant 0 : i32
    return %c0_i32, %c0_i32_0 : i32, i32
  }
  func.func @transform_4(%arg0: i32) -> (i32, i32) {
    %c0_i32 = arith.constant 0 : i32
    %c0_i32_0 = arith.constant 0 : i32
    %c0_i32_1 = arith.constant 0 : i32
    return %c0_i32, %c0_i32_0 : i32, i32
  }
  func.func @transform_5(%arg0: i32) -> (i32, i32) {
    %c0_i32 = arith.constant 0 : i32
    %c0_i32_0 = arith.constant 0 : i32
    %c0_i32_1 = arith.constant 0 : i32
    return %c0_i32, %c0_i32_0 : i32, i32
  }
  func.func @transform_6(%arg0: i32) -> (i32, i32) {
    %c0_i32 = arith.constant 0 : i32
    %c0_i32_0 = arith.constant 0 : i32
    return %arg0, %c0_i32 : i32, i32
  }
}

module attributes {stable_mosaic.version = 14 : i64} {
  func.func @_vertex_body(%arg0: memref<10000x128xf32, #tpu.memory_space<vmem>>, %arg1: memref<4x10000x128xf32, #tpu.memory_space<vmem>>, %arg2: memref<128x128xf32, #tpu.memory_space<vmem>>, %arg3: memref<128x128xf32, #tpu.memory_space<vmem>>, %arg4: memref<1x128xf32, #tpu.memory_space<vmem>>, %arg5: memref<128x128xf32, #tpu.memory_space<vmem>>, %arg6: memref<1x128xf32, #tpu.memory_space<vmem>>, %arg7: memref<10000x128xf32, #tpu.memory_space<vmem>>) attributes {dimension_semantics = [], scalar_prefetch = 0 : i64, scratch_operands = 0 : i64, tpu.core_type = #tpu.core_type<tc>} {
    %get3A = arith.constant 0 : index
    %get3A_0 = arith.constant 0 : index
    %get3A_1 = arith.constant 0 : index
    %get3A_2 = vector.load %arg1[%get3A, %get3A_0, %get3A_1] : memref<4x10000x128xf32, #tpu.memory_space<vmem>>, vector<1x10000x128xf32>
    %get3A_3 = vector.shape_cast %get3A_2 : vector<1x10000x128xf32> to vector<10000x128xf32>
    %get3A_4 = arith.constant 1 : index
    %get3A_5 = arith.constant 0 : index
    %get3A_6 = arith.constant 0 : index
    %get3A_7 = vector.load %arg1[%get3A_4, %get3A_5, %get3A_6] : memref<4x10000x128xf32, #tpu.memory_space<vmem>>, vector<1x10000x128xf32>
    %get3A_8 = vector.shape_cast %get3A_7 : vector<1x10000x128xf32> to vector<10000x128xf32>
    %add3A = arith.addf %get3A_3, %get3A_8 : vector<10000x128xf32>
    %get3A_9 = arith.constant 2 : index
    %get3A_10 = arith.constant 0 : index
    %get3A_11 = arith.constant 0 : index
    %get3A_12 = vector.load %arg1[%get3A_9, %get3A_10, %get3A_11] : memref<4x10000x128xf32, #tpu.memory_space<vmem>>, vector<1x10000x128xf32>
    %get3A_13 = vector.shape_cast %get3A_12 : vector<1x10000x128xf32> to vector<10000x128xf32>
    %add3A_14 = arith.addf %add3A, %get3A_13 : vector<10000x128xf32>
    %get3A_15 = arith.constant 3 : index
    %get3A_16 = arith.constant 0 : index
    %get3A_17 = arith.constant 0 : index
    %get3A_18 = vector.load %arg1[%get3A_15, %get3A_16, %get3A_17] : memref<4x10000x128xf32, #tpu.memory_space<vmem>>, vector<1x10000x128xf32>
    %get3A_19 = vector.shape_cast %get3A_18 : vector<1x10000x128xf32> to vector<10000x128xf32>
    %add3A_20 = arith.addf %add3A_14, %get3A_19 : vector<10000x128xf32>
    %get3A_21 = arith.constant 0 : index
    %get3A_22 = arith.constant 0 : index
    %get3A_23 = vector.load %arg0[%get3A_21, %get3A_22] : memref<10000x128xf32, #tpu.memory_space<vmem>>, vector<10000x128xf32>
    %get3A_24 = arith.constant 0 : index
    %get3A_25 = arith.constant 0 : index
    %get3A_26 = vector.load %arg2[%get3A_24, %get3A_25] : memref<128x128xf32, #tpu.memory_space<vmem>>, vector<128x128xf32>
    %dot_general3A = arith.constant dense<0.000000e+00> : vector<10000x128xf32>
    %dot_general3A_27 = tpu.matmul %get3A_23, %get3A_26, %dot_general3A {dimension_numbers = #tpu.dot_dimension_numbers<[1], [0], [0], [1], [0, 0, 1, 1], [], []>, transpose_lhs_hint = false} : vector<10000x128xf32>, vector<128x128xf32>, vector<10000x128xf32> -> vector<10000x128xf32>
    %get3A_28 = arith.constant 0 : index
    %get3A_29 = arith.constant 0 : index
    %get3A_30 = vector.load %arg3[%get3A_28, %get3A_29] : memref<128x128xf32, #tpu.memory_space<vmem>>, vector<128x128xf32>
    %dot_general3A_31 = arith.constant dense<0.000000e+00> : vector<10000x128xf32>
    %dot_general3A_32 = tpu.matmul %add3A_20, %get3A_30, %dot_general3A_31 {dimension_numbers = #tpu.dot_dimension_numbers<[1], [0], [0], [1], [0, 0, 1, 1], [], []>, transpose_lhs_hint = false} : vector<10000x128xf32>, vector<128x128xf32>, vector<10000x128xf32> -> vector<10000x128xf32>
    %add3A_33 = arith.addf %dot_general3A_27, %dot_general3A_32 : vector<10000x128xf32>
    %get3A_34 = arith.constant 0 : index
    %get3A_35 = arith.constant 0 : index
    %get3A_36 = vector.load %arg4[%get3A_34, %get3A_35] : memref<1x128xf32, #tpu.memory_space<vmem>>, vector<1x128xf32>
    %add3A_37 = vector.broadcast %get3A_36 : vector<1x128xf32> to vector<10000x128xf32>
    %add3A_38 = arith.addf %add3A_33, %add3A_37 : vector<10000x128xf32>
    %max3A = arith.constant 0.000000e+00 : f32
    %max3A_39 = vector.broadcast %max3A : f32 to vector<10000x128xf32>
    %max3A_40 = arith.maximumf %add3A_38, %max3A_39 : vector<10000x128xf32>
    %get3A_41 = arith.constant 0 : index
    %get3A_42 = arith.constant 0 : index
    %get3A_43 = vector.load %arg5[%get3A_41, %get3A_42] : memref<128x128xf32, #tpu.memory_space<vmem>>, vector<128x128xf32>
    %dot_general3A_44 = arith.constant dense<0.000000e+00> : vector<10000x128xf32>
    %dot_general3A_45 = tpu.matmul %max3A_40, %get3A_43, %dot_general3A_44 {dimension_numbers = #tpu.dot_dimension_numbers<[1], [0], [0], [1], [0, 0, 1, 1], [], []>, transpose_lhs_hint = false} : vector<10000x128xf32>, vector<128x128xf32>, vector<10000x128xf32> -> vector<10000x128xf32>
    %get3A_46 = arith.constant 0 : index
    %get3A_47 = arith.constant 0 : index
    %get3A_48 = vector.load %arg6[%get3A_46, %get3A_47] : memref<1x128xf32, #tpu.memory_space<vmem>>, vector<1x128xf32>
    %add3A_49 = vector.broadcast %get3A_48 : vector<1x128xf32> to vector<10000x128xf32>
    %add3A_50 = arith.addf %dot_general3A_45, %add3A_49 : vector<10000x128xf32>
    %swap3A = arith.constant 0 : index
    %swap3A_51 = arith.constant 0 : index
    %swap3A_52 = vector.load %arg7[%swap3A, %swap3A_51] : memref<10000x128xf32, #tpu.memory_space<vmem>>, vector<10000x128xf32>
    tpu.vector_store %arg7[%swap3A, %swap3A_51], %add3A_50 {strides = array<i32>} : memref<10000x128xf32, #tpu.memory_space<vmem>>, vector<10000x128xf32>,
    return
  }
}

</mosaic_0001>

<sc_bundles>
// kernel: kernel.10.cloned.1.call-start
scs
__scs_entry_jumppad:
0x0: {  	(pc) =	sbr.rel $0x88, $3  }
0x1: {  	(tag) =	ssettag $0x0;
	lr =	simm.s32 $0x1  }
0x2: {  	[smem:$0x3F96] =	sst lr;
	_ =	strace $0xD0000000  }
0x3: {  	_ = 	snop  }
0x4: {  	_ = 	snop  }
0x5: {  	_ = 	snop  }
0x6: {  	_ = 	snop  }
0x7: {  	_ = 	snop  }
__scs_overlays_trampoline_lowered:
0x8: {  	[smem:$0x3FA5] =	sst s0  }
0x9: {  	[smem:$0x3FA6] =	sst s1  }
0xa: {  	[smem:$0x3FA7] =	sst s2  }
0xb: {  	[smem:$0x3FA8] =	sst s3  }
0xc: {  	[smem:$0x3FA9] =	sst s4  }
0xd: {  	[smem:$0x3FAA] =	sst s5  }
0xe: {  	[smem:$0x3FAB] =	sst s6  }
0xf: {  	[smem:$0x3FAC] =	sst s7  }
0x10: {  	[smem:$0x3FAD] =	sst s8  }
0x11: {  	[smem:$0x3FAE] =	sst s9;
	s0 =	simm.s32 @!p0 $0x0  }
0x12: {  	s1 =	sld [smem:$0x3F94];
	s0 =	simm.s32 @p0 $0x1  }
0x13: {  	[smem:$0x3FAF] =	sst s0;
	s0 =	simm.s32 @!p1 $0x0  }
0x14: {  	s2 =	sld [smem:$0x3F93];
	s0 =	simm.s32 @p1 $0x1  }
0x15: {  	[smem:$0x3FB0] =	sst s0;
	s0 =	simm.s32 @!p2 $0x0  }
0x16: {  	s3 =	sld [smem:$0x3FDB];
	s0 =	simm.s32 @p2 $0x1  }
0x17: {  	s4 =	simm.s32 $0x1BF5;
	[smem:$0x3FB2] =	sst s0  }
0x18: {  	s0 =	sld [smem:$0x3F95];
	_ =	swait.ge [sflag:s4], $0x0  }
0x19: {  	s7 =	sld [smem:$0x3F96]  }
0x1a: {  	s8 =	sadd.s32 $0xFFFFE003, lr  }
0x1b: {  	s9 =	sadd.s32 $0xFFFFFEF7, lr;
	s5 =	simm.s32 $0xFFFFFFFF;
	p2 =	slt.u32 s8, $0xFFFFF086  }
0x1c: {  	p1 =	slt.u32 s9, $0xF7A;
	s5 =	simm.s32 @!p2 $0x0  }
0x1d: {  	s5 =	simm.s32 @p1 $0x1;
	p0 =	seq.s32 s7, s2  }
0x1e: {  	s7 =	smul.u32 @!p0 $0xF7A, s2;
	p2 =	seq.s32 @!p0 s5, $0x0  }
0x1f: {  	s9 =	smul.u32 $0xF7A, s1;
	s8 =	simm.s32 @!p0 $0x1BF5;
	p2 =	por !p2, p0  }
0x20: {  	[sflag:s8] =	ssyncset.s32 @!p0 $0xFFFFF086;
	s6 =	sadd.s32 @!p0 s3, s7;
	s7 =	simm.s32 @!p0 $0x108  }
0x21: {  	s3 =	sadd.s32 s3, s9;
	s6 =	sadd.s32 @!p0 $0x88, s6;
	s7 =	simm.s32 @p2 $0x1082  }
0x22: {  	[simem:s7], [sflag:s8] =	dma.local @!p0 [hbm:s6], $0xF7A  }
0x23: {  	s9 =	sor.u32 $0xD0000000, s2;
	s6 =	simm.s32 $0x108;
	_ =	swait.ge @!p0 [sflag:s8], $0x0  }
0x24: {  	s3 =	sadd.s32 $0x88, s3;
	s6 =	simm.s32 @!p1 $0x1082;
	[sflag:s4] =	ssyncset.s32 $0xFFFFF086  }
0x25: {  	[simem:s6], [sflag:s4] =	dma.local [hbm:s3], $0xF7A  }
0x26: {  	[smem:$0x3F96] =	sst s1;
	(tag) =	ssettag s2;
	_ =	strace s9  }
0x27: {  	s1 =	sld [smem:$0x3FA6]  }
0x28: {  	s2 =	sld [smem:$0x3FA7]  }
0x29: {  	s4 =	sld [smem:$0x3FA9]  }
0x2a: {  	p0 =	seq.s32 s5, $0x0;
	s5 =	sld [smem:$0x3FAA]  }
0x2b: {  	s6 =	sld [smem:$0x3FAB]  }
0x2c: {  	s7 =	sld [smem:$0x3FAC]  }
0x2d: {  	s3 =	simm.s32 $0x108;
	s8 =	sld [smem:$0x3FAD]  }
0x2e: {  	s3 =	simm.s32 @!p0 $0x1082;
	s9 =	sld [smem:$0x3FAE]  }
0x2f: {  	lr =	sadd.s32 s0, s3;
	s0 =	sld [smem:$0x3FA5]  }
0x30: {  	s3 =	sld [smem:$0x3FA8]  }
0x31: {  	[smem:$0x3FB1] =	sst s10  }
0x32: {  	s10 =	sld [smem:$0x3FAF];
	_ =	sdelay $0x3  }
0x33: {  	p0 =	seq.s32 s10, $0x1;
	s10 =	sld [smem:$0x3FB1];
	_ =	sdelay $0x3  }
0x34: {  	[smem:$0x3FB1] =	sst s10  }
0x35: {  	s10 =	sld [smem:$0x3FB0];
	_ =	sdelay $0x3  }
0x36: {  	p1 =	seq.s32 s10, $0x1;
	s10 =	sld [smem:$0x3FB1];
	_ =	sdelay $0x3  }
0x37: {  	[smem:$0x3FB1] =	sst s10  }
0x38: {  	s10 =	sld [smem:$0x3FB2]  }
0x39: {  	_ = 	snop;
	(pc) =	sbr.ind lr, $3  }
0x3a: {  	_ = 	snop  }
0x3b: {  	_ = 	snop  }
0x3c: {  	p2 =	seq.s32 s10, $0x1;
	s10 =	sld [smem:$0x3FB1]  }
0x3d: {  	_ =	shalt  }
0x3e: {  	_ =	shalt  }
0x3f: {  	_ =	shalt  }
0x40: {  	_ =	shalt  }
0x41: {  	_ =	shalt  }
0x42: {  	_ =	shalt  }
0x43: {  	_ =	shalt  }
0x44: {  	_ =	shalt  }
0x45: {  	_ =	shalt  }
0x46: {  	_ =	shalt  }
0x47: {  	_ =	shalt  }
0x48: {  	_ =	shalt  }
0x49: {  	_ =	shalt  }
0x4a: {  	_ =	shalt  }
0x4b: {  	_ =	shalt  }
0x4c: {  	_ =	shalt  }
0x4d: {  	_ =	shalt  }
0x4e: {  	_ =	shalt  }
0x4f: {  	_ =	shalt  }
0x50: {  	_ =	shalt  }
0x51: {  	_ =	shalt  }
0x52: {  	_ =	shalt  }
0x53: {  	_ =	shalt  }
0x54: {  	_ =	shalt  }
0x55: {  	_ =	shalt  }
0x56: {  	_ =	shalt  }
0x57: {  	_ =	shalt  }
0x58: {  	_ =	shalt  }
0x59: {  	_ =	shalt  }
0x5a: {  	_ =	shalt  }
0x5b: {  	_ =	shalt  }
0x5c: {  	_ =	shalt  }
0x5d: {  	_ =	shalt  }
0x5e: {  	_ =	shalt  }
0x5f: {  	_ =	shalt  }
0x60: {  	_ =	shalt  }
0x61: {  	_ =	shalt  }
0x62: {  	_ =	shalt  }
0x63: {  	_ =	shalt  }
0x64: {  	_ =	shalt  }
0x65: {  	_ =	shalt  }
0x66: {  	_ =	shalt  }
0x67: {  	_ =	shalt  }
0x68: {  	_ =	shalt  }
0x69: {  	_ =	shalt  }
0x6a: {  	_ =	shalt  }
0x6b: {  	_ =	shalt  }
0x6c: {  	_ =	shalt  }
0x6d: {  	_ =	shalt  }
0x6e: {  	_ =	shalt  }
0x6f: {  	_ =	shalt  }
0x70: {  	_ =	shalt  }
0x71: {  	_ =	shalt  }
0x72: {  	_ =	shalt  }
0x73: {  	_ =	shalt  }
0x74: {  	_ =	shalt  }
0x75: {  	_ =	shalt  }
0x76: {  	_ =	shalt  }
0x77: {  	_ =	shalt  }
0x78: {  	_ =	shalt  }
0x79: {  	_ =	shalt  }
0x7a: {  	_ =	shalt  }
0x7b: {  	_ =	shalt  }
0x7c: {  	_ =	shalt  }
0x7d: {  	_ =	shalt  }
0x7e: {  	_ =	shalt  }
0x7f: {  	_ =	shalt  }
0x80: {  	_ =	shalt  }
0x81: {  	_ =	shalt  }
0x82: {  	_ =	shalt  }
0x83: {  	_ =	shalt  }
0x84: {  	_ =	shalt  }
0x85: {  	_ =	shalt  }
0x86: {  	_ =	shalt  }
0x87: {  	_ =	shalt  }
.Lfunc_end0:
.L_simem_size_0:
called_computation_lowered:
.L_overlay_start_0:
0x88: {  	s2 =	sld [smem:$0x3FD9]  }
0x89: {  	s3 =	sld [smem:$0x3FFE];
	_ =	sdelay $0x1  }
0x8a: {  	s1 =	srdreg.scid  }
0x8b: {  	s0 =	sand.u32 $0x1, s1  }
0x8c: {  	s15 =	sshll.u32 s0, $0xA;
	s2 =	sadd.s32 s3, s2  }
0x8d: {  	s2 =	sadd.s32 s2, s15  }
0x8e: {  	[smem:$0x3FBD] =	sst s2  }
0x8f: {  	_ = 	snop  }
0x90: {  	s2 =	sld [smem:$0x3FD0];
	_ =	sdelay $0x2  }
0x91: {  	s16 =	simm.s32 $0xB;
	s4 =	simm.s32 $0x10  }
0x92: {  	[smem:s4], [sflag:s16] =	dma.local [hbm:s2], $0x1  }
0x93: {  	_ =	swait.eq [sflag:s16], $0x1  }
0x94: {  	[sflag:s16] =	ssyncset.done $0x0  }
0x95: {  	s17 =	sld [smem:$0x10];
	[sflag:s16] =	ssyncadd.s32 $0xFFFFFFFF  }
0x96: {  	s18 =	sld [smem:$0x11];
	(tm) =	ssettm $0x1  }
0x97: {  	s19 =	sld [smem:$0x3FFB];
	_ =	sdelay $0x3  }
0x98: {  	_ =	strace s19  }
0x99: {  	s2 =	sld [smem:$0x3FFC];
	_ =	sdelay $0x3  }
0x9a: {  	_ =	strace s2  }
0x9b: {  	s2 =	sld [smem:$0x3FFD];
	_ =	sdelay $0x3  }
0x9c: {  	_ =	strace s2  }
0x9d: {  	_ =	strace $0x8FFFFFFF  }
0x9e: {  	s20 =	sld [smem:$0x3FDB];
	_ =	sdelay $0x1  }
0x9f: {  	s5 =	simm.s32 $_scs_section_size  }
0xa0: {  	s6 =	simm.s32 $_size__tile_overlayer_lowered;
	s7 =	simm.s32 $_tile_overlayer_lowered  }
0xa1: {  	s8 =	simm.s32 $0x1BFF;
	s21 =	sshll.u32 s7, $0x1;
	s5 =	sadd.s32 s5, s20  }
0xa2: {  	s22 =	simm.s32 $0x0;
	s6 =	sshll.u32 s6, $0x1;
	s7 =	sadd.s32 s21, s5  }
0xa3: {  	[timem:s22], [sflag:s8] =	dma.local [hbm:s7], s6  }
0xa4: {  	_ =	swait.ge [sflag:s8], s6  }
0xa5: {  	s6 =	ssub.s32 $0x0, s6;
	[sflag:s8] =	ssyncset.done $0x0  }
0xa6: {  	[sflag:s8] =	ssyncadd.s32 s6;
	_ =	sdelay $0x1  }
0xa7: {  	s23 =	simm.s32 $0x1B8B  }
0xa8: {  	_ =	swait.ge [sflag:s23], $0x1  }
0xa9: {  	[sflag:s23] =	ssyncset.done $0x0  }
0xaa: {  	[sflag:s23] =	ssyncadd.s32 $0xFFFFFFFF  }
0xab: {  	s6 =	sld [smem:$0x0]  }
0xac: {  	s7 =	sand.u32 $0xFFFFFFFE, s1  }
0xad: {  	p0 =	sne.s32 s1, s7  }
0xae: {  	s7 =	sshll.u32 @p0 s7, $0xE  }
0xaf: {  	s7 =	sadd.s32 @p0 $0x11B8D, s7;
	s8 =	sshll.u32 @p0 s6, $0x11  }
0xb0: {  	s7 =	sor.u32 @p0 s8, s7  }
0xb1: {  	[sflag:s7] =	ssyncadd.remote.s32 @p0 $0x1;
	_ =	sdelay $0x1  }
0xb2: {  	s7 =	simm.s32 @p0 $0x1B8D  }
0xb3: {  	_ =	swait.eq @p0 [sflag:s7], $0x1  }
0xb4: {  	[sflag:s7] =	ssyncadd.s32 @p0 $0xFFFFFFFF  }
0xb5: {  	s8 =	sshll.u32 @!p0 s1, $0xE  }
0xb6: {  	s8 =	sor.u32 @!p0 $0x4000, s8;
	s7 =	simm.s32 @!p0 $0x1B8D  }
0xb7: {  	s6 =	sshll.u32 @!p0 s6, $0x11;
	s8 =	sadd.s32 @!p0 $0x11B8D, s8;
	_ =	swait.eq @!p0 [sflag:s7], $0x1  }
0xb8: {  	s6 =	sor.u32 @!p0 s6, s8;
	[sflag:s7] =	ssyncadd.s32 @!p0 $0xFFFFFFFF  }
0xb9: {  	s25 =	simm.s32 $0x1B8E;
	s24 =	sld [smem:$0x3FFE];
	[sflag:s6] =	ssyncadd.remote.s32 @!p0 $0x1  }
0xba: {  	s26 =	simm.s32 $execute0_lowered;
	[smem:$0x3FD2] =	sst s25  }
0xbb: {  	s7 =	sshll.u32 s26, $0x1;
	_ =	strace $0x80000049;
	[dreg:$0x1] =	wrdreg $0xFFFFFFFF  }
0xbc: {  	s28 =	simm.s32 $_size_execute0_lowered;
	s5 =	sadd.s32 s5, s7;
	[dreg:$0x0] =	wrdreg $0x0  }
0xbd: {  	s7 =	sshll.u32 s28, $0x1;
	[dreg:$0x2] =	wrdreg s5  }
0xbe: {  	[dreg:$0x3] =	wrdreg s7  }
0xbf: {  	[dreg:$0x4] =	wrdreg $0xC0  }
0xc0: {  	_ =	task [dreg:s22], $0x5FFFF  }
0xc1: {  	[dreg:$0x1] =	wrdreg $0xFFFFFFFF  }
0xc2: {  	[dreg:$0x0] =	wrdreg $0x60  }
0xc3: {  	[dreg:$0x2] =	wrdreg s17  }
0xc4: {  	[dreg:$0x3] =	wrdreg s24  }
0xc5: {  	[dreg:$0x4] =	wrdreg s18  }
0xc6: {  	[dreg:$0x5] =	wrdreg $0x9  }
0xc7: {  	_ =	task.clear_ibuf [dreg:s22], $0x6FFFF;
	_ =	strace $0x90000049  }
0xc8: {  	s29 =	simm.s32 $0x9;
	_ =	strace $0x8000004B  }
0xc9: {  	_ =	swait.ge [sflag:s29], $0x1  }
0xca: {  	[sflag:s29] =	ssyncadd.s32 $0xFFFFFFFF  }
0xcb: {  	_ =	strace $0x9000004B  }
0xcc: {  	_ =	sfence  }
0xcd: {  	s30 =	sld [smem:$0x0];
	_ =	sdelay $0x2  }
0xce: {  	s31 =	sshll.u32 s1, $0xD;
	s1 =	sshrl.u32 s1, $0x2  }
0xcf: {  	s4 =	sand.u32 $0x4000, s31;
	s1 =	sadd.s32 s1, s30  }
0xd0: {  	s0 =	sor.u32 s4, s0;
	s1 =	sshll.u32 s1, $0x11  }
0xd1: {  	s0 =	sor.u32 s1, s0  }
0xd2: {  	s0 =	sadd.s32 $0x8F2B, s0  }
0xd3: {  	[sflag:s0] =	ssyncadd.remote.s32 $0x1  }
0xd4: {  	_ =	sfence.sel $0xFFFF  }
0xd5: {  	[dreg:$0x0] =	wrdreg $0xFFFFFFFF;
	(pc) =	sbr.abs _section_cstart, $3  }
0xd6: {  	[dreg:$0x1] =	wrdreg $0xFFFFFFFF  }
0xd7: {  	_ =	task.clear_ibuf [dreg:s22], $0x2FFFF;
	_ =	strace $0x9FFFFFFF  }
0xd8: {  	(tm) =	ssettm $0x7FFFFFFF  }
0xd9: {  	_ =	shalt  }
tec
execute0_lowered:
.L_overlay_start_1:
0x0: {  	(tag) =	ssettag $0x1  }
0x1: {  	s1 =	rddreg [dreg:$0x0]  }
0x2: {  	s6 =	rddreg [dreg:$0x1]  }
0x3: {  	s3 =	rddreg [dreg:$0x2]  }
0x4: {  	s0 =	rddreg [dreg:$0x3]  }
0x5: {  	s5 =	srdreg.scid;
	s2 =	stileid.u32;
	s4 =	simm.s32 $0x0  }
0x6: {  	s11 =	simm.s32 $0x4000;
	s12 =	simm.s32 $0x28;
	s13 =	simm.s32 $0x8000  }
0x7: {  	s14 =	simm.s32 $0x9400;
	s15 =	simm.s32 $0x1;
	s16 =	simm.s32 $0xA800  }
0x8: {  	s17 =	simm.s32 $0xBC00;
	s18 =	simm.s32 $0x2;
	s19 =	simm.s32 $0x3  }
0x9: {  	s20 =	simm.s32 $0x0;
	s5 =	sand.u32 $0x1, s5;
	s7 =	sshll.u32 s2, $0x1  }
.Ltmp0:
0xa: {  	[smem:$0x7FF] =	sst s4;
	s8 =	sor.u32 s5, s7;
	(pc) =	sbr.rel .LBB2_1-.Ltmp0, $4  }
0xb: {  	s31 =	ssub.s32 $0x2, s5;
	_ =	strace $0x8000004A;
	s9 =	sshll.u32 s8, $0xB  }
0xc: {  	s5 =	sadd.s32 $0x22E00, s6;
	s10 =	sshrl.u32 s31, $0x1;
	s9 =	sadd.s32 s9, s6  }
0xd: {  	s8 =	smul.u32 $0x7D, s8;
	s10 =	ssub.s32 s31, s10;
	s6 =	sadd.s32 $0x2CB000, s9  }
0xe: {  	s7 =	sadd.s32 $0x2BB000, s9;
	s9 =	smax.u32 s10, $0x1;
	s10 =	simm.s32 $0x5  }
.LBB2_12:
0xf: {  	s20 =	sadd.s32 $0x1, s20  }
0x10: {  	p0 =	sne.s32 s20, s9  }
.Ltmp1:
0x11: {  	_ = 	snop;
	(pc) =	sbr.rel @!p0 .LBB2_13-.Ltmp1, $4  }
0x12: {  	_ = 	snop  }
0x13: {  	_ =	swait.ge [sflag:s19], $0x1400  }
0x14: {  	[sflag:s19] =	ssyncset.done $0x0  }
0x15: {  	[sflag:s19] =	ssyncadd.s32 $0xFFFFEC00  }
.LBB2_1:
0x16: {  	[tilespmem:s4], [sflag:$0x5] =	stream.linear.gather [hbm4b:s6+s4], $0x3E80, $0x38;
	[tilespmem:$0xD000] =	vst v63  }
0x17: {  	_ =	swait.ge [sflag:s10], $0x3E80  }
0x18: {  	[sflag:s10] =	ssyncset.done $0x0  }
0x19: {  	[sflag:s10] =	ssyncadd.s32 $0xFFFFC180  }
0x1a: {  	[tilespmem:s11], [sflag:$0x5] =	stream.linear.gather [hbm4b:s7+s4], $0x3E80, $0x38;
	[tilespmem:$0xD000] =	vst v63  }
0x1b: {  	_ =	swait.ge [sflag:s10], $0x3E80  }
.Ltmp2:
0x1c: {  	[sflag:s10] =	ssyncset.done $0x0;
	(pc) =	sbr.rel .LBB2_2-.Ltmp2, $4  }
0x1d: {  	[sflag:s10] =	ssyncadd.s32 $0xFFFFC180  }
0x1e: {  	[tilespmem:s13], [sflag:$0x1] =	stream.indirect.gather [hbm4b:s1+s12], $0x80, s4, s12, $0xb8;
	[tilespmem:$0xD000] =	vst v63  }
0x1f: {  	s21 =	simm.s32 $0x0  }
0x20: {  	[tilespmem:s14], [sflag:$0x1] =	stream.indirect.gather [hbm4b:s5+s12], $0x80, s11, s12, $0xb8;
	[tilespmem:$0xD000] =	vst v63  }
.LBB2_11:
0x21: {  	s21 =	sadd.s32 $0x1, s21  }
0x22: {  	p0 =	sne.s32 s21, $0x3F  }
.Ltmp3:
0x23: {  	_ = 	snop;
	(pc) =	sbr.rel @!p0 .LBB2_12-.Ltmp3, $1  }
0x24: {  	_ =	sdelay $0x3  }
.LBB2_2:
0x25: {  	s23 =	sshll.u32 s21, $0x1;
	p0 =	seq.s32 s21, $0x0  }
0x26: {  	s22 =	sor.u32 @!p0 $0x1, s23  }
0x27: {  	p1 =	sgt.u32 @!p0 s22, $0x7C  }
0x28: {  	p1 =	por p0, !p1  }
.Ltmp4:
0x29: {  	_ = 	snop;
	(pc) =	sbr.rel @!p1 .LBB2_3-.Ltmp4, $4  }
0x2a: {  	s24 =	simm.s32 @!p0 $0x4  }
0x2b: {  	_ =	swait.ge @!p0 [sflag:s24], $0x1400  }
0x2c: {  	[sflag:s24] =	ssyncset.done @!p0 $0x0  }
0x2d: {  	[sflag:s24] =	ssyncadd.s32 @!p0 $0xFFFFEC00  }
.Ltmp5:
0x2e: {  	s22 =	simm.s32 @p0 $0x1;
	(pc) =	sbr.rel .LBB2_5-.Ltmp5, $4  }
0x2f: {  	s24 =	sshll.u32 s22, $0x7  }
0x30: {  	[tilespmem:s16], [sflag:$0x2] =	stream.indirect.gather [hbm4b:s1+s12], $0x80, s24, s12, $0xb8;
	[tilespmem:$0xD000] =	vst v63  }
0x31: {  	p0 =	por $0x1, $0x1;
	s24 =	sadd.s32 $0x4000, s24  }
0x32: {  	[tilespmem:s17], [sflag:$0x2] =	stream.indirect.gather [hbm4b:s5+s12], $0x80, s24, s12, $0xb8;
	[tilespmem:$0xD000] =	vst v63  }
.LBB2_3:
0x33: {  	s22 =	simm.s32 @!p0 $0x7D;
	p0 =	por @!p0 $0x0, $0x0  }
.LBB2_5:
0x34: {  	_ =	swait.ge [sflag:s15], $0x1400  }
0x35: {  	[sflag:s15] =	ssyncset.done $0x0  }
0x36: {  	[sflag:s15] =	ssyncadd.s32 $0xFFFFEC00  }
0x37: {  	_ =	swait.ge [sflag:s15], $0x1400  }
0x38: {  	[sflag:s15] =	ssyncset.done $0x0  }
0x39: {  	s24 =	simm.s32 $0x0;
	s25 =	simm.s32 $0x200;
	[sflag:s15] =	ssyncadd.s32 $0xFFFFEC00  }
.LBB2_6:
0x3a: {  	p1 =	sne.s32 s25, $0x4E00;
	v0 =	vld [tilespmem:s24+$0x9470]  }
0x3b: {  	v1 =	vld [tilespmem:s24+$0x9400]  }
0x3c: {  	v2 =	vld [tilespmem:s24+$0x9410]  }
0x3d: {  	v3 =	vld [tilespmem:s24+$0x9420]  }
0x3e: {  	v4 =	vld [tilespmem:s24+$0x9430]  }
0x3f: {  	[tilespmem:s24+$0x8070] =	vst.add.f32.msk $0xffff, v0  }
0x40: {  	v0 =	vld [tilespmem:s24+$0x9440]  }
0x41: {  	v5 =	vld [tilespmem:s24+$0x9450]  }
0x42: {  	v6 =	vld [tilespmem:s24+$0x9460]  }
0x43: {  	[tilespmem:s24+$0x8000] =	vst.add.f32.msk $0xffff, v1  }
0x44: {  	[tilespmem:s24+$0x8010] =	vst.add.f32.msk $0xffff, v2  }
.Ltmp6:
0x45: {  	[tilespmem:s24+$0x8020] =	vst.add.f32.msk $0xffff, v3;
	(pc) =	sbr.rel @p1 .LBB2_6-.Ltmp6, $4  }
0x46: {  	[tilespmem:s24+$0x8030] =	vst.add.f32.msk $0xffff, v4  }
0x47: {  	[tilespmem:s24+$0x8040] =	vst.add.f32.msk $0xffff, v0  }
0x48: {  	[tilespmem:s24+$0x8050] =	vst.add.f32.msk $0xffff, v5  }
0x49: {  	[tilespmem:s24+$0x8060] =	vst.add.f32.msk $0xffff, v6;
	s24 =	sshra.s32 s25, $0x2;
	s25 =	sadd.s32 $0x200, s25  }
0x4a: {  	v0 =	vld [tilespmem:s24+$0x9470]  }
0x4b: {  	v1 =	vld [tilespmem:s24+$0x9400]  }
0x4c: {  	v2 =	vld [tilespmem:s24+$0x9410]  }
0x4d: {  	v3 =	vld [tilespmem:s24+$0x9420]  }
0x4e: {  	v4 =	vld [tilespmem:s24+$0x9430]  }
0x4f: {  	v63 =	vld [tilespmem:s24+$0x9440]  }
0x50: {  	v5 =	vld [tilespmem:s24+$0x9450]  }
0x51: {  	v6 =	vld [tilespmem:s24+$0x9460]  }
0x52: {  	[tilespmem:s24+$0x8070] =	vst.add.f32.msk $0xffff, v0  }
0x53: {  	[tilespmem:s24+$0x8000] =	vst.add.f32.msk $0xffff, v1  }
0x54: {  	[tilespmem:s24+$0x8010] =	vst.add.f32.msk $0xffff, v2  }
0x55: {  	[tilespmem:s24+$0x8020] =	vst.add.f32.msk $0xffff, v3  }
0x56: {  	s23 =	sadd.s32 s8, s23;
	[tilespmem:s24+$0x8030] =	vst.add.f32.msk $0xffff, v4  }
0x57: {  	s23 =	smul.u32 $0x280, s23;
	[tilespmem:s24+$0x8040] =	vst.add.f32.msk $0xffff, v63  }
0x58: {  	[tilespmem:s24+$0x8050] =	vst.add.f32.msk $0xffff, v5  }
0x59: {  	p1 =	seq.s32 s21, $0x3E;
	s23 =	sadd.s32 s3, s23;
	[tilespmem:s24+$0x8060] =	vst.add.f32.msk $0xffff, v6  }
0x5a: {  	[hbm4b:s23+s4] =	stream.linear.scatter [tilespmem:s13], [sflag:$0x3], $0x1400, $0x38;
	[tilespmem:$0xD000] =	vst v63  }
0x5b: {  	s23 =	simm.s32 @!p1 $0x3  }
0x5c: {  	_ =	swait.ge @!p1 [sflag:s23], $0x1400  }
0x5d: {  	[sflag:s23] =	ssyncset.done @!p1 $0x0  }
.Ltmp7:
0x5e: {  	[sflag:s23] =	ssyncadd.s32 @!p1 $0xFFFFEC00;
	s23 =	sshll.u32 @!p1 s21, $0x8;
	(pc) =	sbr.rel @!p0 .LBB2_11-.Ltmp7, $4  }
0x5f: {  	s25 =	simm.s32 @!p1 $0x28;
	s26 =	simm.s32 @!p1 $0x8000;
	s24 =	sadd.s32 @!p1 $0x100, s23  }
0x60: {  	[tilespmem:s26], [sflag:$0x1] =	stream.indirect.gather @!p1 [hbm4b:s1+s25], $0x80, s24, s25, $0xb8;
	[tilespmem:$0xD000] =	vst v63  }
0x61: {  	s23 =	sadd.s32 @!p1 $0x4100, s23;
	s24 =	simm.s32 @!p1 $0x9400  }
0x62: {  	[tilespmem:s24], [sflag:$0x1] =	stream.indirect.gather @!p1 [hbm4b:s5+s25], $0x80, s23, s25, $0xb8;
	[tilespmem:$0xD000] =	vst v63  }
0x63: {  	_ =	swait.ge [sflag:s18], $0x1400  }
0x64: {  	[sflag:s18] =	ssyncset.done $0x0  }
0x65: {  	[sflag:s18] =	ssyncadd.s32 $0xFFFFEC00  }
0x66: {  	_ =	swait.ge [sflag:s18], $0x1400  }
0x67: {  	[sflag:s18] =	ssyncset.done $0x0  }
0x68: {  	s23 =	simm.s32 $0x0;
	s24 =	simm.s32 $0x200;
	[sflag:s18] =	ssyncadd.s32 $0xFFFFEC00  }
.LBB2_9:
0x69: {  	p0 =	sne.s32 s24, $0x4E00;
	v0 =	vld [tilespmem:s23+$0xBC70]  }
0x6a: {  	v1 =	vld [tilespmem:s23+$0xBC00]  }
0x6b: {  	v2 =	vld [tilespmem:s23+$0xBC10]  }
0x6c: {  	v3 =	vld [tilespmem:s23+$0xBC20]  }
0x6d: {  	v4 =	vld [tilespmem:s23+$0xBC30]  }
0x6e: {  	[tilespmem:s23+$0xA870] =	vst.add.f32.msk $0xffff, v0  }
0x6f: {  	v0 =	vld [tilespmem:s23+$0xBC40]  }
0x70: {  	v5 =	vld [tilespmem:s23+$0xBC50]  }
0x71: {  	v6 =	vld [tilespmem:s23+$0xBC60]  }
0x72: {  	[tilespmem:s23+$0xA800] =	vst.add.f32.msk $0xffff, v1  }
0x73: {  	[tilespmem:s23+$0xA810] =	vst.add.f32.msk $0xffff, v2  }
.Ltmp8:
0x74: {  	[tilespmem:s23+$0xA820] =	vst.add.f32.msk $0xffff, v3;
	(pc) =	sbr.rel @p0 .LBB2_9-.Ltmp8, $4  }
0x75: {  	[tilespmem:s23+$0xA830] =	vst.add.f32.msk $0xffff, v4  }
0x76: {  	[tilespmem:s23+$0xA840] =	vst.add.f32.msk $0xffff, v0  }
0x77: {  	[tilespmem:s23+$0xA850] =	vst.add.f32.msk $0xffff, v5  }
0x78: {  	[tilespmem:s23+$0xA860] =	vst.add.f32.msk $0xffff, v6;
	s23 =	sshra.s32 s24, $0x2;
	s24 =	sadd.s32 $0x200, s24  }
0x79: {  	v0 =	vld [tilespmem:s23+$0xBC70]  }
0x7a: {  	v1 =	vld [tilespmem:s23+$0xBC00]  }
0x7b: {  	v2 =	vld [tilespmem:s23+$0xBC10]  }
0x7c: {  	v3 =	vld [tilespmem:s23+$0xBC20]  }
0x7d: {  	v4 =	vld [tilespmem:s23+$0xBC30]  }
0x7e: {  	v63 =	vld [tilespmem:s23+$0xBC40]  }
0x7f: {  	v5 =	vld [tilespmem:s23+$0xBC50]  }
0x80: {  	v6 =	vld [tilespmem:s23+$0xBC60]  }
0x81: {  	[tilespmem:s23+$0xA870] =	vst.add.f32.msk $0xffff, v0  }
0x82: {  	[tilespmem:s23+$0xA800] =	vst.add.f32.msk $0xffff, v1  }
0x83: {  	[tilespmem:s23+$0xA810] =	vst.add.f32.msk $0xffff, v2  }
0x84: {  	[tilespmem:s23+$0xA820] =	vst.add.f32.msk $0xffff, v3  }
.Ltmp9:
0x85: {  	s22 =	sadd.s32 s8, s22;
	[tilespmem:s23+$0xA830] =	vst.add.f32.msk $0xffff, v4;
	(pc) =	sbr.rel .LBB2_11-.Ltmp9, $4  }
0x86: {  	s22 =	smul.u32 $0x280, s22;
	[tilespmem:s23+$0xA840] =	vst.add.f32.msk $0xffff, v63  }
0x87: {  	[tilespmem:s23+$0xA850] =	vst.add.f32.msk $0xffff, v5  }
0x88: {  	s22 =	sadd.s32 s3, s22;
	[tilespmem:s23+$0xA860] =	vst.add.f32.msk $0xffff, v6  }
0x89: {  	[hbm4b:s22+s4] =	stream.linear.scatter [tilespmem:s16], [sflag:$0x4], $0x1400, $0x38;
	[tilespmem:$0xD000] =	vst v63  }
.LBB2_13:
0x8a: {  	_ =	sfence.sel $0x180000  }
0x8b: {  	[bflag:$0x0] =	sbarrier.arrive $0xFFFF  }
0x8c: {  	p0 =	sne.s32 s2, $0x0;
	_ =	strace $0x9000004A  }
0x8d: {  	s0 =	sadd.s32 @!p0 $0x100000, s0;
	[bflag:$0x2] =	sbarrier.arrive $0xFFFF  }
0x8e: {  	[sflag:s0] =	ssyncadd.tile.s32 @!p0 $0x1;
	_ =	shalt  }
.Lfunc_end2:
_tile_overlayer_lowered:
.L_overlay_start_2:
0x8f: {  	(tag) =	ssettag $0x2  }
0x90: {  	s0 =	rddreg [dreg:$0x0];
	s2 =	stileid.u32  }
0x91: {  	s1 =	rddreg [dreg:$0x1];
	p0 =	sne.s32 s2, $0x0  }
0x92: {  	s3 =	rddreg [dreg:$0x2];
	[bflag:$0x3] =	sbarrier.arrive $0xFFFF;
	s2 =	simm.s32 @!p0 $0x1C05  }
0x93: {  	[timem:s3], [sflag:s2] =	dma.local @!p0 [hbm:s0], s1  }
0x94: {  	s0 =	simm.s32 @!p0 $0x5  }
0x95: {  	_ =	swait.ge @!p0 [sflag:s0], s1  }
0x96: {  	s1 =	ssub.s32 @!p0 $0x0, s1;
	[sflag:s0] =	ssyncset.done @!p0 $0x0  }
0x97: {  	[sflag:s0] =	ssyncadd.s32 @!p0 s1  }
0x98: {  	[bflag:$0x3] =	sbarrier.arrive $0xFFFF  }
0x99: {  	_ =	shalt  }

// kernel: kernel.13.cloned.1.call-start
scs
__scs_entry_jumppad:
0x0: {  	(pc) =	sbr.rel $0x88, $3  }
0x1: {  	(tag) =	ssettag $0x0;
	lr =	simm.s32 $0x1  }
0x2: {  	[smem:$0x3F96] =	sst lr;
	_ =	strace $0xD0000000  }
0x3: {  	_ = 	snop  }
0x4: {  	_ = 	snop  }
0x5: {  	_ = 	snop  }
0x6: {  	_ = 	snop  }
0x7: {  	_ = 	snop  }
__scs_overlays_trampoline_lowered:
0x8: {  	[smem:$0x3FA5] =	sst s0  }
0x9: {  	[smem:$0x3FA6] =	sst s1  }
0xa: {  	[smem:$0x3FA7] =	sst s2  }
0xb: {  	[smem:$0x3FA8] =	sst s3  }
0xc: {  	[smem:$0x3FA9] =	sst s4  }
0xd: {  	[smem:$0x3FAA] =	sst s5  }
0xe: {  	[smem:$0x3FAB] =	sst s6  }
0xf: {  	[smem:$0x3FAC] =	sst s7  }
0x10: {  	[smem:$0x3FAD] =	sst s8  }
0x11: {  	[smem:$0x3FAE] =	sst s9;
	s0 =	simm.s32 @!p0 $0x0  }
0x12: {  	s1 =	sld [smem:$0x3F94];
	s0 =	simm.s32 @p0 $0x1  }
0x13: {  	[smem:$0x3FAF] =	sst s0;
	s0 =	simm.s32 @!p1 $0x0  }
0x14: {  	s2 =	sld [smem:$0x3F93];
	s0 =	simm.s32 @p1 $0x1  }
0x15: {  	[smem:$0x3FB0] =	sst s0;
	s0 =	simm.s32 @!p2 $0x0  }
0x16: {  	s3 =	sld [smem:$0x3FDB];
	s0 =	simm.s32 @p2 $0x1  }
0x17: {  	s4 =	simm.s32 $0x1BF5;
	[smem:$0x3FB2] =	sst s0  }
0x18: {  	s0 =	sld [smem:$0x3F95];
	_ =	swait.ge [sflag:s4], $0x0  }
0x19: {  	s7 =	sld [smem:$0x3F96]  }
0x1a: {  	s8 =	sadd.s32 $0xFFFFE003, lr  }
0x1b: {  	s9 =	sadd.s32 $0xFFFFFEF7, lr;
	s5 =	simm.s32 $0xFFFFFFFF;
	p2 =	slt.u32 s8, $0xFFFFF086  }
0x1c: {  	p1 =	slt.u32 s9, $0xF7A;
	s5 =	simm.s32 @!p2 $0x0  }
0x1d: {  	s5 =	simm.s32 @p1 $0x1;
	p0 =	seq.s32 s7, s2  }
0x1e: {  	s7 =	smul.u32 @!p0 $0xF7A, s2;
	p2 =	seq.s32 @!p0 s5, $0x0  }
0x1f: {  	s9 =	smul.u32 $0xF7A, s1;
	s8 =	simm.s32 @!p0 $0x1BF5;
	p2 =	por !p2, p0  }
0x20: {  	[sflag:s8] =	ssyncset.s32 @!p0 $0xFFFFF086;
	s6 =	sadd.s32 @!p0 s3, s7;
	s7 =	simm.s32 @!p0 $0x108  }
0x21: {  	s3 =	sadd.s32 s3, s9;
	s6 =	sadd.s32 @!p0 $0x88, s6;
	s7 =	simm.s32 @p2 $0x1082  }
0x22: {  	[simem:s7], [sflag:s8] =	dma.local @!p0 [hbm:s6], $0xF7A  }
0x23: {  	s9 =	sor.u32 $0xD0000000, s2;
	s6 =	simm.s32 $0x108;
	_ =	swait.ge @!p0 [sflag:s8], $0x0  }
0x24: {  	s3 =	sadd.s32 $0x88, s3;
	s6 =	simm.s32 @!p1 $0x1082;
	[sflag:s4] =	ssyncset.s32 $0xFFFFF086  }
0x25: {  	[simem:s6], [sflag:s4] =	dma.local [hbm:s3], $0xF7A  }
0x26: {  	[smem:$0x3F96] =	sst s1;
	(tag) =	ssettag s2;
	_ =	strace s9  }
0x27: {  	s1 =	sld [smem:$0x3FA6]  }
0x28: {  	s2 =	sld [smem:$0x3FA7]  }
0x29: {  	s4 =	sld [smem:$0x3FA9]  }
0x2a: {  	p0 =	seq.s32 s5, $0x0;
	s5 =	sld [smem:$0x3FAA]  }
0x2b: {  	s6 =	sld [smem:$0x3FAB]  }
0x2c: {  	s7 =	sld [smem:$0x3FAC]  }
0x2d: {  	s3 =	simm.s32 $0x108;
	s8 =	sld [smem:$0x3FAD]  }
0x2e: {  	s3 =	simm.s32 @!p0 $0x1082;
	s9 =	sld [smem:$0x3FAE]  }
0x2f: {  	lr =	sadd.s32 s0, s3;
	s0 =	sld [smem:$0x3FA5]  }
0x30: {  	s3 =	sld [smem:$0x3FA8]  }
0x31: {  	[smem:$0x3FB1] =	sst s10  }
0x32: {  	s10 =	sld [smem:$0x3FAF];
	_ =	sdelay $0x3  }
0x33: {  	p0 =	seq.s32 s10, $0x1;
	s10 =	sld [smem:$0x3FB1];
	_ =	sdelay $0x3  }
0x34: {  	[smem:$0x3FB1] =	sst s10  }
0x35: {  	s10 =	sld [smem:$0x3FB0];
	_ =	sdelay $0x3  }
0x36: {  	p1 =	seq.s32 s10, $0x1;
	s10 =	sld [smem:$0x3FB1];
	_ =	sdelay $0x3  }
0x37: {  	[smem:$0x3FB1] =	sst s10  }
0x38: {  	s10 =	sld [smem:$0x3FB2]  }
0x39: {  	_ = 	snop;
	(pc) =	sbr.ind lr, $3  }
0x3a: {  	_ = 	snop  }
0x3b: {  	_ = 	snop  }
0x3c: {  	p2 =	seq.s32 s10, $0x1;
	s10 =	sld [smem:$0x3FB1]  }
0x3d: {  	_ =	shalt  }
0x3e: {  	_ =	shalt  }
0x3f: {  	_ =	shalt  }
0x40: {  	_ =	shalt  }
0x41: {  	_ =	shalt  }
0x42: {  	_ =	shalt  }
0x43: {  	_ =	shalt  }
0x44: {  	_ =	shalt  }
0x45: {  	_ =	shalt  }
0x46: {  	_ =	shalt  }
0x47: {  	_ =	shalt  }
0x48: {  	_ =	shalt  }
0x49: {  	_ =	shalt  }
0x4a: {  	_ =	shalt  }
0x4b: {  	_ =	shalt  }
0x4c: {  	_ =	shalt  }
0x4d: {  	_ =	shalt  }
0x4e: {  	_ =	shalt  }
0x4f: {  	_ =	shalt  }
0x50: {  	_ =	shalt  }
0x51: {  	_ =	shalt  }
0x52: {  	_ =	shalt  }
0x53: {  	_ =	shalt  }
0x54: {  	_ =	shalt  }
0x55: {  	_ =	shalt  }
0x56: {  	_ =	shalt  }
0x57: {  	_ =	shalt  }
0x58: {  	_ =	shalt  }
0x59: {  	_ =	shalt  }
0x5a: {  	_ =	shalt  }
0x5b: {  	_ =	shalt  }
0x5c: {  	_ =	shalt  }
0x5d: {  	_ =	shalt  }
0x5e: {  	_ =	shalt  }
0x5f: {  	_ =	shalt  }
0x60: {  	_ =	shalt  }
0x61: {  	_ =	shalt  }
0x62: {  	_ =	shalt  }
0x63: {  	_ =	shalt  }
0x64: {  	_ =	shalt  }
0x65: {  	_ =	shalt  }
0x66: {  	_ =	shalt  }
0x67: {  	_ =	shalt  }
0x68: {  	_ =	shalt  }
0x69: {  	_ =	shalt  }
0x6a: {  	_ =	shalt  }
0x6b: {  	_ =	shalt  }
0x6c: {  	_ =	shalt  }
0x6d: {  	_ =	shalt  }
0x6e: {  	_ =	shalt  }
0x6f: {  	_ =	shalt  }
0x70: {  	_ =	shalt  }
0x71: {  	_ =	shalt  }
0x72: {  	_ =	shalt  }
0x73: {  	_ =	shalt  }
0x74: {  	_ =	shalt  }
0x75: {  	_ =	shalt  }
0x76: {  	_ =	shalt  }
0x77: {  	_ =	shalt  }
0x78: {  	_ =	shalt  }
0x79: {  	_ =	shalt  }
0x7a: {  	_ =	shalt  }
0x7b: {  	_ =	shalt  }
0x7c: {  	_ =	shalt  }
0x7d: {  	_ =	shalt  }
0x7e: {  	_ =	shalt  }
0x7f: {  	_ =	shalt  }
0x80: {  	_ =	shalt  }
0x81: {  	_ =	shalt  }
0x82: {  	_ =	shalt  }
0x83: {  	_ =	shalt  }
0x84: {  	_ =	shalt  }
0x85: {  	_ =	shalt  }
0x86: {  	_ =	shalt  }
0x87: {  	_ =	shalt  }
.Lfunc_end0:
.L_simem_size_0:
called_computation.1_lowered:
.L_overlay_start_0:
0x88: {  	s2 =	sld [smem:$0x3FD9]  }
0x89: {  	s3 =	sld [smem:$0x3FFE];
	_ =	sdelay $0x1  }
0x8a: {  	s1 =	srdreg.scid  }
0x8b: {  	s0 =	sand.u32 $0x1, s1  }
0x8c: {  	s17 =	sshll.u32 s0, $0xA;
	s2 =	sadd.s32 s3, s2  }
0x8d: {  	s2 =	sadd.s32 s2, s17  }
0x8e: {  	[smem:$0x3FBD] =	sst s2  }
0x8f: {  	_ = 	snop  }
0x90: {  	(tm) =	ssettm $0x1  }
0x91: {  	s18 =	sld [smem:$0x3FFB];
	_ =	sdelay $0x3  }
0x92: {  	_ =	strace s18  }
0x93: {  	s2 =	sld [smem:$0x3FFC];
	_ =	sdelay $0x3  }
0x94: {  	_ =	strace s2  }
0x95: {  	s2 =	sld [smem:$0x3FFD];
	_ =	sdelay $0x3  }
0x96: {  	_ =	strace s2  }
0x97: {  	_ =	strace $0x8FFFFFFF  }
0x98: {  	s19 =	sld [smem:$0x3FDB];
	_ =	sdelay $0x1  }
0x99: {  	s20 =	simm.s32 $_scs_section_size  }
0x9a: {  	s4 =	simm.s32 $_size__tile_overlayer_lowered;
	s5 =	simm.s32 $_tile_overlayer_lowered  }
0x9b: {  	s6 =	simm.s32 $0x1BFF;
	s21 =	sshll.u32 s5, $0x1;
	s3 =	sadd.s32 s20, s19  }
0x9c: {  	s22 =	simm.s32 $0x0;
	s4 =	sshll.u32 s4, $0x1;
	s5 =	sadd.s32 s21, s3  }
0x9d: {  	[timem:s22], [sflag:s6] =	dma.local [hbm:s5], s4  }
0x9e: {  	_ =	swait.ge [sflag:s6], s4  }
0x9f: {  	s4 =	ssub.s32 $0x0, s4;
	[sflag:s6] =	ssyncset.done $0x0  }
0xa0: {  	[sflag:s6] =	ssyncadd.s32 s4;
	_ =	sdelay $0x1  }
0xa1: {  	s23 =	simm.s32 $0x1B8B  }
0xa2: {  	_ =	swait.ge [sflag:s23], $0x1  }
0xa3: {  	[sflag:s23] =	ssyncset.done $0x0  }
0xa4: {  	[sflag:s23] =	ssyncadd.s32 $0xFFFFFFFF  }
0xa5: {  	s4 =	sld [smem:$0x0]  }
0xa6: {  	s5 =	sand.u32 $0xFFFFFFFE, s1  }
0xa7: {  	p0 =	sne.s32 s1, s5  }
0xa8: {  	s5 =	sshll.u32 @p0 s5, $0xE  }
0xa9: {  	s5 =	sadd.s32 @p0 $0x11B8D, s5;
	s6 =	sshll.u32 @p0 s4, $0x11  }
0xaa: {  	s5 =	sor.u32 @p0 s6, s5  }
0xab: {  	[sflag:s5] =	ssyncadd.remote.s32 @p0 $0x1;
	_ =	sdelay $0x1  }
0xac: {  	s5 =	simm.s32 @p0 $0x1B8D  }
0xad: {  	_ =	swait.eq @p0 [sflag:s5], $0x1  }
0xae: {  	[sflag:s5] =	ssyncadd.s32 @p0 $0xFFFFFFFF  }
0xaf: {  	s6 =	sshll.u32 @!p0 s1, $0xE  }
0xb0: {  	s6 =	sor.u32 @!p0 $0x4000, s6;
	s5 =	simm.s32 @!p0 $0x1B8D  }
0xb1: {  	s4 =	sshll.u32 @!p0 s4, $0x11;
	s6 =	sadd.s32 @!p0 $0x11B8D, s6;
	_ =	swait.eq @!p0 [sflag:s5], $0x1  }
0xb2: {  	s4 =	sor.u32 @!p0 s4, s6;
	[sflag:s5] =	ssyncadd.s32 @!p0 $0xFFFFFFFF  }
0xb3: {  	s25 =	simm.s32 $0x1B8E;
	s24 =	sld [smem:$0x3FFE];
	[sflag:s4] =	ssyncadd.remote.s32 @!p0 $0x1  }
0xb4: {  	s26 =	simm.s32 $execute0_lowered;
	[smem:$0x3FD2] =	sst s25  }
0xb5: {  	s5 =	sshll.u32 s26, $0x1;
	_ =	strace $0x8000004F;
	[dreg:$0x1] =	wrdreg $0xFFFFFFFF  }
0xb6: {  	s28 =	simm.s32 $_size_execute0_lowered;
	s3 =	sadd.s32 s3, s5;
	[dreg:$0x0] =	wrdreg $0x0  }
0xb7: {  	s5 =	sshll.u32 s28, $0x1;
	[dreg:$0x2] =	wrdreg s3  }
0xb8: {  	[dreg:$0x3] =	wrdreg s5  }
0xb9: {  	[dreg:$0x4] =	wrdreg $0xC0  }
0xba: {  	_ =	task [dreg:s22], $0x5FFFF  }
0xbb: {  	[dreg:$0x1] =	wrdreg $0xFFFFFFFF  }
0xbc: {  	[dreg:$0x0] =	wrdreg $0x60  }
0xbd: {  	[dreg:$0x2] =	wrdreg s24  }
0xbe: {  	[dreg:$0x3] =	wrdreg $0xA4000  }
0xbf: {  	[dreg:$0x4] =	wrdreg $0x9  }
0xc0: {  	_ =	task.clear_ibuf [dreg:s22], $0x5FFFF;
	_ =	strace $0x9000004F  }
0xc1: {  	s29 =	simm.s32 $0x9;
	_ =	strace $0x80000051  }
0xc2: {  	_ =	swait.ge [sflag:s29], $0x1  }
0xc3: {  	[sflag:s29] =	ssyncadd.s32 $0xFFFFFFFF  }
0xc4: {  	_ =	strace $0x90000051  }
0xc5: {  	_ =	sfence  }
0xc6: {  	s30 =	sld [smem:$0x0];
	_ =	sdelay $0x2  }
0xc7: {  	s31 =	sshll.u32 s1, $0xD;
	s1 =	sshrl.u32 s1, $0x2  }
0xc8: {  	s4 =	sand.u32 $0x4000, s31;
	s1 =	sadd.s32 s1, s30  }
0xc9: {  	s0 =	sor.u32 s4, s0;
	s1 =	sshll.u32 s1, $0x11  }
0xca: {  	s0 =	sor.u32 s1, s0  }
0xcb: {  	s0 =	sadd.s32 $0x8F2B, s0  }
0xcc: {  	[sflag:s0] =	ssyncadd.remote.s32 $0x1  }
0xcd: {  	_ =	sfence.sel $0xFFFF  }
0xce: {  	[dreg:$0x0] =	wrdreg $0xFFFFFFFF;
	(pc) =	sbr.abs _section_cstart, $3  }
0xcf: {  	[dreg:$0x1] =	wrdreg $0xFFFFFFFF  }
0xd0: {  	_ =	task.clear_ibuf [dreg:s22], $0x2FFFF;
	_ =	strace $0x9FFFFFFF  }
0xd1: {  	(tm) =	ssettm $0x7FFFFFFF  }
tec
execute0_lowered:
.L_overlay_start_1:
0x0: {  	(tag) =	ssettag $0x1  }
0x1: {  	s1 =	stileid.u32  }
0x2: {  	s4 =	rddreg [dreg:$0x0];
	s6 =	smul.u32 $0x27100, s1  }
0x3: {  	s2 =	rddreg [dreg:$0x1];
	s19 =	smul.u32 $0x19000, s1  }
0x4: {  	s0 =	rddreg [dreg:$0x2];
	s8 =	sor.u32 $0x10, s1;
	s24 =	smul.u32 $0xC8, s1  }
0x5: {  	s5 =	srdreg.scid;
	s11 =	sor.u32 $0x20, s1;
	s9 =	smul.u32 $0x19000, s8  }
0x6: {  	s3 =	simm.s32 $0x0;
	s15 =	sor.u32 $0x30, s1;
	s14 =	smul.u32 $0x19000, s11  }
0x7: {  	s10 =	sand.u32 $0x1, s5;
	[smem:$0x7FF] =	sst s3;
	s17 =	smul.u32 $0x19000, s15  }
0x8: {  	s18 =	sshll.u32 s1, $0xC;
	s16 =	sadd.s32 $0x98200, s4;
	s26 =	smul.u32 $0xC8, s8  }
0x9: {  	p0 =	sgt.u32 s1, $0x1;
	s7 =	sshll.u32 s10, $0xB;
	s11 =	smul.u32 $0xC8, s11  }
0xa: {  	_ =	strace $0x80000050;
	s20 =	ssub.s32 $0x2, s10;
	s15 =	smul.u32 $0xC8, s15  }
0xb: {  	s29 =	smul.u32 $0x13880, s10;
	s12 =	sadd.s32 s6, s4;
	s5 =	sor.u32 s7, s18  }
0xc: {  	s13 =	sshrl.u32 s20, $0x1;
	s21 =	sshrl.u32 s19, $0x2;
	s18 =	smul.u32 $0x2710, s10  }
0xd: {  	s19 =	simm.s32 $0x6800;
	s5 =	sadd.s32 s5, s4;
	s13 =	ssub.s32 s20, s13  }
0xe: {  	s22 =	sshrl.u32 s9, $0x2;
	s23 =	sshrl.u32 s14, $0x2;
	s25 =	sshrl.u32 s17, $0x2  }
0xf: {  	s31 =	sadd.s32 s29, s12;
	s17 =	simm.s32 $0x28;
	s20 =	simm.s32 $0x7C00  }
0x10: {  	s4 =	sadd.s32 $0x2BB000, s5;
	s5 =	sadd.s32 s21, s2;
	s6 =	sadd.s32 s22, s2  }
0x11: {  	s7 =	sadd.s32 s23, s2;
	s9 =	sadd.s32 s24, s18;
	s8 =	sadd.s32 s25, s2  }
0x12: {  	s28 =	sadd.s32 s18, s26;
	s11 =	sadd.s32 s18, s11;
	s30 =	sadd.s32 s18, s15  }
0x13: {  	s13 =	smax.u32 s13, $0x1;
	s15 =	simm.s32 $0x1;
	s18 =	simm.s32 $0x5400  }
0x14: {  	s21 =	simm.s32 $0x9000;
	s22 =	simm.s32 $0x0;
	s9 =	sshll.u32 s9, $0x4  }
0x15: {  	s14 =	sshll.u32 s28, $0x4;
	s11 =	sshll.u32 s11, $0x4;
	s9 =	sadd.s32 s16, s9  }
0x16: {  	s10 =	sadd.s32 s16, s14;
	s11 =	sadd.s32 s16, s11;
	s14 =	sshll.u32 s30, $0x4  }
0x17: {  	v0 =	vimm.f32 $0.0e+00;
	s12 =	sadd.s32 s16, s14;
	s14 =	sadd.s32 $0x54C000, s31;
	s16 =	simm.s32 $0x4000  }
.LBB2_1:
0x18: {  	[tilespmem:s3], [sflag:$0x1] =	stream.linear.gather [hbm4b:s4+s3], $0x3E80, $0x38;
	[tilespmem:$0x1DC80] =	vst v63  }
0x19: {  	_ =	swait.ge [sflag:s15], $0x3E80  }
0x1a: {  	[sflag:s15] =	ssyncset.done $0x0  }
0x1b: {  	s23 =	simm.s32 $0x0;
	s24 =	simm.s32 $0x200;
	[sflag:s15] =	ssyncadd.s32 $0xFFFFC180  }
.LBB2_2:
0x1c: {  	p1 =	sne.s32 s24, $0x18E00;
	[tilespmem:s23+$0x4070] =	vst v0  }
0x1d: {  	[tilespmem:s23+$0x4000] =	vst v0  }
0x1e: {  	[tilespmem:s23+$0x4010] =	vst v0  }
.Ltmp0:
0x1f: {  	[tilespmem:s23+$0x4020] =	vst v0;
	(pc) =	sbr.rel @p1 .LBB2_2-.Ltmp0, $4  }
0x20: {  	[tilespmem:s23+$0x4030] =	vst v0  }
0x21: {  	[tilespmem:s23+$0x4040] =	vst v0  }
0x22: {  	[tilespmem:s23+$0x4050] =	vst v0  }
0x23: {  	[tilespmem:s23+$0x4060] =	vst v0;
	s23 =	sshra.s32 s24, $0x2;
	s24 =	sadd.s32 $0x200, s24  }
0x24: {  	[tilespmem:s23+$0x4070] =	vst v0  }
0x25: {  	[tilespmem:s23+$0x4000] =	vst v0  }
0x26: {  	[tilespmem:s23+$0x4010] =	vst v0  }
0x27: {  	[tilespmem:s23+$0x4020] =	vst v0  }
0x28: {  	[tilespmem:s23+$0x4030] =	vst v0  }
0x29: {  	[tilespmem:s23+$0x4040] =	vst v0  }
0x2a: {  	[tilespmem:s23+$0x4050] =	vst v0  }
0x2b: {  	[tilespmem:s23+$0x4060] =	vst v0  }
0x2c: {  	[spmem:s5] =	stream.linear.scatter [tilespmem:s16], [sflag:$0x1], $0x6400, $0x38;
	[tilespmem:$0x1DC80] =	vst v63  }
0x2d: {  	_ =	swait.ge [sflag:s15], $0x6400  }
0x2e: {  	[sflag:s15] =	ssyncset.done $0x0  }
0x2f: {  	[sflag:s15] =	ssyncadd.s32 $0xFFFF9C00  }
0x30: {  	[spmem:s6] =	stream.linear.scatter [tilespmem:s16], [sflag:$0x1], $0x6400, $0x38;
	[tilespmem:$0x1DC80] =	vst v63  }
0x31: {  	_ =	swait.ge [sflag:s15], $0x6400  }
0x32: {  	[sflag:s15] =	ssyncset.done $0x0  }
0x33: {  	[sflag:s15] =	ssyncadd.s32 $0xFFFF9C00  }
0x34: {  	[spmem:s7] =	stream.linear.scatter [tilespmem:s16], [sflag:$0x1], $0x6400, $0x38;
	[tilespmem:$0x1DC80] =	vst v63  }
0x35: {  	_ =	swait.ge [sflag:s15], $0x6400  }
0x36: {  	[sflag:s15] =	ssyncset.done $0x0  }
0x37: {  	s23 =	simm.s32 @!p0 $0x4000;
	[sflag:s15] =	ssyncadd.s32 $0xFFFF9C00  }
0x38: {  	[spmem:s8] =	stream.linear.scatter @!p0 [tilespmem:s23], [sflag:$0x1], $0x6400, $0x38;
	[tilespmem:$0x1DC80] =	vst v63  }
0x39: {  	s23 =	simm.s32 @!p0 $0x1  }
0x3a: {  	_ =	swait.ge @!p0 [sflag:s23], $0x6400  }
0x3b: {  	[sflag:s23] =	ssyncset.done @!p0 $0x0  }
0x3c: {  	[sflag:s23] =	ssyncadd.s32 @!p0 $0xFFFF9C00  }
0x3d: {  	[bflag:$0x0] =	sbarrier.arrive $0xFFFF  }
0x3e: {  	[tilespmem:s16], [sflag:$0x1] =	stream.linear.gather [hbm4b:s14+s3], $0x6400, $0x38;
	[tilespmem:$0x1DC80] =	vst v63  }
0x3f: {  	_ =	swait.ge [sflag:s15], $0x6400  }
0x40: {  	[sflag:s15] =	ssyncset.done $0x0  }
0x41: {  	s26 =	simm.s32 $0x0;
	[sflag:s15] =	ssyncadd.s32 $0xFFFF9C00  }
0x42: {  	[spmem:s2] =	stream.indirect.scatter.add.f32 [tilespmem:s16], [sflag:$0x1], $0x80, s26, s17, $0xb8;
	[tilespmem:$0x1DC80] =	vst v63  }
0x43: {  	_ =	swait.ge [sflag:s15], $0x1400  }
0x44: {  	[sflag:s15] =	ssyncset.done $0x0  }
0x45: {  	s28 =	simm.s32 $0x80;
	[sflag:s15] =	ssyncadd.s32 $0xFFFFEC00  }
0x46: {  	[spmem:s2] =	stream.indirect.scatter.add.f32 [tilespmem:s18], [sflag:$0x1], $0x80, s28, s17, $0xb8;
	[tilespmem:$0x1DC80] =	vst v63  }
0x47: {  	_ =	swait.ge [sflag:s15], $0x1400  }
0x48: {  	[sflag:s15] =	ssyncset.done $0x0  }
0x49: {  	s29 =	simm.s32 $0x100;
	[sflag:s15] =	ssyncadd.s32 $0xFFFFEC00  }
0x4a: {  	[spmem:s2] =	stream.indirect.scatter.add.f32 [tilespmem:s19], [sflag:$0x1], $0x80, s29, s17, $0xb8;
	[tilespmem:$0x1DC80] =	vst v63  }
0x4b: {  	_ =	swait.ge [sflag:s15], $0x1400  }
0x4c: {  	[sflag:s15] =	ssyncset.done $0x0  }
0x4d: {  	s30 =	simm.s32 $0x180;
	[sflag:s15] =	ssyncadd.s32 $0xFFFFEC00  }
0x4e: {  	[spmem:s2] =	stream.indirect.scatter.add.f32 [tilespmem:s20], [sflag:$0x1], $0x80, s30, s17, $0xb8;
	[tilespmem:$0x1DC80] =	vst v63  }
0x4f: {  	_ =	swait.ge [sflag:s15], $0x1400  }
0x50: {  	[sflag:s15] =	ssyncset.done $0x0  }
0x51: {  	s31 =	simm.s32 $0x200;
	[sflag:s15] =	ssyncadd.s32 $0xFFFFEC00  }
0x52: {  	[spmem:s2] =	stream.indirect.scatter.add.f32 [tilespmem:s21], [sflag:$0x1], $0x80, s31, s17, $0xb8;
	[tilespmem:$0x1DC80] =	vst v63  }
0x53: {  	_ =	swait.ge [sflag:s15], $0x1400  }
0x54: {  	s24 =	smov.u32 s14;
	s23 =	simm.s32 $0xA00;
	[sflag:s15] =	ssyncset.done $0x0  }
.LBB2_4:
0x55: {  	p1 =	sne.s32 s23, $0xF000;
	[sflag:s15] =	ssyncadd.s32 $0xFFFFEC00;
	s24 =	sadd.s32 $0xC80, s24  }
0x56: {  	[tilespmem:s16], [sflag:$0x1] =	stream.linear.gather [hbm4b:s24+s3], $0x6400, $0x38;
	[tilespmem:$0x1DC80] =	vst v63  }
0x57: {  	s25 =	smov.u32 s23;
	s23 =	sadd.s32 $0xA00, s23;
	_ =	swait.ge [sflag:s15], $0x6400  }
0x58: {  	[sflag:s15] =	ssyncset.done $0x0  }
0x59: {  	s25 =	sshra.s32 s25, $0x2;
	[sflag:s15] =	ssyncadd.s32 $0xFFFF9C00  }
0x5a: {  	[spmem:s2] =	stream.indirect.scatter.add.f32 [tilespmem:s16], [sflag:$0x1], $0x80, s25, s17, $0xb8;
	[tilespmem:$0x1DC80] =	vst v63  }
0x5b: {  	_ =	swait.ge [sflag:s15], $0x1400  }
0x5c: {  	[sflag:s15] =	ssyncset.done $0x0  }
0x5d: {  	s26 =	sadd.s32 $0x80, s25;
	[sflag:s15] =	ssyncadd.s32 $0xFFFFEC00  }
0x5e: {  	[spmem:s2] =	stream.indirect.scatter.add.f32 [tilespmem:s18], [sflag:$0x1], $0x80, s26, s17, $0xb8;
	[tilespmem:$0x1DC80] =	vst v63  }
0x5f: {  	_ =	swait.ge [sflag:s15], $0x1400  }
0x60: {  	[sflag:s15] =	ssyncset.done $0x0  }
0x61: {  	s26 =	sadd.s32 $0x100, s25;
	[sflag:s15] =	ssyncadd.s32 $0xFFFFEC00  }
0x62: {  	[spmem:s2] =	stream.indirect.scatter.add.f32 [tilespmem:s19], [sflag:$0x1], $0x80, s26, s17, $0xb8;
	[tilespmem:$0x1DC80] =	vst v63  }
0x63: {  	_ =	swait.ge [sflag:s15], $0x1400  }
0x64: {  	[sflag:s15] =	ssyncset.done $0x0  }
0x65: {  	s26 =	sadd.s32 $0x180, s25;
	[sflag:s15] =	ssyncadd.s32 $0xFFFFEC00  }
0x66: {  	[spmem:s2] =	stream.indirect.scatter.add.f32 [tilespmem:s20], [sflag:$0x1], $0x80, s26, s17, $0xb8;
	[tilespmem:$0x1DC80] =	vst v63  }
0x67: {  	_ =	swait.ge [sflag:s15], $0x1400  }
.Ltmp1:
0x68: {  	[sflag:s15] =	ssyncset.done $0x0;
	(pc) =	sbr.rel @p1 .LBB2_4-.Ltmp1, $4  }
0x69: {  	s25 =	sadd.s32 $0x200, s25;
	[sflag:s15] =	ssyncadd.s32 $0xFFFFEC00  }
0x6a: {  	[spmem:s2] =	stream.indirect.scatter.add.f32 [tilespmem:s21], [sflag:$0x1], $0x80, s25, s17, $0xb8;
	[tilespmem:$0x1DC80] =	vst v63  }
0x6b: {  	_ =	swait.ge [sflag:s15], $0x1400  }
0x6c: {  	[sflag:s15] =	ssyncset.done $0x0  }
0x6d: {  	[sflag:s15] =	ssyncadd.s32 $0xFFFFEC00;
	s23 =	sshll.u32 s1, $0x6  }
0x6e: {  	s24 =	sshrl.u32 s5, $0x3;
	[bflag:$0x0] =	sbarrier.arrive $0xFFFF;
	s23 =	sor.u32 $0x1C01, s23  }
0x6f: {  	[hbm:s9], [sflag:s23] =	dma.local [spmem:s24], $0xC80  }
0x70: {  	_ =	swait.ge [sflag:s15], $0xC80  }
0x71: {  	[sflag:s15] =	ssyncset.done $0x0  }
0x72: {  	s30 =	sshrl.u32 s6, $0x3;
	[sflag:s15] =	ssyncadd.s32 $0xFFFFF380  }
0x73: {  	[hbm:s10], [sflag:s23] =	dma.local [spmem:s30], $0xC80  }
0x74: {  	_ =	swait.ge [sflag:s15], $0xC80  }
0x75: {  	[sflag:s15] =	ssyncset.done $0x0  }
0x76: {  	s31 =	sshrl.u32 s7, $0x3;
	[sflag:s15] =	ssyncadd.s32 $0xFFFFF380  }
0x77: {  	[hbm:s11], [sflag:s23] =	dma.local [spmem:s31], $0xC80  }
0x78: {  	_ =	swait.ge [sflag:s15], $0xC80  }
0x79: {  	s22 =	sadd.s32 $0x1, s22;
	[sflag:s15] =	ssyncset.done $0x0  }
0x7a: {  	p1 =	sne.s32 s22, s13;
	s24 =	sshrl.u32 @!p0 s8, $0x3;
	[sflag:s15] =	ssyncadd.s32 $0xFFFFF380  }
0x7b: {  	[hbm:s12], [sflag:s23] =	dma.local @!p0 [spmem:s24], $0xC80  }
.Ltmp2:
0x7c: {  	_ = 	snop;
	(pc) =	sbr.rel @p1 .LBB2_1-.Ltmp2, $4  }
0x7d: {  	s23 =	simm.s32 @!p0 $0x1  }
0x7e: {  	_ =	swait.ge @!p0 [sflag:s23], $0xC80  }
0x7f: {  	[sflag:s23] =	ssyncset.done @!p0 $0x0  }
0x80: {  	[sflag:s23] =	ssyncadd.s32 @!p0 $0xFFFFF380  }
0x81: {  	_ =	sfence.sel $0x180000  }
0x82: {  	[bflag:$0x0] =	sbarrier.arrive $0xFFFF  }
0x83: {  	p0 =	sne.s32 s1, $0x0;
	_ =	strace $0x90000050  }
0x84: {  	s0 =	sadd.s32 @!p0 $0x100000, s0;
	[bflag:$0x2] =	sbarrier.arrive $0xFFFF  }
0x85: {  	[sflag:s0] =	ssyncadd.tile.s32 @!p0 $0x1;
	_ =	shalt  }
.Lfunc_end2:
_tile_overlayer_lowered:
.L_overlay_start_2:
0x86: {  	(tag) =	ssettag $0x2  }
0x87: {  	s0 =	rddreg [dreg:$0x0];
	s2 =	stileid.u32  }
0x88: {  	s1 =	rddreg [dreg:$0x1];
	p0 =	sne.s32 s2, $0x0  }
0x89: {  	s3 =	rddreg [dreg:$0x2];
	[bflag:$0x3] =	sbarrier.arrive $0xFFFF;
	s2 =	simm.s32 @!p0 $0x1C01  }
0x8a: {  	[timem:s3], [sflag:s2] =	dma.local @!p0 [hbm:s0], s1  }
0x8b: {  	s0 =	simm.s32 @!p0 $0x1  }
0x8c: {  	_ =	swait.ge @!p0 [sflag:s0], s1  }
0x8d: {  	s1 =	ssub.s32 @!p0 $0x0, s1;
	[sflag:s0] =	ssyncset.done @!p0 $0x0  }
0x8e: {  	[sflag:s0] =	ssyncadd.s32 @!p0 s1  }
0x8f: {  	[bflag:$0x3] =	sbarrier.arrive $0xFFFF  }
0x90: {  	_ =	shalt  }

// kernel: kernel.16.cloned.1.call-start
scs
__scs_entry_jumppad:
0x0: {  	(pc) =	sbr.rel $0x88, $3  }
0x1: {  	(tag) =	ssettag $0x0;
	lr =	simm.s32 $0x1  }
0x2: {  	[smem:$0x3F96] =	sst lr;
	_ =	strace $0xD0000000  }
0x3: {  	_ = 	snop  }
0x4: {  	_ = 	snop  }
0x5: {  	_ = 	snop  }
0x6: {  	_ = 	snop  }
0x7: {  	_ = 	snop  }
__scs_overlays_trampoline_lowered:
0x8: {  	[smem:$0x3FA5] =	sst s0  }
0x9: {  	[smem:$0x3FA6] =	sst s1  }
0xa: {  	[smem:$0x3FA7] =	sst s2  }
0xb: {  	[smem:$0x3FA8] =	sst s3  }
0xc: {  	[smem:$0x3FA9] =	sst s4  }
0xd: {  	[smem:$0x3FAA] =	sst s5  }
0xe: {  	[smem:$0x3FAB] =	sst s6  }
0xf: {  	[smem:$0x3FAC] =	sst s7  }
0x10: {  	[smem:$0x3FAD] =	sst s8  }
0x11: {  	[smem:$0x3FAE] =	sst s9;
	s0 =	simm.s32 @!p0 $0x0  }
0x12: {  	s1 =	sld [smem:$0x3F94];
	s0 =	simm.s32 @p0 $0x1  }
0x13: {  	[smem:$0x3FAF] =	sst s0;
	s0 =	simm.s32 @!p1 $0x0  }
0x14: {  	s2 =	sld [smem:$0x3F93];
	s0 =	simm.s32 @p1 $0x1  }
0x15: {  	[smem:$0x3FB0] =	sst s0;
	s0 =	simm.s32 @!p2 $0x0  }
0x16: {  	s3 =	sld [smem:$0x3FDB];
	s0 =	simm.s32 @p2 $0x1  }
0x17: {  	s4 =	simm.s32 $0x1BF5;
	[smem:$0x3FB2] =	sst s0  }
0x18: {  	s0 =	sld [smem:$0x3F95];
	_ =	swait.ge [sflag:s4], $0x0  }
0x19: {  	s7 =	sld [smem:$0x3F96]  }
0x1a: {  	s8 =	sadd.s32 $0xFFFFE003, lr  }
0x1b: {  	s9 =	sadd.s32 $0xFFFFFEF7, lr;
	s5 =	simm.s32 $0xFFFFFFFF;
	p2 =	slt.u32 s8, $0xFFFFF086  }
0x1c: {  	p1 =	slt.u32 s9, $0xF7A;
	s5 =	simm.s32 @!p2 $0x0  }
0x1d: {  	s5 =	simm.s32 @p1 $0x1;
	p0 =	seq.s32 s7, s2  }
0x1e: {  	s7 =	smul.u32 @!p0 $0xF7A, s2;
	p2 =	seq.s32 @!p0 s5, $0x0  }
0x1f: {  	s9 =	smul.u32 $0xF7A, s1;
	s8 =	simm.s32 @!p0 $0x1BF5;
	p2 =	por !p2, p0  }
0x20: {  	[sflag:s8] =	ssyncset.s32 @!p0 $0xFFFFF086;
	s6 =	sadd.s32 @!p0 s3, s7;
	s7 =	simm.s32 @!p0 $0x108  }
0x21: {  	s3 =	sadd.s32 s3, s9;
	s6 =	sadd.s32 @!p0 $0x88, s6;
	s7 =	simm.s32 @p2 $0x1082  }
0x22: {  	[simem:s7], [sflag:s8] =	dma.local @!p0 [hbm:s6], $0xF7A  }
0x23: {  	s9 =	sor.u32 $0xD0000000, s2;
	s6 =	simm.s32 $0x108;
	_ =	swait.ge @!p0 [sflag:s8], $0x0  }
0x24: {  	s3 =	sadd.s32 $0x88, s3;
	s6 =	simm.s32 @!p1 $0x1082;
	[sflag:s4] =	ssyncset.s32 $0xFFFFF086  }
0x25: {  	[simem:s6], [sflag:s4] =	dma.local [hbm:s3], $0xF7A  }
0x26: {  	[smem:$0x3F96] =	sst s1;
	(tag) =	ssettag s2;
	_ =	strace s9  }
0x27: {  	s1 =	sld [smem:$0x3FA6]  }
0x28: {  	s2 =	sld [smem:$0x3FA7]  }
0x29: {  	s4 =	sld [smem:$0x3FA9]  }
0x2a: {  	p0 =	seq.s32 s5, $0x0;
	s5 =	sld [smem:$0x3FAA]  }
0x2b: {  	s6 =	sld [smem:$0x3FAB]  }
0x2c: {  	s7 =	sld [smem:$0x3FAC]  }
0x2d: {  	s3 =	simm.s32 $0x108;
	s8 =	sld [smem:$0x3FAD]  }
0x2e: {  	s3 =	simm.s32 @!p0 $0x1082;
	s9 =	sld [smem:$0x3FAE]  }
0x2f: {  	lr =	sadd.s32 s0, s3;
	s0 =	sld [smem:$0x3FA5]  }
0x30: {  	s3 =	sld [smem:$0x3FA8]  }
0x31: {  	[smem:$0x3FB1] =	sst s10  }
0x32: {  	s10 =	sld [smem:$0x3FAF];
	_ =	sdelay $0x3  }
0x33: {  	p0 =	seq.s32 s10, $0x1;
	s10 =	sld [smem:$0x3FB1];
	_ =	sdelay $0x3  }
0x34: {  	[smem:$0x3FB1] =	sst s10  }
0x35: {  	s10 =	sld [smem:$0x3FB0];
	_ =	sdelay $0x3  }
0x36: {  	p1 =	seq.s32 s10, $0x1;
	s10 =	sld [smem:$0x3FB1];
	_ =	sdelay $0x3  }
0x37: {  	[smem:$0x3FB1] =	sst s10  }
0x38: {  	s10 =	sld [smem:$0x3FB2]  }
0x39: {  	_ = 	snop;
	(pc) =	sbr.ind lr, $3  }
0x3a: {  	_ = 	snop  }
0x3b: {  	_ = 	snop  }
0x3c: {  	p2 =	seq.s32 s10, $0x1;
	s10 =	sld [smem:$0x3FB1]  }
0x3d: {  	_ =	shalt  }
0x3e: {  	_ =	shalt  }
0x3f: {  	_ =	shalt  }
0x40: {  	_ =	shalt  }
0x41: {  	_ =	shalt  }
0x42: {  	_ =	shalt  }
0x43: {  	_ =	shalt  }
0x44: {  	_ =	shalt  }
0x45: {  	_ =	shalt  }
0x46: {  	_ =	shalt  }
0x47: {  	_ =	shalt  }
0x48: {  	_ =	shalt  }
0x49: {  	_ =	shalt  }
0x4a: {  	_ =	shalt  }
0x4b: {  	_ =	shalt  }
0x4c: {  	_ =	shalt  }
0x4d: {  	_ =	shalt  }
0x4e: {  	_ =	shalt  }
0x4f: {  	_ =	shalt  }
0x50: {  	_ =	shalt  }
0x51: {  	_ =	shalt  }
0x52: {  	_ =	shalt  }
0x53: {  	_ =	shalt  }
0x54: {  	_ =	shalt  }
0x55: {  	_ =	shalt  }
0x56: {  	_ =	shalt  }
0x57: {  	_ =	shalt  }
0x58: {  	_ =	shalt  }
0x59: {  	_ =	shalt  }
0x5a: {  	_ =	shalt  }
0x5b: {  	_ =	shalt  }
0x5c: {  	_ =	shalt  }
0x5d: {  	_ =	shalt  }
0x5e: {  	_ =	shalt  }
0x5f: {  	_ =	shalt  }
0x60: {  	_ =	shalt  }
0x61: {  	_ =	shalt  }
0x62: {  	_ =	shalt  }
0x63: {  	_ =	shalt  }
0x64: {  	_ =	shalt  }
0x65: {  	_ =	shalt  }
0x66: {  	_ =	shalt  }
0x67: {  	_ =	shalt  }
0x68: {  	_ =	shalt  }
0x69: {  	_ =	shalt  }
0x6a: {  	_ =	shalt  }
0x6b: {  	_ =	shalt  }
0x6c: {  	_ =	shalt  }
0x6d: {  	_ =	shalt  }
0x6e: {  	_ =	shalt  }
0x6f: {  	_ =	shalt  }
0x70: {  	_ =	shalt  }
0x71: {  	_ =	shalt  }
0x72: {  	_ =	shalt  }
0x73: {  	_ =	shalt  }
0x74: {  	_ =	shalt  }
0x75: {  	_ =	shalt  }
0x76: {  	_ =	shalt  }
0x77: {  	_ =	shalt  }
0x78: {  	_ =	shalt  }
0x79: {  	_ =	shalt  }
0x7a: {  	_ =	shalt  }
0x7b: {  	_ =	shalt  }
0x7c: {  	_ =	shalt  }
0x7d: {  	_ =	shalt  }
0x7e: {  	_ =	shalt  }
0x7f: {  	_ =	shalt  }
0x80: {  	_ =	shalt  }
0x81: {  	_ =	shalt  }
0x82: {  	_ =	shalt  }
0x83: {  	_ =	shalt  }
0x84: {  	_ =	shalt  }
0x85: {  	_ =	shalt  }
0x86: {  	_ =	shalt  }
0x87: {  	_ =	shalt  }
.Lfunc_end0:
.L_simem_size_0:
called_computation.2_lowered:
.L_overlay_start_0:
0x88: {  	s2 =	sld [smem:$0x3FD9]  }
0x89: {  	s3 =	sld [smem:$0x3FFE];
	_ =	sdelay $0x1  }
0x8a: {  	s1 =	srdreg.scid  }
0x8b: {  	s0 =	sand.u32 $0x1, s1  }
0x8c: {  	s14 =	sshll.u32 s0, $0xA;
	s2 =	sadd.s32 s3, s2  }
0x8d: {  	s2 =	sadd.s32 s2, s14  }
0x8e: {  	[smem:$0x3FBD] =	sst s2  }
0x8f: {  	_ = 	snop  }
0x90: {  	s2 =	sld [smem:$0x3FD0];
	_ =	sdelay $0x2  }
0x91: {  	s15 =	simm.s32 $0xB;
	s4 =	simm.s32 $0x10  }
0x92: {  	[smem:s4], [sflag:s15] =	dma.local [hbm:s2], $0x1  }
0x93: {  	_ =	swait.eq [sflag:s15], $0x1  }
0x94: {  	[sflag:s15] =	ssyncset.done $0x0  }
0x95: {  	[sflag:s15] =	ssyncadd.s32 $0xFFFFFFFF  }
0x96: {  	s16 =	sld [smem:$0x10];
	(tm) =	ssettm $0x1  }
0x97: {  	s17 =	sld [smem:$0x3FFB];
	_ =	sdelay $0x3  }
0x98: {  	_ =	strace s17  }
0x99: {  	s3 =	sld [smem:$0x3FFC];
	_ =	sdelay $0x3  }
0x9a: {  	_ =	strace s3  }
0x9b: {  	s3 =	sld [smem:$0x3FFD];
	_ =	sdelay $0x3  }
0x9c: {  	_ =	strace s3  }
0x9d: {  	_ =	strace $0x8FFFFFFF  }
0x9e: {  	s18 =	sld [smem:$0x3FDB];
	_ =	sdelay $0x1  }
0x9f: {  	s19 =	simm.s32 $_scs_section_size  }
0xa0: {  	s5 =	simm.s32 $_size__tile_overlayer_lowered;
	s6 =	simm.s32 $_tile_overlayer_lowered  }
0xa1: {  	s22 =	simm.s32 $0x1BFF;
	s21 =	sshll.u32 s6, $0x1;
	s3 =	sadd.s32 s19, s18  }
0xa2: {  	s7 =	simm.s32 $0x0;
	s20 =	sshll.u32 s5, $0x1;
	s5 =	sadd.s32 s21, s3  }
0xa3: {  	[timem:s7], [sflag:s22] =	dma.local [hbm:s5], s20  }
0xa4: {  	_ =	swait.ge [sflag:s22], s20  }
0xa5: {  	s4 =	ssub.s32 $0x0, s20;
	[sflag:s22] =	ssyncset.done $0x0  }
0xa6: {  	[sflag:s22] =	ssyncadd.s32 s4;
	_ =	sdelay $0x1  }
0xa7: {  	s23 =	simm.s32 $0x1B8B  }
0xa8: {  	_ =	swait.ge [sflag:s23], $0x1  }
0xa9: {  	[sflag:s23] =	ssyncset.done $0x0  }
0xaa: {  	s25 =	simm.s32 $0x1B8E;
	s24 =	sld [smem:$0x3FFE];
	[sflag:s23] =	ssyncadd.s32 $0xFFFFFFFF  }
0xab: {  	s26 =	simm.s32 $execute0_lowered;
	[smem:$0x3FD2] =	sst s25  }
0xac: {  	s5 =	sshll.u32 s26, $0x1;
	_ =	strace $0x80000046;
	[dreg:$0x1] =	wrdreg $0xFFFFFFFF  }
0xad: {  	s28 =	simm.s32 $_size_execute0_lowered;
	s3 =	sadd.s32 s3, s5;
	[dreg:$0x0] =	wrdreg $0x0  }
0xae: {  	s5 =	sshll.u32 s28, $0x1;
	[dreg:$0x2] =	wrdreg s3  }
0xaf: {  	[dreg:$0x3] =	wrdreg s5  }
0xb0: {  	[dreg:$0x4] =	wrdreg $0xC0  }
0xb1: {  	_ =	task [dreg:s7], $0x5FFFF  }
0xb2: {  	[dreg:$0x1] =	wrdreg $0xFFFFFFFF  }
0xb3: {  	[dreg:$0x0] =	wrdreg $0x60  }
0xb4: {  	[dreg:$0x2] =	wrdreg s16  }
0xb5: {  	[dreg:$0x3] =	wrdreg s24  }
0xb6: {  	[dreg:$0x4] =	wrdreg $0xA  }
0xb7: {  	_ =	task.clear_ibuf [dreg:s7], $0x5FFFF;
	_ =	strace $0x90000046  }
0xb8: {  	s29 =	simm.s32 $0xA;
	_ =	strace $0x80000048  }
0xb9: {  	_ =	swait.ge [sflag:s29], $0x1  }
0xba: {  	[sflag:s29] =	ssyncadd.s32 $0xFFFFFFFF  }
0xbb: {  	_ =	strace $0x90000048  }
0xbc: {  	_ =	sfence  }
0xbd: {  	s30 =	sld [smem:$0x0];
	_ =	sdelay $0x2  }
0xbe: {  	s31 =	sshll.u32 s1, $0xD;
	s1 =	sshrl.u32 s1, $0x2  }
0xbf: {  	s3 =	sand.u32 $0x4000, s31;
	s1 =	sadd.s32 s1, s30  }
0xc0: {  	s0 =	sor.u32 s3, s0;
	s1 =	sshll.u32 s1, $0x11  }
0xc1: {  	s0 =	sor.u32 s1, s0  }
0xc2: {  	s0 =	sadd.s32 $0x8F2B, s0  }
0xc3: {  	[sflag:s0] =	ssyncadd.remote.s32 $0x1  }
0xc4: {  	_ =	sfence.sel $0xFFFF  }
0xc5: {  	[dreg:$0x0] =	wrdreg $0xFFFFFFFF;
	(pc) =	sbr.abs _section_cstart, $3  }
0xc6: {  	[dreg:$0x1] =	wrdreg $0xFFFFFFFF  }
0xc7: {  	_ =	task.clear_ibuf [dreg:s7], $0x2FFFF;
	_ =	strace $0x9FFFFFFF  }
0xc8: {  	(tm) =	ssettm $0x7FFFFFFF  }
0xc9: {  	_ =	shalt  }
tec
execute0_lowered:
.L_overlay_start_1:
0x0: {  	(tag) =	ssettag $0x1  }
0x1: {  	s1 =	rddreg [dreg:$0x0]  }
0x2: {  	s5 =	rddreg [dreg:$0x1]  }
0x3: {  	s0 =	rddreg [dreg:$0x2];
	s3 =	simm.s32 $0x0  }
0x4: {  	s4 =	srdreg.scid;
	s2 =	stileid.u32;
	s10 =	simm.s32 $0x5  }
0x5: {  	s11 =	simm.s32 $0x4000;
	s12 =	simm.s32 $0x28;
	s13 =	simm.s32 $0x8000  }
0x6: {  	s14 =	simm.s32 $0x9400;
	s15 =	simm.s32 $0x1;
	s16 =	simm.s32 $0xA800  }
0x7: {  	s17 =	simm.s32 $0xBC00;
	s18 =	simm.s32 $0x2;
	s19 =	simm.s32 $0x3  }
0x8: {  	s20 =	simm.s32 $0x0;
	[smem:$0x7FF] =	sst s3;
	s4 =	sand.u32 $0x1, s4  }
.Ltmp0:
0x9: {  	s6 =	sshll.u32 s2, $0x1;
	_ =	strace $0x80000047;
	(pc) =	sbr.rel .LBB2_1-.Ltmp0, $4  }
0xa: {  	s8 =	sor.u32 s4, s6;
	s31 =	ssub.s32 $0x2, s4;
	s4 =	sadd.s32 $0x22E00, s5  }
0xb: {  	s7 =	sshll.u32 s8, $0xB;
	s9 =	sshrl.u32 s31, $0x1;
	s8 =	smul.u32 $0x7D, s8  }
0xc: {  	s7 =	sadd.s32 s7, s5;
	s5 =	sadd.s32 $0x4A000, s5;
	s9 =	ssub.s32 s31, s9  }
0xd: {  	s6 =	sadd.s32 $0x2E00, s7;
	s7 =	sadd.s32 $0x12E00, s7;
	s9 =	smax.u32 s9, $0x1  }
.LBB2_12:
0xe: {  	s20 =	sadd.s32 $0x1, s20  }
0xf: {  	p0 =	sne.s32 s20, s9  }
.Ltmp1:
0x10: {  	_ = 	snop;
	(pc) =	sbr.rel @!p0 .LBB2_13-.Ltmp1, $4  }
0x11: {  	_ = 	snop  }
0x12: {  	_ =	swait.ge [sflag:s19], $0x1400  }
0x13: {  	[sflag:s19] =	ssyncset.done $0x0  }
0x14: {  	[sflag:s19] =	ssyncadd.s32 $0xFFFFEC00  }
.LBB2_1:
0x15: {  	[tilespmem:s3], [sflag:$0x5] =	stream.linear.gather [hbm4b:s6+s3], $0x3E80, $0x38;
	[tilespmem:$0xD000] =	vst v63  }
0x16: {  	_ =	swait.ge [sflag:s10], $0x3E80  }
0x17: {  	[sflag:s10] =	ssyncset.done $0x0  }
0x18: {  	[sflag:s10] =	ssyncadd.s32 $0xFFFFC180  }
0x19: {  	[tilespmem:s11], [sflag:$0x5] =	stream.linear.gather [hbm4b:s7+s3], $0x3E80, $0x38;
	[tilespmem:$0xD000] =	vst v63  }
0x1a: {  	_ =	swait.ge [sflag:s10], $0x3E80  }
.Ltmp2:
0x1b: {  	[sflag:s10] =	ssyncset.done $0x0;
	(pc) =	sbr.rel .LBB2_2-.Ltmp2, $4  }
0x1c: {  	[sflag:s10] =	ssyncadd.s32 $0xFFFFC180  }
0x1d: {  	[tilespmem:s13], [sflag:$0x1] =	stream.indirect.gather [hbm4b:s1+s12], $0x80, s3, s12, $0xb8;
	[tilespmem:$0xD000] =	vst v63  }
0x1e: {  	s21 =	simm.s32 $0x0  }
0x1f: {  	[tilespmem:s14], [sflag:$0x1] =	stream.indirect.gather [hbm4b:s4+s12], $0x80, s11, s12, $0xb8;
	[tilespmem:$0xD000] =	vst v63  }
.LBB2_11:
0x20: {  	s21 =	sadd.s32 $0x1, s21  }
0x21: {  	p0 =	sne.s32 s21, $0x3F  }
.Ltmp3:
0x22: {  	_ = 	snop;
	(pc) =	sbr.rel @!p0 .LBB2_12-.Ltmp3, $1  }
0x23: {  	_ =	sdelay $0x3  }
.LBB2_2:
0x24: {  	s23 =	sshll.u32 s21, $0x1;
	p0 =	seq.s32 s21, $0x0  }
0x25: {  	s22 =	sor.u32 @!p0 $0x1, s23  }
0x26: {  	p1 =	sgt.u32 @!p0 s22, $0x7C  }
0x27: {  	p1 =	por p0, !p1  }
.Ltmp4:
0x28: {  	_ = 	snop;
	(pc) =	sbr.rel @!p1 .LBB2_3-.Ltmp4, $4  }
0x29: {  	s24 =	simm.s32 @!p0 $0x4  }
0x2a: {  	_ =	swait.ge @!p0 [sflag:s24], $0x1400  }
0x2b: {  	[sflag:s24] =	ssyncset.done @!p0 $0x0  }
0x2c: {  	[sflag:s24] =	ssyncadd.s32 @!p0 $0xFFFFEC00  }
.Ltmp5:
0x2d: {  	s22 =	simm.s32 @p0 $0x1;
	(pc) =	sbr.rel .LBB2_5-.Ltmp5, $4  }
0x2e: {  	s24 =	sshll.u32 s22, $0x7  }
0x2f: {  	[tilespmem:s16], [sflag:$0x2] =	stream.indirect.gather [hbm4b:s1+s12], $0x80, s24, s12, $0xb8;
	[tilespmem:$0xD000] =	vst v63  }
0x30: {  	p0 =	por $0x1, $0x1;
	s24 =	sadd.s32 $0x4000, s24  }
0x31: {  	[tilespmem:s17], [sflag:$0x2] =	stream.indirect.gather [hbm4b:s4+s12], $0x80, s24, s12, $0xb8;
	[tilespmem:$0xD000] =	vst v63  }
.LBB2_3:
0x32: {  	s22 =	simm.s32 @!p0 $0x7D;
	p0 =	por @!p0 $0x0, $0x0  }
.LBB2_5:
0x33: {  	_ =	swait.ge [sflag:s15], $0x1400  }
0x34: {  	[sflag:s15] =	ssyncset.done $0x0  }
0x35: {  	[sflag:s15] =	ssyncadd.s32 $0xFFFFEC00  }
0x36: {  	_ =	swait.ge [sflag:s15], $0x1400  }
0x37: {  	[sflag:s15] =	ssyncset.done $0x0  }
0x38: {  	s24 =	simm.s32 $0x0;
	s25 =	simm.s32 $0x200;
	[sflag:s15] =	ssyncadd.s32 $0xFFFFEC00  }
.LBB2_6:
0x39: {  	p1 =	sne.s32 s25, $0x4E00;
	v0 =	vld [tilespmem:s24+$0x9470]  }
0x3a: {  	v1 =	vld [tilespmem:s24+$0x9400]  }
0x3b: {  	v2 =	vld [tilespmem:s24+$0x9410]  }
0x3c: {  	v3 =	vld [tilespmem:s24+$0x9420]  }
0x3d: {  	v4 =	vld [tilespmem:s24+$0x9430]  }
0x3e: {  	[tilespmem:s24+$0x8070] =	vst.add.f32.msk $0xffff, v0  }
0x3f: {  	v0 =	vld [tilespmem:s24+$0x9440]  }
0x40: {  	v5 =	vld [tilespmem:s24+$0x9450]  }
0x41: {  	v6 =	vld [tilespmem:s24+$0x9460]  }
0x42: {  	[tilespmem:s24+$0x8000] =	vst.add.f32.msk $0xffff, v1  }
0x43: {  	[tilespmem:s24+$0x8010] =	vst.add.f32.msk $0xffff, v2  }
.Ltmp6:
0x44: {  	[tilespmem:s24+$0x8020] =	vst.add.f32.msk $0xffff, v3;
	(pc) =	sbr.rel @p1 .LBB2_6-.Ltmp6, $4  }
0x45: {  	[tilespmem:s24+$0x8030] =	vst.add.f32.msk $0xffff, v4  }
0x46: {  	[tilespmem:s24+$0x8040] =	vst.add.f32.msk $0xffff, v0  }
0x47: {  	[tilespmem:s24+$0x8050] =	vst.add.f32.msk $0xffff, v5  }
0x48: {  	[tilespmem:s24+$0x8060] =	vst.add.f32.msk $0xffff, v6;
	s24 =	sshra.s32 s25, $0x2;
	s25 =	sadd.s32 $0x200, s25  }
0x49: {  	v0 =	vld [tilespmem:s24+$0x9470]  }
0x4a: {  	v1 =	vld [tilespmem:s24+$0x9400]  }
0x4b: {  	v2 =	vld [tilespmem:s24+$0x9410]  }
0x4c: {  	v3 =	vld [tilespmem:s24+$0x9420]  }
0x4d: {  	v4 =	vld [tilespmem:s24+$0x9430]  }
0x4e: {  	v63 =	vld [tilespmem:s24+$0x9440]  }
0x4f: {  	v5 =	vld [tilespmem:s24+$0x9450]  }
0x50: {  	v6 =	vld [tilespmem:s24+$0x9460]  }
0x51: {  	[tilespmem:s24+$0x8070] =	vst.add.f32.msk $0xffff, v0  }
0x52: {  	[tilespmem:s24+$0x8000] =	vst.add.f32.msk $0xffff, v1  }
0x53: {  	[tilespmem:s24+$0x8010] =	vst.add.f32.msk $0xffff, v2  }
0x54: {  	[tilespmem:s24+$0x8020] =	vst.add.f32.msk $0xffff, v3  }
0x55: {  	s23 =	sadd.s32 s8, s23;
	[tilespmem:s24+$0x8030] =	vst.add.f32.msk $0xffff, v4  }
0x56: {  	s23 =	smul.u32 $0x280, s23;
	[tilespmem:s24+$0x8040] =	vst.add.f32.msk $0xffff, v63  }
0x57: {  	[tilespmem:s24+$0x8050] =	vst.add.f32.msk $0xffff, v5  }
0x58: {  	p1 =	seq.s32 s21, $0x3E;
	s23 =	sadd.s32 s5, s23;
	[tilespmem:s24+$0x8060] =	vst.add.f32.msk $0xffff, v6  }
0x59: {  	[hbm4b:s23+s3] =	stream.linear.scatter [tilespmem:s13], [sflag:$0x3], $0x1400, $0x38;
	[tilespmem:$0xD000] =	vst v63  }
0x5a: {  	s23 =	simm.s32 @!p1 $0x3  }
0x5b: {  	_ =	swait.ge @!p1 [sflag:s23], $0x1400  }
0x5c: {  	[sflag:s23] =	ssyncset.done @!p1 $0x0  }
.Ltmp7:
0x5d: {  	[sflag:s23] =	ssyncadd.s32 @!p1 $0xFFFFEC00;
	s23 =	sshll.u32 @!p1 s21, $0x8;
	(pc) =	sbr.rel @!p0 .LBB2_11-.Ltmp7, $4  }
0x5e: {  	s25 =	simm.s32 @!p1 $0x28;
	s26 =	simm.s32 @!p1 $0x8000;
	s24 =	sadd.s32 @!p1 $0x100, s23  }
0x5f: {  	[tilespmem:s26], [sflag:$0x1] =	stream.indirect.gather @!p1 [hbm4b:s1+s25], $0x80, s24, s25, $0xb8;
	[tilespmem:$0xD000] =	vst v63  }
0x60: {  	s23 =	sadd.s32 @!p1 $0x4100, s23;
	s24 =	simm.s32 @!p1 $0x9400  }
0x61: {  	[tilespmem:s24], [sflag:$0x1] =	stream.indirect.gather @!p1 [hbm4b:s4+s25], $0x80, s23, s25, $0xb8;
	[tilespmem:$0xD000] =	vst v63  }
0x62: {  	_ =	swait.ge [sflag:s18], $0x1400  }
0x63: {  	[sflag:s18] =	ssyncset.done $0x0  }
0x64: {  	[sflag:s18] =	ssyncadd.s32 $0xFFFFEC00  }
0x65: {  	_ =	swait.ge [sflag:s18], $0x1400  }
0x66: {  	[sflag:s18] =	ssyncset.done $0x0  }
0x67: {  	s23 =	simm.s32 $0x0;
	s24 =	simm.s32 $0x200;
	[sflag:s18] =	ssyncadd.s32 $0xFFFFEC00  }
.LBB2_9:
0x68: {  	p0 =	sne.s32 s24, $0x4E00;
	v0 =	vld [tilespmem:s23+$0xBC70]  }
0x69: {  	v1 =	vld [tilespmem:s23+$0xBC00]  }
0x6a: {  	v2 =	vld [tilespmem:s23+$0xBC10]  }
0x6b: {  	v3 =	vld [tilespmem:s23+$0xBC20]  }
0x6c: {  	v4 =	vld [tilespmem:s23+$0xBC30]  }
0x6d: {  	[tilespmem:s23+$0xA870] =	vst.add.f32.msk $0xffff, v0  }
0x6e: {  	v0 =	vld [tilespmem:s23+$0xBC40]  }
0x6f: {  	v5 =	vld [tilespmem:s23+$0xBC50]  }
0x70: {  	v6 =	vld [tilespmem:s23+$0xBC60]  }
0x71: {  	[tilespmem:s23+$0xA800] =	vst.add.f32.msk $0xffff, v1  }
0x72: {  	[tilespmem:s23+$0xA810] =	vst.add.f32.msk $0xffff, v2  }
.Ltmp8:
0x73: {  	[tilespmem:s23+$0xA820] =	vst.add.f32.msk $0xffff, v3;
	(pc) =	sbr.rel @p0 .LBB2_9-.Ltmp8, $4  }
0x74: {  	[tilespmem:s23+$0xA830] =	vst.add.f32.msk $0xffff, v4  }
0x75: {  	[tilespmem:s23+$0xA840] =	vst.add.f32.msk $0xffff, v0  }
0x76: {  	[tilespmem:s23+$0xA850] =	vst.add.f32.msk $0xffff, v5  }
0x77: {  	[tilespmem:s23+$0xA860] =	vst.add.f32.msk $0xffff, v6;
	s23 =	sshra.s32 s24, $0x2;
	s24 =	sadd.s32 $0x200, s24  }
0x78: {  	v0 =	vld [tilespmem:s23+$0xBC70]  }
0x79: {  	v1 =	vld [tilespmem:s23+$0xBC00]  }
0x7a: {  	v2 =	vld [tilespmem:s23+$0xBC10]  }
0x7b: {  	v3 =	vld [tilespmem:s23+$0xBC20]  }
0x7c: {  	v4 =	vld [tilespmem:s23+$0xBC30]  }
0x7d: {  	v63 =	vld [tilespmem:s23+$0xBC40]  }
0x7e: {  	v5 =	vld [tilespmem:s23+$0xBC50]  }
0x7f: {  	v6 =	vld [tilespmem:s23+$0xBC60]  }
0x80: {  	[tilespmem:s23+$0xA870] =	vst.add.f32.msk $0xffff, v0  }
0x81: {  	[tilespmem:s23+$0xA800] =	vst.add.f32.msk $0xffff, v1  }
0x82: {  	[tilespmem:s23+$0xA810] =	vst.add.f32.msk $0xffff, v2  }
0x83: {  	[tilespmem:s23+$0xA820] =	vst.add.f32.msk $0xffff, v3  }
.Ltmp9:
0x84: {  	s22 =	sadd.s32 s8, s22;
	[tilespmem:s23+$0xA830] =	vst.add.f32.msk $0xffff, v4;
	(pc) =	sbr.rel .LBB2_11-.Ltmp9, $4  }
0x85: {  	s22 =	smul.u32 $0x280, s22;
	[tilespmem:s23+$0xA840] =	vst.add.f32.msk $0xffff, v63  }
0x86: {  	[tilespmem:s23+$0xA850] =	vst.add.f32.msk $0xffff, v5  }
0x87: {  	s22 =	sadd.s32 s5, s22;
	[tilespmem:s23+$0xA860] =	vst.add.f32.msk $0xffff, v6  }
0x88: {  	[hbm4b:s22+s3] =	stream.linear.scatter [tilespmem:s16], [sflag:$0x4], $0x1400, $0x38;
	[tilespmem:$0xD000] =	vst v63  }
.LBB2_13:
0x89: {  	_ =	sfence.sel $0x180000  }
0x8a: {  	[bflag:$0x0] =	sbarrier.arrive $0xFFFF  }
0x8b: {  	p0 =	sne.s32 s2, $0x0;
	_ =	strace $0x90000047  }
0x8c: {  	s0 =	sadd.s32 @!p0 $0x100000, s0;
	[bflag:$0x2] =	sbarrier.arrive $0xFFFF  }
0x8d: {  	[sflag:s0] =	ssyncadd.tile.s32 @!p0 $0x1;
	_ =	shalt  }
.Lfunc_end2:
_tile_overlayer_lowered:
.L_overlay_start_2:
0x8e: {  	(tag) =	ssettag $0x2  }
0x8f: {  	s0 =	rddreg [dreg:$0x0];
	s2 =	stileid.u32  }
0x90: {  	s1 =	rddreg [dreg:$0x1];
	p0 =	sne.s32 s2, $0x0  }
0x91: {  	s3 =	rddreg [dreg:$0x2];
	[bflag:$0x3] =	sbarrier.arrive $0xFFFF;
	s2 =	simm.s32 @!p0 $0x1C05  }
0x92: {  	[timem:s3], [sflag:s2] =	dma.local @!p0 [hbm:s0], s1  }
0x93: {  	s0 =	simm.s32 @!p0 $0x5  }
0x94: {  	_ =	swait.ge @!p0 [sflag:s0], s1  }
0x95: {  	s1 =	ssub.s32 @!p0 $0x0, s1;
	[sflag:s0] =	ssyncset.done @!p0 $0x0  }
0x96: {  	[sflag:s0] =	ssyncadd.s32 @!p0 s1  }
0x97: {  	[bflag:$0x3] =	sbarrier.arrive $0xFFFF  }
0x98: {  	_ =	shalt  }

// kernel: kernel.19.cloned.1.call-start
scs
__scs_entry_jumppad:
0x0: {  	(pc) =	sbr.rel $0x88, $3  }
0x1: {  	(tag) =	ssettag $0x0;
	lr =	simm.s32 $0x1  }
0x2: {  	[smem:$0x3F96] =	sst lr;
	_ =	strace $0xD0000000  }
0x3: {  	_ = 	snop  }
0x4: {  	_ = 	snop  }
0x5: {  	_ = 	snop  }
0x6: {  	_ = 	snop  }
0x7: {  	_ = 	snop  }
__scs_overlays_trampoline_lowered:
0x8: {  	[smem:$0x3FA5] =	sst s0  }
0x9: {  	[smem:$0x3FA6] =	sst s1  }
0xa: {  	[smem:$0x3FA7] =	sst s2  }
0xb: {  	[smem:$0x3FA8] =	sst s3  }
0xc: {  	[smem:$0x3FA9] =	sst s4  }
0xd: {  	[smem:$0x3FAA] =	sst s5  }
0xe: {  	[smem:$0x3FAB] =	sst s6  }
0xf: {  	[smem:$0x3FAC] =	sst s7  }
0x10: {  	[smem:$0x3FAD] =	sst s8  }
0x11: {  	[smem:$0x3FAE] =	sst s9;
	s0 =	simm.s32 @!p0 $0x0  }
0x12: {  	s1 =	sld [smem:$0x3F94];
	s0 =	simm.s32 @p0 $0x1  }
0x13: {  	[smem:$0x3FAF] =	sst s0;
	s0 =	simm.s32 @!p1 $0x0  }
0x14: {  	s2 =	sld [smem:$0x3F93];
	s0 =	simm.s32 @p1 $0x1  }
0x15: {  	[smem:$0x3FB0] =	sst s0;
	s0 =	simm.s32 @!p2 $0x0  }
0x16: {  	s3 =	sld [smem:$0x3FDB];
	s0 =	simm.s32 @p2 $0x1  }
0x17: {  	s4 =	simm.s32 $0x1BF5;
	[smem:$0x3FB2] =	sst s0  }
0x18: {  	s0 =	sld [smem:$0x3F95];
	_ =	swait.ge [sflag:s4], $0x0  }
0x19: {  	s7 =	sld [smem:$0x3F96]  }
0x1a: {  	s8 =	sadd.s32 $0xFFFFE003, lr  }
0x1b: {  	s9 =	sadd.s32 $0xFFFFFEF7, lr;
	s5 =	simm.s32 $0xFFFFFFFF;
	p2 =	slt.u32 s8, $0xFFFFF086  }
0x1c: {  	p1 =	slt.u32 s9, $0xF7A;
	s5 =	simm.s32 @!p2 $0x0  }
0x1d: {  	s5 =	simm.s32 @p1 $0x1;
	p0 =	seq.s32 s7, s2  }
0x1e: {  	s7 =	smul.u32 @!p0 $0xF7A, s2;
	p2 =	seq.s32 @!p0 s5, $0x0  }
0x1f: {  	s9 =	smul.u32 $0xF7A, s1;
	s8 =	simm.s32 @!p0 $0x1BF5;
	p2 =	por !p2, p0  }
0x20: {  	[sflag:s8] =	ssyncset.s32 @!p0 $0xFFFFF086;
	s6 =	sadd.s32 @!p0 s3, s7;
	s7 =	simm.s32 @!p0 $0x108  }
0x21: {  	s3 =	sadd.s32 s3, s9;
	s6 =	sadd.s32 @!p0 $0x88, s6;
	s7 =	simm.s32 @p2 $0x1082  }
0x22: {  	[simem:s7], [sflag:s8] =	dma.local @!p0 [hbm:s6], $0xF7A  }
0x23: {  	s9 =	sor.u32 $0xD0000000, s2;
	s6 =	simm.s32 $0x108;
	_ =	swait.ge @!p0 [sflag:s8], $0x0  }
0x24: {  	s3 =	sadd.s32 $0x88, s3;
	s6 =	simm.s32 @!p1 $0x1082;
	[sflag:s4] =	ssyncset.s32 $0xFFFFF086  }
0x25: {  	[simem:s6], [sflag:s4] =	dma.local [hbm:s3], $0xF7A  }
0x26: {  	[smem:$0x3F96] =	sst s1;
	(tag) =	ssettag s2;
	_ =	strace s9  }
0x27: {  	s1 =	sld [smem:$0x3FA6]  }
0x28: {  	s2 =	sld [smem:$0x3FA7]  }
0x29: {  	s4 =	sld [smem:$0x3FA9]  }
0x2a: {  	p0 =	seq.s32 s5, $0x0;
	s5 =	sld [smem:$0x3FAA]  }
0x2b: {  	s6 =	sld [smem:$0x3FAB]  }
0x2c: {  	s7 =	sld [smem:$0x3FAC]  }
0x2d: {  	s3 =	simm.s32 $0x108;
	s8 =	sld [smem:$0x3FAD]  }
0x2e: {  	s3 =	simm.s32 @!p0 $0x1082;
	s9 =	sld [smem:$0x3FAE]  }
0x2f: {  	lr =	sadd.s32 s0, s3;
	s0 =	sld [smem:$0x3FA5]  }
0x30: {  	s3 =	sld [smem:$0x3FA8]  }
0x31: {  	[smem:$0x3FB1] =	sst s10  }
0x32: {  	s10 =	sld [smem:$0x3FAF];
	_ =	sdelay $0x3  }
0x33: {  	p0 =	seq.s32 s10, $0x1;
	s10 =	sld [smem:$0x3FB1];
	_ =	sdelay $0x3  }
0x34: {  	[smem:$0x3FB1] =	sst s10  }
0x35: {  	s10 =	sld [smem:$0x3FB0];
	_ =	sdelay $0x3  }
0x36: {  	p1 =	seq.s32 s10, $0x1;
	s10 =	sld [smem:$0x3FB1];
	_ =	sdelay $0x3  }
0x37: {  	[smem:$0x3FB1] =	sst s10  }
0x38: {  	s10 =	sld [smem:$0x3FB2]  }
0x39: {  	_ = 	snop;
	(pc) =	sbr.ind lr, $3  }
0x3a: {  	_ = 	snop  }
0x3b: {  	_ = 	snop  }
0x3c: {  	p2 =	seq.s32 s10, $0x1;
	s10 =	sld [smem:$0x3FB1]  }
0x3d: {  	_ =	shalt  }
0x3e: {  	_ =	shalt  }
0x3f: {  	_ =	shalt  }
0x40: {  	_ =	shalt  }
0x41: {  	_ =	shalt  }
0x42: {  	_ =	shalt  }
0x43: {  	_ =	shalt  }
0x44: {  	_ =	shalt  }
0x45: {  	_ =	shalt  }
0x46: {  	_ =	shalt  }
0x47: {  	_ =	shalt  }
0x48: {  	_ =	shalt  }
0x49: {  	_ =	shalt  }
0x4a: {  	_ =	shalt  }
0x4b: {  	_ =	shalt  }
0x4c: {  	_ =	shalt  }
0x4d: {  	_ =	shalt  }
0x4e: {  	_ =	shalt  }
0x4f: {  	_ =	shalt  }
0x50: {  	_ =	shalt  }
0x51: {  	_ =	shalt  }
0x52: {  	_ =	shalt  }
0x53: {  	_ =	shalt  }
0x54: {  	_ =	shalt  }
0x55: {  	_ =	shalt  }
0x56: {  	_ =	shalt  }
0x57: {  	_ =	shalt  }
0x58: {  	_ =	shalt  }
0x59: {  	_ =	shalt  }
0x5a: {  	_ =	shalt  }
0x5b: {  	_ =	shalt  }
0x5c: {  	_ =	shalt  }
0x5d: {  	_ =	shalt  }
0x5e: {  	_ =	shalt  }
0x5f: {  	_ =	shalt  }
0x60: {  	_ =	shalt  }
0x61: {  	_ =	shalt  }
0x62: {  	_ =	shalt  }
0x63: {  	_ =	shalt  }
0x64: {  	_ =	shalt  }
0x65: {  	_ =	shalt  }
0x66: {  	_ =	shalt  }
0x67: {  	_ =	shalt  }
0x68: {  	_ =	shalt  }
0x69: {  	_ =	shalt  }
0x6a: {  	_ =	shalt  }
0x6b: {  	_ =	shalt  }
0x6c: {  	_ =	shalt  }
0x6d: {  	_ =	shalt  }
0x6e: {  	_ =	shalt  }
0x6f: {  	_ =	shalt  }
0x70: {  	_ =	shalt  }
0x71: {  	_ =	shalt  }
0x72: {  	_ =	shalt  }
0x73: {  	_ =	shalt  }
0x74: {  	_ =	shalt  }
0x75: {  	_ =	shalt  }
0x76: {  	_ =	shalt  }
0x77: {  	_ =	shalt  }
0x78: {  	_ =	shalt  }
0x79: {  	_ =	shalt  }
0x7a: {  	_ =	shalt  }
0x7b: {  	_ =	shalt  }
0x7c: {  	_ =	shalt  }
0x7d: {  	_ =	shalt  }
0x7e: {  	_ =	shalt  }
0x7f: {  	_ =	shalt  }
0x80: {  	_ =	shalt  }
0x81: {  	_ =	shalt  }
0x82: {  	_ =	shalt  }
0x83: {  	_ =	shalt  }
0x84: {  	_ =	shalt  }
0x85: {  	_ =	shalt  }
0x86: {  	_ =	shalt  }
0x87: {  	_ =	shalt  }
.Lfunc_end0:
.L_simem_size_0:
called_computation.3_lowered:
.L_overlay_start_0:
0x88: {  	s2 =	sld [smem:$0x3FD9]  }
0x89: {  	s3 =	sld [smem:$0x3FFE];
	_ =	sdelay $0x1  }
0x8a: {  	s1 =	srdreg.scid  }
0x8b: {  	s0 =	sand.u32 $0x1, s1  }
0x8c: {  	s17 =	sshll.u32 s0, $0xA;
	s2 =	sadd.s32 s3, s2  }
0x8d: {  	s2 =	sadd.s32 s2, s17  }
0x8e: {  	[smem:$0x3FBD] =	sst s2  }
0x8f: {  	_ = 	snop  }
0x90: {  	(tm) =	ssettm $0x1  }
0x91: {  	s18 =	sld [smem:$0x3FFB];
	_ =	sdelay $0x3  }
0x92: {  	_ =	strace s18  }
0x93: {  	s2 =	sld [smem:$0x3FFC];
	_ =	sdelay $0x3  }
0x94: {  	_ =	strace s2  }
0x95: {  	s2 =	sld [smem:$0x3FFD];
	_ =	sdelay $0x3  }
0x96: {  	_ =	strace s2  }
0x97: {  	_ =	strace $0x8FFFFFFF  }
0x98: {  	s19 =	sld [smem:$0x3FDB];
	_ =	sdelay $0x1  }
0x99: {  	s20 =	simm.s32 $_scs_section_size  }
0x9a: {  	s4 =	simm.s32 $_size__tile_overlayer_lowered;
	s5 =	simm.s32 $_tile_overlayer_lowered  }
0x9b: {  	s6 =	simm.s32 $0x1BFF;
	s21 =	sshll.u32 s5, $0x1;
	s3 =	sadd.s32 s20, s19  }
0x9c: {  	s22 =	simm.s32 $0x0;
	s4 =	sshll.u32 s4, $0x1;
	s5 =	sadd.s32 s21, s3  }
0x9d: {  	[timem:s22], [sflag:s6] =	dma.local [hbm:s5], s4  }
0x9e: {  	_ =	swait.ge [sflag:s6], s4  }
0x9f: {  	s4 =	ssub.s32 $0x0, s4;
	[sflag:s6] =	ssyncset.done $0x0  }
0xa0: {  	[sflag:s6] =	ssyncadd.s32 s4;
	_ =	sdelay $0x1  }
0xa1: {  	s23 =	simm.s32 $0x1B8B  }
0xa2: {  	_ =	swait.ge [sflag:s23], $0x1  }
0xa3: {  	[sflag:s23] =	ssyncset.done $0x0  }
0xa4: {  	[sflag:s23] =	ssyncadd.s32 $0xFFFFFFFF  }
0xa5: {  	s4 =	sld [smem:$0x0]  }
0xa6: {  	s5 =	sand.u32 $0xFFFFFFFE, s1  }
0xa7: {  	p0 =	sne.s32 s1, s5  }
0xa8: {  	s5 =	sshll.u32 @p0 s5, $0xE  }
0xa9: {  	s5 =	sadd.s32 @p0 $0x11B8D, s5;
	s6 =	sshll.u32 @p0 s4, $0x11  }
0xaa: {  	s5 =	sor.u32 @p0 s6, s5  }
0xab: {  	[sflag:s5] =	ssyncadd.remote.s32 @p0 $0x1;
	_ =	sdelay $0x1  }
0xac: {  	s5 =	simm.s32 @p0 $0x1B8D  }
0xad: {  	_ =	swait.eq @p0 [sflag:s5], $0x1  }
0xae: {  	[sflag:s5] =	ssyncadd.s32 @p0 $0xFFFFFFFF  }
0xaf: {  	s6 =	sshll.u32 @!p0 s1, $0xE  }
0xb0: {  	s6 =	sor.u32 @!p0 $0x4000, s6;
	s5 =	simm.s32 @!p0 $0x1B8D  }
0xb1: {  	s4 =	sshll.u32 @!p0 s4, $0x11;
	s6 =	sadd.s32 @!p0 $0x11B8D, s6;
	_ =	swait.eq @!p0 [sflag:s5], $0x1  }
0xb2: {  	s4 =	sor.u32 @!p0 s4, s6;
	[sflag:s5] =	ssyncadd.s32 @!p0 $0xFFFFFFFF  }
0xb3: {  	s25 =	simm.s32 $0x1B8E;
	s24 =	sld [smem:$0x3FFE];
	[sflag:s4] =	ssyncadd.remote.s32 @!p0 $0x1  }
0xb4: {  	s26 =	simm.s32 $execute0_lowered;
	[smem:$0x3FD2] =	sst s25  }
0xb5: {  	s5 =	sshll.u32 s26, $0x1;
	_ =	strace $0x8000004C;
	[dreg:$0x1] =	wrdreg $0xFFFFFFFF  }
0xb6: {  	s28 =	simm.s32 $_size_execute0_lowered;
	s3 =	sadd.s32 s3, s5;
	[dreg:$0x0] =	wrdreg $0x0  }
0xb7: {  	s5 =	sshll.u32 s28, $0x1;
	[dreg:$0x2] =	wrdreg s3  }
0xb8: {  	[dreg:$0x3] =	wrdreg s5  }
0xb9: {  	[dreg:$0x4] =	wrdreg $0xC0  }
0xba: {  	_ =	task [dreg:s22], $0x5FFFF  }
0xbb: {  	[dreg:$0x1] =	wrdreg $0xFFFFFFFF  }
0xbc: {  	[dreg:$0x0] =	wrdreg $0x60  }
0xbd: {  	[dreg:$0x2] =	wrdreg s24  }
0xbe: {  	[dreg:$0x3] =	wrdreg $0xA4000  }
0xbf: {  	[dreg:$0x4] =	wrdreg $0xA  }
0xc0: {  	_ =	task.clear_ibuf [dreg:s22], $0x5FFFF;
	_ =	strace $0x9000004C  }
0xc1: {  	s29 =	simm.s32 $0xA;
	_ =	strace $0x8000004E  }
0xc2: {  	_ =	swait.ge [sflag:s29], $0x1  }
0xc3: {  	[sflag:s29] =	ssyncadd.s32 $0xFFFFFFFF  }
0xc4: {  	_ =	strace $0x9000004E  }
0xc5: {  	_ =	sfence  }
0xc6: {  	s30 =	sld [smem:$0x0];
	_ =	sdelay $0x2  }
0xc7: {  	s31 =	sshll.u32 s1, $0xD;
	s1 =	sshrl.u32 s1, $0x2  }
0xc8: {  	s4 =	sand.u32 $0x4000, s31;
	s1 =	sadd.s32 s1, s30  }
0xc9: {  	s0 =	sor.u32 s4, s0;
	s1 =	sshll.u32 s1, $0x11  }
0xca: {  	s0 =	sor.u32 s1, s0  }
0xcb: {  	s0 =	sadd.s32 $0x8F2B, s0  }
0xcc: {  	[sflag:s0] =	ssyncadd.remote.s32 $0x1  }
0xcd: {  	_ =	sfence.sel $0xFFFF  }
0xce: {  	[dreg:$0x0] =	wrdreg $0xFFFFFFFF;
	(pc) =	sbr.abs _section_cstart, $3  }
0xcf: {  	[dreg:$0x1] =	wrdreg $0xFFFFFFFF  }
0xd0: {  	_ =	task.clear_ibuf [dreg:s22], $0x2FFFF;
	_ =	strace $0x9FFFFFFF  }
0xd1: {  	(tm) =	ssettm $0x7FFFFFFF  }
tec
execute0_lowered:
.L_overlay_start_1:
0x0: {  	(tag) =	ssettag $0x1  }
0x1: {  	s1 =	stileid.u32  }
0x2: {  	s4 =	rddreg [dreg:$0x0];
	s6 =	smul.u32 $0x27100, s1  }
0x3: {  	s2 =	rddreg [dreg:$0x1];
	s19 =	smul.u32 $0x19000, s1  }
0x4: {  	s0 =	rddreg [dreg:$0x2];
	s8 =	sor.u32 $0x10, s1;
	s24 =	smul.u32 $0xC8, s1  }
0x5: {  	s5 =	srdreg.scid;
	s11 =	sor.u32 $0x20, s1;
	s9 =	smul.u32 $0x19000, s8  }
0x6: {  	s3 =	simm.s32 $0x0;
	s15 =	sor.u32 $0x30, s1;
	s14 =	smul.u32 $0x19000, s11  }
0x7: {  	s10 =	sand.u32 $0x1, s5;
	[smem:$0x7FF] =	sst s3;
	s17 =	smul.u32 $0x19000, s15  }
0x8: {  	s18 =	sshll.u32 s1, $0xC;
	s16 =	sadd.s32 $0x4A000, s4;
	s26 =	smul.u32 $0xC8, s8  }
0x9: {  	p0 =	sgt.u32 s1, $0x1;
	s7 =	sshll.u32 s10, $0xB;
	s11 =	smul.u32 $0xC8, s11  }
0xa: {  	_ =	strace $0x8000004D;
	s20 =	ssub.s32 $0x2, s10;
	s15 =	smul.u32 $0xC8, s15  }
0xb: {  	s29 =	smul.u32 $0x13880, s10;
	s12 =	sadd.s32 s6, s4;
	s5 =	sor.u32 s7, s18  }
0xc: {  	s13 =	sshrl.u32 s20, $0x1;
	s21 =	sshrl.u32 s19, $0x2;
	s18 =	smul.u32 $0x2710, s10  }
0xd: {  	s19 =	simm.s32 $0x6800;
	s5 =	sadd.s32 s5, s4;
	s13 =	ssub.s32 s20, s13  }
0xe: {  	s22 =	sshrl.u32 s9, $0x2;
	s23 =	sshrl.u32 s14, $0x2;
	s25 =	sshrl.u32 s17, $0x2  }
0xf: {  	s31 =	sadd.s32 s29, s12;
	s17 =	simm.s32 $0x28;
	s20 =	simm.s32 $0x7C00  }
0x10: {  	s4 =	sadd.s32 $0x12E00, s5;
	s5 =	sadd.s32 s21, s2;
	s6 =	sadd.s32 s22, s2  }
0x11: {  	s7 =	sadd.s32 s23, s2;
	s9 =	sadd.s32 s24, s18;
	s8 =	sadd.s32 s25, s2  }
0x12: {  	s28 =	sadd.s32 s18, s26;
	s11 =	sadd.s32 s18, s11;
	s30 =	sadd.s32 s18, s15  }
0x13: {  	s13 =	smax.u32 s13, $0x1;
	s15 =	simm.s32 $0x1;
	s18 =	simm.s32 $0x5400  }
0x14: {  	s21 =	simm.s32 $0x9000;
	s22 =	simm.s32 $0x0;
	s9 =	sshll.u32 s9, $0x4  }
0x15: {  	s14 =	sshll.u32 s28, $0x4;
	s11 =	sshll.u32 s11, $0x4;
	s9 =	sadd.s32 s16, s9  }
0x16: {  	s10 =	sadd.s32 s16, s14;
	s11 =	sadd.s32 s16, s11;
	s14 =	sshll.u32 s30, $0x4  }
0x17: {  	v0 =	vimm.f32 $0.0e+00;
	s12 =	sadd.s32 s16, s14;
	s14 =	sadd.s32 $0x2DB000, s31;
	s16 =	simm.s32 $0x4000  }
.LBB2_1:
0x18: {  	[tilespmem:s3], [sflag:$0x1] =	stream.linear.gather [hbm4b:s4+s3], $0x3E80, $0x38;
	[tilespmem:$0x1DC80] =	vst v63  }
0x19: {  	_ =	swait.ge [sflag:s15], $0x3E80  }
0x1a: {  	[sflag:s15] =	ssyncset.done $0x0  }
0x1b: {  	s23 =	simm.s32 $0x0;
	s24 =	simm.s32 $0x200;
	[sflag:s15] =	ssyncadd.s32 $0xFFFFC180  }
.LBB2_2:
0x1c: {  	p1 =	sne.s32 s24, $0x18E00;
	[tilespmem:s23+$0x4070] =	vst v0  }
0x1d: {  	[tilespmem:s23+$0x4000] =	vst v0  }
0x1e: {  	[tilespmem:s23+$0x4010] =	vst v0  }
.Ltmp0:
0x1f: {  	[tilespmem:s23+$0x4020] =	vst v0;
	(pc) =	sbr.rel @p1 .LBB2_2-.Ltmp0, $4  }
0x20: {  	[tilespmem:s23+$0x4030] =	vst v0  }
0x21: {  	[tilespmem:s23+$0x4040] =	vst v0  }
0x22: {  	[tilespmem:s23+$0x4050] =	vst v0  }
0x23: {  	[tilespmem:s23+$0x4060] =	vst v0;
	s23 =	sshra.s32 s24, $0x2;
	s24 =	sadd.s32 $0x200, s24  }
0x24: {  	[tilespmem:s23+$0x4070] =	vst v0  }
0x25: {  	[tilespmem:s23+$0x4000] =	vst v0  }
0x26: {  	[tilespmem:s23+$0x4010] =	vst v0  }
0x27: {  	[tilespmem:s23+$0x4020] =	vst v0  }
0x28: {  	[tilespmem:s23+$0x4030] =	vst v0  }
0x29: {  	[tilespmem:s23+$0x4040] =	vst v0  }
0x2a: {  	[tilespmem:s23+$0x4050] =	vst v0  }
0x2b: {  	[tilespmem:s23+$0x4060] =	vst v0  }
0x2c: {  	[spmem:s5] =	stream.linear.scatter [tilespmem:s16], [sflag:$0x1], $0x6400, $0x38;
	[tilespmem:$0x1DC80] =	vst v63  }
0x2d: {  	_ =	swait.ge [sflag:s15], $0x6400  }
0x2e: {  	[sflag:s15] =	ssyncset.done $0x0  }
0x2f: {  	[sflag:s15] =	ssyncadd.s32 $0xFFFF9C00  }
0x30: {  	[spmem:s6] =	stream.linear.scatter [tilespmem:s16], [sflag:$0x1], $0x6400, $0x38;
	[tilespmem:$0x1DC80] =	vst v63  }
0x31: {  	_ =	swait.ge [sflag:s15], $0x6400  }
0x32: {  	[sflag:s15] =	ssyncset.done $0x0  }
0x33: {  	[sflag:s15] =	ssyncadd.s32 $0xFFFF9C00  }
0x34: {  	[spmem:s7] =	stream.linear.scatter [tilespmem:s16], [sflag:$0x1], $0x6400, $0x38;
	[tilespmem:$0x1DC80] =	vst v63  }
0x35: {  	_ =	swait.ge [sflag:s15], $0x6400  }
0x36: {  	[sflag:s15] =	ssyncset.done $0x0  }
0x37: {  	s23 =	simm.s32 @!p0 $0x4000;
	[sflag:s15] =	ssyncadd.s32 $0xFFFF9C00  }
0x38: {  	[spmem:s8] =	stream.linear.scatter @!p0 [tilespmem:s23], [sflag:$0x1], $0x6400, $0x38;
	[tilespmem:$0x1DC80] =	vst v63  }
0x39: {  	s23 =	simm.s32 @!p0 $0x1  }
0x3a: {  	_ =	swait.ge @!p0 [sflag:s23], $0x6400  }
0x3b: {  	[sflag:s23] =	ssyncset.done @!p0 $0x0  }
0x3c: {  	[sflag:s23] =	ssyncadd.s32 @!p0 $0xFFFF9C00  }
0x3d: {  	[bflag:$0x0] =	sbarrier.arrive $0xFFFF  }
0x3e: {  	[tilespmem:s16], [sflag:$0x1] =	stream.linear.gather [hbm4b:s14+s3], $0x6400, $0x38;
	[tilespmem:$0x1DC80] =	vst v63  }
0x3f: {  	_ =	swait.ge [sflag:s15], $0x6400  }
0x40: {  	[sflag:s15] =	ssyncset.done $0x0  }
0x41: {  	s26 =	simm.s32 $0x0;
	[sflag:s15] =	ssyncadd.s32 $0xFFFF9C00  }
0x42: {  	[spmem:s2] =	stream.indirect.scatter.add.f32 [tilespmem:s16], [sflag:$0x1], $0x80, s26, s17, $0xb8;
	[tilespmem:$0x1DC80] =	vst v63  }
0x43: {  	_ =	swait.ge [sflag:s15], $0x1400  }
0x44: {  	[sflag:s15] =	ssyncset.done $0x0  }
0x45: {  	s28 =	simm.s32 $0x80;
	[sflag:s15] =	ssyncadd.s32 $0xFFFFEC00  }
0x46: {  	[spmem:s2] =	stream.indirect.scatter.add.f32 [tilespmem:s18], [sflag:$0x1], $0x80, s28, s17, $0xb8;
	[tilespmem:$0x1DC80] =	vst v63  }
0x47: {  	_ =	swait.ge [sflag:s15], $0x1400  }
0x48: {  	[sflag:s15] =	ssyncset.done $0x0  }
0x49: {  	s29 =	simm.s32 $0x100;
	[sflag:s15] =	ssyncadd.s32 $0xFFFFEC00  }
0x4a: {  	[spmem:s2] =	stream.indirect.scatter.add.f32 [tilespmem:s19], [sflag:$0x1], $0x80, s29, s17, $0xb8;
	[tilespmem:$0x1DC80] =	vst v63  }
0x4b: {  	_ =	swait.ge [sflag:s15], $0x1400  }
0x4c: {  	[sflag:s15] =	ssyncset.done $0x0  }
0x4d: {  	s30 =	simm.s32 $0x180;
	[sflag:s15] =	ssyncadd.s32 $0xFFFFEC00  }
0x4e: {  	[spmem:s2] =	stream.indirect.scatter.add.f32 [tilespmem:s20], [sflag:$0x1], $0x80, s30, s17, $0xb8;
	[tilespmem:$0x1DC80] =	vst v63  }
0x4f: {  	_ =	swait.ge [sflag:s15], $0x1400  }
0x50: {  	[sflag:s15] =	ssyncset.done $0x0  }
0x51: {  	s31 =	simm.s32 $0x200;
	[sflag:s15] =	ssyncadd.s32 $0xFFFFEC00  }
0x52: {  	[spmem:s2] =	stream.indirect.scatter.add.f32 [tilespmem:s21], [sflag:$0x1], $0x80, s31, s17, $0xb8;
	[tilespmem:$0x1DC80] =	vst v63  }
0x53: {  	_ =	swait.ge [sflag:s15], $0x1400  }
0x54: {  	s24 =	smov.u32 s14;
	s23 =	simm.s32 $0xA00;
	[sflag:s15] =	ssyncset.done $0x0  }
.LBB2_4:
0x55: {  	p1 =	sne.s32 s23, $0xF000;
	[sflag:s15] =	ssyncadd.s32 $0xFFFFEC00;
	s24 =	sadd.s32 $0xC80, s24  }
0x56: {  	[tilespmem:s16], [sflag:$0x1] =	stream.linear.gather [hbm4b:s24+s3], $0x6400, $0x38;
	[tilespmem:$0x1DC80] =	vst v63  }
0x57: {  	s25 =	smov.u32 s23;
	s23 =	sadd.s32 $0xA00, s23;
	_ =	swait.ge [sflag:s15], $0x6400  }
0x58: {  	[sflag:s15] =	ssyncset.done $0x0  }
0x59: {  	s25 =	sshra.s32 s25, $0x2;
	[sflag:s15] =	ssyncadd.s32 $0xFFFF9C00  }
0x5a: {  	[spmem:s2] =	stream.indirect.scatter.add.f32 [tilespmem:s16], [sflag:$0x1], $0x80, s25, s17, $0xb8;
	[tilespmem:$0x1DC80] =	vst v63  }
0x5b: {  	_ =	swait.ge [sflag:s15], $0x1400  }
0x5c: {  	[sflag:s15] =	ssyncset.done $0x0  }
0x5d: {  	s26 =	sadd.s32 $0x80, s25;
	[sflag:s15] =	ssyncadd.s32 $0xFFFFEC00  }
0x5e: {  	[spmem:s2] =	stream.indirect.scatter.add.f32 [tilespmem:s18], [sflag:$0x1], $0x80, s26, s17, $0xb8;
	[tilespmem:$0x1DC80] =	vst v63  }
0x5f: {  	_ =	swait.ge [sflag:s15], $0x1400  }
0x60: {  	[sflag:s15] =	ssyncset.done $0x0  }
0x61: {  	s26 =	sadd.s32 $0x100, s25;
	[sflag:s15] =	ssyncadd.s32 $0xFFFFEC00  }
0x62: {  	[spmem:s2] =	stream.indirect.scatter.add.f32 [tilespmem:s19], [sflag:$0x1], $0x80, s26, s17, $0xb8;
	[tilespmem:$0x1DC80] =	vst v63  }
0x63: {  	_ =	swait.ge [sflag:s15], $0x1400  }
0x64: {  	[sflag:s15] =	ssyncset.done $0x0  }
0x65: {  	s26 =	sadd.s32 $0x180, s25;
	[sflag:s15] =	ssyncadd.s32 $0xFFFFEC00  }
0x66: {  	[spmem:s2] =	stream.indirect.scatter.add.f32 [tilespmem:s20], [sflag:$0x1], $0x80, s26, s17, $0xb8;
	[tilespmem:$0x1DC80] =	vst v63  }
0x67: {  	_ =	swait.ge [sflag:s15], $0x1400  }
.Ltmp1:
0x68: {  	[sflag:s15] =	ssyncset.done $0x0;
	(pc) =	sbr.rel @p1 .LBB2_4-.Ltmp1, $4  }
0x69: {  	s25 =	sadd.s32 $0x200, s25;
	[sflag:s15] =	ssyncadd.s32 $0xFFFFEC00  }
0x6a: {  	[spmem:s2] =	stream.indirect.scatter.add.f32 [tilespmem:s21], [sflag:$0x1], $0x80, s25, s17, $0xb8;
	[tilespmem:$0x1DC80] =	vst v63  }
0x6b: {  	_ =	swait.ge [sflag:s15], $0x1400  }
0x6c: {  	[sflag:s15] =	ssyncset.done $0x0  }
0x6d: {  	[sflag:s15] =	ssyncadd.s32 $0xFFFFEC00;
	s23 =	sshll.u32 s1, $0x6  }
0x6e: {  	s24 =	sshrl.u32 s5, $0x3;
	[bflag:$0x0] =	sbarrier.arrive $0xFFFF;
	s23 =	sor.u32 $0x1C01, s23  }
0x6f: {  	[hbm:s9], [sflag:s23] =	dma.local [spmem:s24], $0xC80  }
0x70: {  	_ =	swait.ge [sflag:s15], $0xC80  }
0x71: {  	[sflag:s15] =	ssyncset.done $0x0  }
0x72: {  	s30 =	sshrl.u32 s6, $0x3;
	[sflag:s15] =	ssyncadd.s32 $0xFFFFF380  }
0x73: {  	[hbm:s10], [sflag:s23] =	dma.local [spmem:s30], $0xC80  }
0x74: {  	_ =	swait.ge [sflag:s15], $0xC80  }
0x75: {  	[sflag:s15] =	ssyncset.done $0x0  }
0x76: {  	s31 =	sshrl.u32 s7, $0x3;
	[sflag:s15] =	ssyncadd.s32 $0xFFFFF380  }
0x77: {  	[hbm:s11], [sflag:s23] =	dma.local [spmem:s31], $0xC80  }
0x78: {  	_ =	swait.ge [sflag:s15], $0xC80  }
0x79: {  	s22 =	sadd.s32 $0x1, s22;
	[sflag:s15] =	ssyncset.done $0x0  }
0x7a: {  	p1 =	sne.s32 s22, s13;
	s24 =	sshrl.u32 @!p0 s8, $0x3;
	[sflag:s15] =	ssyncadd.s32 $0xFFFFF380  }
0x7b: {  	[hbm:s12], [sflag:s23] =	dma.local @!p0 [spmem:s24], $0xC80  }
.Ltmp2:
0x7c: {  	_ = 	snop;
	(pc) =	sbr.rel @p1 .LBB2_1-.Ltmp2, $4  }
0x7d: {  	s23 =	simm.s32 @!p0 $0x1  }
0x7e: {  	_ =	swait.ge @!p0 [sflag:s23], $0xC80  }
0x7f: {  	[sflag:s23] =	ssyncset.done @!p0 $0x0  }
0x80: {  	[sflag:s23] =	ssyncadd.s32 @!p0 $0xFFFFF380  }
0x81: {  	_ =	sfence.sel $0x180000  }
0x82: {  	[bflag:$0x0] =	sbarrier.arrive $0xFFFF  }
0x83: {  	p0 =	sne.s32 s1, $0x0;
	_ =	strace $0x9000004D  }
0x84: {  	s0 =	sadd.s32 @!p0 $0x100000, s0;
	[bflag:$0x2] =	sbarrier.arrive $0xFFFF  }
0x85: {  	[sflag:s0] =	ssyncadd.tile.s32 @!p0 $0x1;
	_ =	shalt  }
.Lfunc_end2:
_tile_overlayer_lowered:
.L_overlay_start_2:
0x86: {  	(tag) =	ssettag $0x2  }
0x87: {  	s0 =	rddreg [dreg:$0x0];
	s2 =	stileid.u32  }
0x88: {  	s1 =	rddreg [dreg:$0x1];
	p0 =	sne.s32 s2, $0x0  }
0x89: {  	s3 =	rddreg [dreg:$0x2];
	[bflag:$0x3] =	sbarrier.arrive $0xFFFF;
	s2 =	simm.s32 @!p0 $0x1C01  }
0x8a: {  	[timem:s3], [sflag:s2] =	dma.local @!p0 [hbm:s0], s1  }
0x8b: {  	s0 =	simm.s32 @!p0 $0x1  }
0x8c: {  	_ =	swait.ge @!p0 [sflag:s0], s1  }
0x8d: {  	s1 =	ssub.s32 @!p0 $0x0, s1;
	[sflag:s0] =	ssyncset.done @!p0 $0x0  }
0x8e: {  	[sflag:s0] =	ssyncadd.s32 @!p0 s1  }
0x8f: {  	[bflag:$0x3] =	sbarrier.arrive $0xFFFF  }
0x90: {  	_ =	shalt  }

</sc_bundles>
